<compile_context>
chip_gen: v7x
topology: tpu7x:2x2x1
jax: 0.10.2.dev20260603
libtpu: 0.0.44.dev20260713+nightly
codegen_flags: <defaults>
</compile_context>

<pallas_src>
import jax
import jax.numpy as jnp
from jax import lax
from jax.experimental import pallas as pl
from jax.experimental.pallas import tpu as pltpu
from jax.experimental.pallas import tpu_sc as plsc

_M, _D, _B = 1000000, 64, 16384
_NC, _NS = 2, 16
_NW = _NC * _NS
_SUB_ROWS = 800
_NBLK = _M // _SUB_ROWS
_SUB_W = _SUB_ROWS * _D
_CB = 64
_NCHUNK = _B // _CB
_FLUSH = 256
_ABUF = _FLUSH + 64
_PC = 1024
_CAPH = _B * _D + _FLUSH + _PC


def _sc_body(idx_hbm, src_hbm, inp_hbm, res_hbm, pi_hbm, pv_hbm,
             idx_c, src_c, a_i, a_v, blk, p_i, p_v):
    wid = lax.axis_index("s") * _NC + lax.axis_index("c")
    lanes = lax.iota(jnp.int32, 16)
    wid_v = jnp.full((16,), wid, jnp.int32)

    def chunk_body(c, carry):
        pltpu.sync_copy(idx_hbm.at[pl.ds(c * _CB, _CB)], idx_c)
        pltpu.sync_copy(src_hbm.at[pl.ds(c * _CB, _CB)], src_c)

        def row_body(i, carry2):
            n, off = carry2
            for j in range(4):
                iv = idx_c[i, pl.ds(j * 16, 16)]
                sv = src_c[i, pl.ds(j * 16, 16)]
                bid = lax.div(iv, jnp.full((16,), _SUB_ROWS, jnp.int32))
                m = lax.rem(bid, jnp.full((16,), _NW, jnp.int32)) == wid_v
                flat = (lax.div(bid, jnp.full((16,), _NW, jnp.int32)) * _SUB_W
                        + (iv - bid * _SUB_ROWS) * _D + (j * 16 + lanes))
                ones = jnp.full((16,), 1, jnp.int32)
                zeros = jnp.full((16,), 0, jnp.int32)
                x = jnp.where(m, ones, zeros)
                for k in (1, 2, 4, 8):
                    g = jnp.maximum(lanes - k, zeros)
                    xs = x.at[g].get(mode="promise_in_bounds")
                    x = x + jnp.where(lanes >= k, xs, zeros)
                pos = jnp.full((16,), n, jnp.int32) + x - 1
                plsc.store_scatter(a_i, [pos], flat, mask=m)
                plsc.store_scatter(a_v, [pos], sv, mask=m)
                n = n + plsc.all_reduce_population_count(m)[0]

            def do_flush(c3):
                n3, off3 = c3
                dst = pl.multiple_of(wid * _CAPH + off3, 256)
                pltpu.sync_copy(a_i.at[pl.ds(0, _FLUSH)],
                                pi_hbm.at[pl.ds(dst, _FLUSH)])
                pltpu.sync_copy(a_v.at[pl.ds(0, _FLUSH)],
                                pv_hbm.at[pl.ds(dst, _FLUSH)])
                for t in range(4):
                    li = a_i[pl.ds(_FLUSH + t * 16, 16)]
                    lv = a_v[pl.ds(_FLUSH + t * 16, 16)]
                    a_i[pl.ds(t * 16, 16)] = li
                    a_v[pl.ds(t * 16, 16)] = lv
                return (n3 - _FLUSH, off3 + _FLUSH)

            return lax.cond(n >= _FLUSH, do_flush, lambda c3: c3, (n, off))

        return lax.fori_loop(0, _CB, row_body, carry)

    n, off = lax.fori_loop(0, _NCHUNK, chunk_body,
                           (jnp.int32(0), jnp.int32(0)))

    for t in range(_ABUF // 16):
        posv = t * 16 + lanes
        mj = posv >= jnp.full((16,), n, jnp.int32)
        a_i[pl.ds(t * 16, 16)] = jnp.where(mj, 0, a_i[pl.ds(t * 16, 16)])
        a_v[pl.ds(t * 16, 16)] = jnp.where(mj, 0.0, a_v[pl.ds(t * 16, 16)])
    dst = pl.multiple_of(wid * _CAPH + off, 256)
    pltpu.sync_copy(a_i.at[pl.ds(0, _FLUSH)], pi_hbm.at[pl.ds(dst, _FLUSH)])
    pltpu.sync_copy(a_v.at[pl.ds(0, _FLUSH)], pv_hbm.at[pl.ds(dst, _FLUSH)])
    total = off + _FLUSH

    nchunk2 = (total + _PC - 1) // _PC
    nblk_w = jnp.int32(_NBLK // _NW) + (wid < (_NBLK % _NW)).astype(jnp.int32)

    def sub_body(s, _):
        row0 = pl.multiple_of((s * _NW + wid) * _SUB_ROWS, 8)
        flat_lo = s * _SUB_W
        pltpu.sync_copy(inp_hbm.at[pl.ds(row0, _SUB_ROWS)], blk)

        def pchunk_body(ch, _2):
            src0 = pl.multiple_of(wid * _CAPH + ch * _PC, 256)
            pltpu.sync_copy(pi_hbm.at[pl.ds(src0, _PC)], p_i)
            pltpu.sync_copy(pv_hbm.at[pl.ds(src0, _PC)], p_v)

            def pvec_body(v, _3):
                fv = p_i[pl.ds(v * 16, 16)]
                vv = p_v[pl.ds(v * 16, 16)]
                gpos = jnp.full((16,), ch * _PC + v * 16, jnp.int32) + lanes
                flat_lo_v = jnp.full((16,), flat_lo, jnp.int32)
                m = ((fv >= flat_lo_v) & (fv < flat_lo_v + _SUB_W)
                     & (gpos < jnp.full((16,), total, jnp.int32)))
                q = jnp.where(m, fv - flat_lo_v, 0)
                r = lax.div(q, jnp.full((16,), _D, jnp.int32))
                cc = lax.rem(q, jnp.full((16,), _D, jnp.int32))
                for lane in range(16):
                    plsc.addupdate_scatter(blk, [r, cc], vv,
                                           mask=m & (lanes == lane))
                return 0

            return lax.fori_loop(0, _PC // 16, pvec_body, 0)

        lax.fori_loop(0, nchunk2, pchunk_body, 0)
        pltpu.sync_copy(blk, res_hbm.at[pl.ds(row0, _SUB_ROWS)])
        return 0

    lax.fori_loop(0, nblk_w, sub_body, 0)


@jax.jit
def _scatter_add(inp, index, src):
    mesh = plsc.VectorSubcoreMesh(core_axis_name="c", subcore_axis_name="s")
    fn = pl.kernel(
        _sc_body,
        out_type=(
            jax.ShapeDtypeStruct((_M, _D), jnp.float32),
            jax.ShapeDtypeStruct((_NW * _CAPH,), jnp.int32),
            jax.ShapeDtypeStruct((_NW * _CAPH,), jnp.float32),
        ),
        mesh=mesh,
        compiler_params=pltpu.CompilerParams(needs_layout_passes=False),
        scratch_types=[
            pltpu.VMEM((_CB, _D), jnp.int32),
            pltpu.VMEM((_CB, _D), jnp.float32),
            pltpu.VMEM((_ABUF,), jnp.int32),
            pltpu.VMEM((_ABUF,), jnp.float32),
            pltpu.VMEM((_SUB_ROWS, _D), jnp.float32),
            pltpu.VMEM((_PC,), jnp.int32),
            pltpu.VMEM((_PC,), jnp.float32),
        ],
    )
    res, _, _ = fn(index, src, inp)
    return res


def kernel(input, index, src, output):
    result = _scatter_add(input, index, src)
    return (input, index, src, result)

# --- scband reference (transcript-rebuilt; emitter-appended) ---
"""Pipeline reference for scband-scatter-reduce-op-44306882625553 (READ-ONLY COPY).

The authoritative reference and input builder live on the scoring server;
editing this copy changes nothing except your own understanding.
"""

import jax, jax.numpy as jnp
import numpy as np

M, D, B = 1000000, 64, 16384

def setup_inputs(seed: int = 0) -> dict:
    key = jax.random.key(seed)
    k1, k2, k3 = jax.random.split(key, 3)
    inp = jax.random.normal(k1, (M, D), dtype=jnp.float32)
    index = jax.random.randint(k2, (B, D), 0, M, dtype=jnp.int32)
    src = jax.random.normal(k3, (B, D), dtype=jnp.float32)
    output = jnp.zeros((M, D), dtype=jnp.float32)
    return {"input": inp, "index": index, "src": src, "output": output}

def reference(input, index, src, output):
    # torch scatter_reduce(dim=0, reduce='sum', include_self=True):
    # result[index[i, j], j] += src[i, j], starting from input (self included)
    cols = jnp.broadcast_to(jnp.arange(input.shape[1]), index.shape)
    result = input.at[index, cols].add(src)
    return (input, index, src, result)

if __name__ == "__main__":
    import jax
    _d = setup_inputs()
    print(jax.jit(kernel)(*tuple(_d.values())))

</pallas_src>

<mosaic_0001>
#map = affine_map<(d0, d1) -> (0, 0)>
#map1 = affine_map<(d0, d1) -> (0)>
module attributes {stable_mosaic.version = 14 : i64} {
  func.func @_sc_body(%arg0: i32, %arg1: i32, %arg2: memref<16384x64xi32, #tpu.memory_space<hbm>>, %arg3: memref<16384x64xf32, #tpu.memory_space<hbm>>, %arg4: memref<1000000x64xf32, #tpu.memory_space<hbm>>, %arg5: memref<1000000x64xf32, #tpu.memory_space<hbm>>, %arg6: memref<33595392xi32, #tpu.memory_space<hbm>>, %arg7: memref<33595392xf32, #tpu.memory_space<hbm>>, %arg8: memref<64x64xi32, #tpu.memory_space<vmem>>, %arg9: memref<64x64xf32, #tpu.memory_space<vmem>>, %arg10: memref<320xi32, #tpu.memory_space<vmem>>, %arg11: memref<320xf32, #tpu.memory_space<vmem>>, %arg12: memref<800x64xf32, #tpu.memory_space<vmem>>, %arg13: memref<1024xi32, #tpu.memory_space<vmem>>, %arg14: memref<1024xf32, #tpu.memory_space<vmem>>) attributes {dimension_semantics = [#tpu.dimension_semantics<core_parallel>, #tpu.dimension_semantics<subcore_parallel>], iteration_bounds = array<i64: 2, 16>, scalar_prefetch = 0 : i64, scratch_operands = 7 : i64, tpu.core_type = #tpu.core_type<sc_vector_subcore>, window_params = [{transform_indices = #map}, {transform_indices = #map}, {transform_indices = #map}, {transform_indices = #map}, {transform_indices = #map1}, {transform_indices = #map1}]} {
    %mul3A = arith.constant 2 : i32
    %mul3A_0 = arith.muli %arg1, %mul3A : i32
    %add3A = arith.addi %mul3A_0, %arg0 : i32
    %iota3A = tpu.iota {dimensions = array<i32: 0>} : vector<16xi32>
    %broadcast_in_dim3A = vector.broadcast %add3A : i32 to vector<16xi32>
    %scan3A = arith.constant 0 : i32
    %scan3A_1 = arith.constant 0 : i32
    %scan3A_2 = arith.constant 0 : i32
    %scan3A_3 = arith.constant 256 : i32
    %scan3A_4 = arith.addi %scan3A_2, %scan3A_3 : i32
    %scan3A_5 = arith.constant 1 : i32
    %scan3A_6:2 = scf.for %scan3A_424 = %scan3A_2 to %scan3A_4 step %scan3A_5 iter_args(%scan3A_425 = %scan3A, %scan3A_426 = %scan3A_1) -> (i32, i32)  : i32 {
      %mul3A_427 = arith.constant 64 : i32
      %mul3A_428 = arith.muli %scan3A_424, %mul3A_427 : i32
      "tpu.region"() ({
        %run_scoped3A = tpu.sem_alloc : memref<!tpu.dma_semaphore, #tpu.memory_space<semaphore_mem>>
        %dma_start3A = arith.constant 0 : i32
        %dma_start3A_437 = tpu.memref_slice %arg2[%mul3A_428, %dma_start3A] : memref<16384x64xi32, #tpu.memory_space<hbm>> -> memref<64x64xi32, #tpu.memory_space<hbm>>
        %dma_start3A_438 = arith.constant 0 : i32
        %dma_start3A_439 = tpu.memref_slice %arg2[%mul3A_428, %dma_start3A_438] : memref<16384x64xi32, #tpu.memory_space<hbm>> -> memref<64x64xi32, #tpu.memory_space<hbm>>
        tpu.enqueue_dma source(%dma_start3A_439 : memref<64x64xi32, #tpu.memory_space<hbm>>) target(%arg8 : memref<64x64xi32, #tpu.memory_space<vmem>>) target_semaphore(%run_scoped3A : memref<!tpu.dma_semaphore, #tpu.memory_space<semaphore_mem>>)
        %dma_wait3A = arith.constant 0 : i32
        %dma_wait3A_440 = tpu.memref_slice %arg2[%mul3A_428, %dma_wait3A] : memref<16384x64xi32, #tpu.memory_space<hbm>> -> memref<64x64xi32, #tpu.memory_space<hbm>>
        %dma_wait3A_441 = arith.constant 0 : i32
        %dma_wait3A_442 = tpu.memref_slice %arg2[%mul3A_428, %dma_wait3A_441] : memref<16384x64xi32, #tpu.memory_space<hbm>> -> memref<64x64xi32, #tpu.memory_space<hbm>>
        tpu.wait_dma2 semaphore(%run_scoped3A : memref<!tpu.dma_semaphore, #tpu.memory_space<semaphore_mem>>) src(%dma_wait3A_442 : memref<64x64xi32, #tpu.memory_space<hbm>>) dst(%arg8 : memref<64x64xi32, #tpu.memory_space<vmem>>)
        tpu.yield
      }) : () -> ()
      %mul3A_429 = arith.constant 64 : i32
      %mul3A_430 = arith.muli %scan3A_424, %mul3A_429 : i32
      "tpu.region"() ({
        %run_scoped3A = tpu.sem_alloc : memref<!tpu.dma_semaphore, #tpu.memory_space<semaphore_mem>>
        %dma_start3A = arith.constant 0 : i32
        %dma_start3A_437 = tpu.memref_slice %arg3[%mul3A_430, %dma_start3A] : memref<16384x64xf32, #tpu.memory_space<hbm>> -> memref<64x64xf32, #tpu.memory_space<hbm>>
        %dma_start3A_438 = arith.constant 0 : i32
        %dma_start3A_439 = tpu.memref_slice %arg3[%mul3A_430, %dma_start3A_438] : memref<16384x64xf32, #tpu.memory_space<hbm>> -> memref<64x64xf32, #tpu.memory_space<hbm>>
        tpu.enqueue_dma source(%dma_start3A_439 : memref<64x64xf32, #tpu.memory_space<hbm>>) target(%arg9 : memref<64x64xf32, #tpu.memory_space<vmem>>) target_semaphore(%run_scoped3A : memref<!tpu.dma_semaphore, #tpu.memory_space<semaphore_mem>>)
        %dma_wait3A = arith.constant 0 : i32
        %dma_wait3A_440 = tpu.memref_slice %arg3[%mul3A_430, %dma_wait3A] : memref<16384x64xf32, #tpu.memory_space<hbm>> -> memref<64x64xf32, #tpu.memory_space<hbm>>
        %dma_wait3A_441 = arith.constant 0 : i32
        %dma_wait3A_442 = tpu.memref_slice %arg3[%mul3A_430, %dma_wait3A_441] : memref<16384x64xf32, #tpu.memory_space<hbm>> -> memref<64x64xf32, #tpu.memory_space<hbm>>
        tpu.wait_dma2 semaphore(%run_scoped3A : memref<!tpu.dma_semaphore, #tpu.memory_space<semaphore_mem>>) src(%dma_wait3A_442 : memref<64x64xf32, #tpu.memory_space<hbm>>) dst(%arg9 : memref<64x64xf32, #tpu.memory_space<vmem>>)
        tpu.yield
      }) : () -> ()
      %scan3A_431 = arith.constant 0 : i32
      %scan3A_432 = arith.constant 64 : i32
      %scan3A_433 = arith.addi %scan3A_431, %scan3A_432 : i32
      %scan3A_434 = arith.constant 1 : i32
      %scan3A_435:2 = scf.for %scan3A_437 = %scan3A_431 to %scan3A_433 step %scan3A_434 iter_args(%scan3A_438 = %scan3A_425, %scan3A_439 = %scan3A_426) -> (i32, i32)  : i32 {
        %get3A_440 = arith.index_cast %scan3A_437 : i32 to index
        %get3A_441 = arith.constant 0 : index
        %get3A_442 = tpu.vector_load %arg8[%get3A_440, %get3A_441] {strides = array<i32>} : memref<64x64xi32, #tpu.memory_space<vmem>>, vector<16xi32>,
        %get3A_443 = arith.index_cast %scan3A_437 : i32 to index
        %get3A_444 = arith.constant 0 : index
        %get3A_445 = tpu.vector_load %arg9[%get3A_443, %get3A_444] {strides = array<i32>} : memref<64x64xf32, #tpu.memory_space<vmem>>, vector<16xf32>,
        %broadcast_in_dim3A_446 = arith.constant 800 : i32
        %broadcast_in_dim3A_447 = vector.broadcast %broadcast_in_dim3A_446 : i32 to vector<16xi32>
        %div3A_448 = arith.divsi %get3A_442, %broadcast_in_dim3A_447 : vector<16xi32>
        %broadcast_in_dim3A_449 = arith.constant 32 : i32
        %broadcast_in_dim3A_450 = vector.broadcast %broadcast_in_dim3A_449 : i32 to vector<16xi32>
        %rem3A_451 = arith.remsi %div3A_448, %broadcast_in_dim3A_450 : vector<16xi32>
        %eq3A = arith.cmpi eq, %rem3A_451, %broadcast_in_dim3A : vector<16xi32>
        %broadcast_in_dim3A_452 = arith.constant 32 : i32
        %broadcast_in_dim3A_453 = vector.broadcast %broadcast_in_dim3A_452 : i32 to vector<16xi32>
        %div3A_454 = arith.divsi %div3A_448, %broadcast_in_dim3A_453 : vector<16xi32>
        %mul3A_455 = arith.constant 51200 : i32
        %mul3A_456 = vector.broadcast %mul3A_455 : i32 to vector<16xi32>
        %mul3A_457 = arith.muli %div3A_454, %mul3A_456 : vector<16xi32>
        %mul3A_458 = arith.constant 800 : i32
        %mul3A_459 = vector.broadcast %mul3A_458 : i32 to vector<16xi32>
        %mul3A_460 = arith.muli %div3A_448, %mul3A_459 : vector<16xi32>
        %sub3A_461 = arith.subi %get3A_442, %mul3A_460 : vector<16xi32>
        %mul3A_462 = arith.constant 64 : i32
        %mul3A_463 = vector.broadcast %mul3A_462 : i32 to vector<16xi32>
        %mul3A_464 = arith.muli %sub3A_461, %mul3A_463 : vector<16xi32>
        %add3A_465 = arith.addi %mul3A_457, %mul3A_464 : vector<16xi32>
        %add3A_466 = arith.constant 0 : i32
        %add3A_467 = vector.broadcast %add3A_466 : i32 to vector<16xi32>
        %add3A_468 = arith.addi %add3A_467, %iota3A : vector<16xi32>
        %add3A_469 = arith.addi %add3A_465, %add3A_468 : vector<16xi32>
        %broadcast_in_dim3A_470 = arith.constant 1 : i32
        %broadcast_in_dim3A_471 = vector.broadcast %broadcast_in_dim3A_470 : i32 to vector<16xi32>
        %broadcast_in_dim3A_472 = arith.constant 0 : i32
        %broadcast_in_dim3A_473 = vector.broadcast %broadcast_in_dim3A_472 : i32 to vector<16xi32>
        %select_n3A_474 = arith.select %eq3A, %broadcast_in_dim3A_471, %broadcast_in_dim3A_473 : vector<16xi1>, vector<16xi32>
        %sub3A_475 = arith.constant 1 : i32
        %sub3A_476 = vector.broadcast %sub3A_475 : i32 to vector<16xi32>
        %sub3A_477 = arith.subi %iota3A, %sub3A_476 : vector<16xi32>
        %max3A = arith.maxsi %sub3A_477, %broadcast_in_dim3A_473 : vector<16xi32>
        %lt3A_478 = arith.constant 0 : i32
        %lt3A_479 = vector.broadcast %lt3A_478 : i32 to vector<16xi32>
        %lt3A_480 = arith.cmpi slt, %max3A, %lt3A_479 : vector<16xi32>
        %add3A_481 = arith.constant 16 : i32
        %add3A_482 = vector.broadcast %add3A_481 : i32 to vector<16xi32>
        %add3A_483 = arith.addi %max3A, %add3A_482 : vector<16xi32>
        %select_n3A_484 = arith.select %lt3A_480, %add3A_483, %max3A : vector<16xi1>, vector<16xi32>
        %broadcast_in_dim3A_485 = vector.shape_cast %select_n3A_484 : vector<16xi32> to vector<16x1xi32>
        %gather3A = vector.shape_cast %broadcast_in_dim3A_485 : vector<16x1xi32> to vector<16xi32>
        %gather3A_486 = tpu.dynamic_gather %select_n3A_474[%gather3A] in [0] : vector<16xi32>, vector<16xi32> -> vector<16xi32>
        %ge3A_487 = arith.constant 1 : i32
        %ge3A_488 = vector.broadcast %ge3A_487 : i32 to vector<16xi32>
        %ge3A_489 = arith.cmpi sge, %iota3A, %ge3A_488 : vector<16xi32>
        %select_n3A_490 = arith.select %ge3A_489, %gather3A_486, %broadcast_in_dim3A_473 : vector<16xi1>, vector<16xi32>
        %add3A_491 = arith.addi %select_n3A_474, %select_n3A_490 : vector<16xi32>
        %sub3A_492 = arith.constant 2 : i32
        %sub3A_493 = vector.broadcast %sub3A_492 : i32 to vector<16xi32>
        %sub3A_494 = arith.subi %iota3A, %sub3A_493 : vector<16xi32>
        %max3A_495 = arith.maxsi %sub3A_494, %broadcast_in_dim3A_473 : vector<16xi32>
        %lt3A_496 = arith.constant 0 : i32
        %lt3A_497 = vector.broadcast %lt3A_496 : i32 to vector<16xi32>
        %lt3A_498 = arith.cmpi slt, %max3A_495, %lt3A_497 : vector<16xi32>
        %add3A_499 = arith.constant 16 : i32
        %add3A_500 = vector.broadcast %add3A_499 : i32 to vector<16xi32>
        %add3A_501 = arith.addi %max3A_495, %add3A_500 : vector<16xi32>
        %select_n3A_502 = arith.select %lt3A_498, %add3A_501, %max3A_495 : vector<16xi1>, vector<16xi32>
        %broadcast_in_dim3A_503 = vector.shape_cast %select_n3A_502 : vector<16xi32> to vector<16x1xi32>
        %gather3A_504 = vector.shape_cast %broadcast_in_dim3A_503 : vector<16x1xi32> to vector<16xi32>
        %gather3A_505 = tpu.dynamic_gather %add3A_491[%gather3A_504] in [0] : vector<16xi32>, vector<16xi32> -> vector<16xi32>
        %ge3A_506 = arith.constant 2 : i32
        %ge3A_507 = vector.broadcast %ge3A_506 : i32 to vector<16xi32>
        %ge3A_508 = arith.cmpi sge, %iota3A, %ge3A_507 : vector<16xi32>
        %select_n3A_509 = arith.select %ge3A_508, %gather3A_505, %broadcast_in_dim3A_473 : vector<16xi1>, vector<16xi32>
        %add3A_510 = arith.addi %add3A_491, %select_n3A_509 : vector<16xi32>
        %sub3A_511 = arith.constant 4 : i32
        %sub3A_512 = vector.broadcast %sub3A_511 : i32 to vector<16xi32>
        %sub3A_513 = arith.subi %iota3A, %sub3A_512 : vector<16xi32>
        %max3A_514 = arith.maxsi %sub3A_513, %broadcast_in_dim3A_473 : vector<16xi32>
        %lt3A_515 = arith.constant 0 : i32
        %lt3A_516 = vector.broadcast %lt3A_515 : i32 to vector<16xi32>
        %lt3A_517 = arith.cmpi slt, %max3A_514, %lt3A_516 : vector<16xi32>
        %add3A_518 = arith.constant 16 : i32
        %add3A_519 = vector.broadcast %add3A_518 : i32 to vector<16xi32>
        %add3A_520 = arith.addi %max3A_514, %add3A_519 : vector<16xi32>
        %select_n3A_521 = arith.select %lt3A_517, %add3A_520, %max3A_514 : vector<16xi1>, vector<16xi32>
        %broadcast_in_dim3A_522 = vector.shape_cast %select_n3A_521 : vector<16xi32> to vector<16x1xi32>
        %gather3A_523 = vector.shape_cast %broadcast_in_dim3A_522 : vector<16x1xi32> to vector<16xi32>
        %gather3A_524 = tpu.dynamic_gather %add3A_510[%gather3A_523] in [0] : vector<16xi32>, vector<16xi32> -> vector<16xi32>
        %ge3A_525 = arith.constant 4 : i32
        %ge3A_526 = vector.broadcast %ge3A_525 : i32 to vector<16xi32>
        %ge3A_527 = arith.cmpi sge, %iota3A, %ge3A_526 : vector<16xi32>
        %select_n3A_528 = arith.select %ge3A_527, %gather3A_524, %broadcast_in_dim3A_473 : vector<16xi1>, vector<16xi32>
        %add3A_529 = arith.addi %add3A_510, %select_n3A_528 : vector<16xi32>
        %sub3A_530 = arith.constant 8 : i32
        %sub3A_531 = vector.broadcast %sub3A_530 : i32 to vector<16xi32>
        %sub3A_532 = arith.subi %iota3A, %sub3A_531 : vector<16xi32>
        %max3A_533 = arith.maxsi %sub3A_532, %broadcast_in_dim3A_473 : vector<16xi32>
        %lt3A_534 = arith.constant 0 : i32
        %lt3A_535 = vector.broadcast %lt3A_534 : i32 to vector<16xi32>
        %lt3A_536 = arith.cmpi slt, %max3A_533, %lt3A_535 : vector<16xi32>
        %add3A_537 = arith.constant 16 : i32
        %add3A_538 = vector.broadcast %add3A_537 : i32 to vector<16xi32>
        %add3A_539 = arith.addi %max3A_533, %add3A_538 : vector<16xi32>
        %select_n3A_540 = arith.select %lt3A_536, %add3A_539, %max3A_533 : vector<16xi1>, vector<16xi32>
        %broadcast_in_dim3A_541 = vector.shape_cast %select_n3A_540 : vector<16xi32> to vector<16x1xi32>
        %gather3A_542 = vector.shape_cast %broadcast_in_dim3A_541 : vector<16x1xi32> to vector<16xi32>
        %gather3A_543 = tpu.dynamic_gather %add3A_529[%gather3A_542] in [0] : vector<16xi32>, vector<16xi32> -> vector<16xi32>
        %ge3A_544 = arith.constant 8 : i32
        %ge3A_545 = vector.broadcast %ge3A_544 : i32 to vector<16xi32>
        %ge3A_546 = arith.cmpi sge, %iota3A, %ge3A_545 : vector<16xi32>
        %select_n3A_547 = arith.select %ge3A_546, %gather3A_543, %broadcast_in_dim3A_473 : vector<16xi1>, vector<16xi32>
        %add3A_548 = arith.addi %add3A_529, %select_n3A_547 : vector<16xi32>
        %broadcast_in_dim3A_549 = vector.broadcast %scan3A_438 : i32 to vector<16xi32>
        %add3A_550 = arith.addi %broadcast_in_dim3A_549, %add3A_548 : vector<16xi32>
        %sub3A_551 = arith.constant 1 : i32
        %sub3A_552 = vector.broadcast %sub3A_551 : i32 to vector<16xi32>
        %sub3A_553 = arith.subi %add3A_550, %sub3A_552 : vector<16xi32>
        tpu.vector_store_idx %arg10[%sub3A_553], %add3A_469 masked %eq3A : memref<320xi32, #tpu.memory_space<vmem>>[vector<16xi32>], vector<16xi32>, vector<16xi1>
        tpu.vector_store_idx %arg11[%sub3A_553], %get3A_445 masked %eq3A : memref<320xf32, #tpu.memory_space<vmem>>[vector<16xi32>], vector<16xf32>, vector<16xi1>
        %all_reduce_population_count3A = tpu.all_reduce %eq3A {dim = 0 : i64, kind = #tpu.reduction_kind<sum>} : vector<16xi1> -> vector<16xi32>
        %slice3A = vector.extract_strided_slice %all_reduce_population_count3A {offsets = [0], sizes = [1], strides = [1]} : vector<16xi32> to vector<1xi32>
        %squeeze3A = vector.extract %slice3A[0] : i32 from vector<1xi32>
        %add3A_554 = arith.addi %scan3A_438, %squeeze3A : i32
        %get3A_555 = arith.index_cast %scan3A_437 : i32 to index
        %get3A_556 = arith.constant 16 : index
        %get3A_557 = tpu.vector_load %arg8[%get3A_555, %get3A_556] {strides = array<i32>} : memref<64x64xi32, #tpu.memory_space<vmem>>, vector<16xi32>,
        %get3A_558 = arith.index_cast %scan3A_437 : i32 to index
        %get3A_559 = arith.constant 16 : index
        %get3A_560 = tpu.vector_load %arg9[%get3A_558, %get3A_559] {strides = array<i32>} : memref<64x64xf32, #tpu.memory_space<vmem>>, vector<16xf32>,
        %broadcast_in_dim3A_561 = arith.constant 800 : i32
        %broadcast_in_dim3A_562 = vector.broadcast %broadcast_in_dim3A_561 : i32 to vector<16xi32>
        %div3A_563 = arith.divsi %get3A_557, %broadcast_in_dim3A_562 : vector<16xi32>
        %broadcast_in_dim3A_564 = arith.constant 32 : i32
        %broadcast_in_dim3A_565 = vector.broadcast %broadcast_in_dim3A_564 : i32 to vector<16xi32>
        %rem3A_566 = arith.remsi %div3A_563, %broadcast_in_dim3A_565 : vector<16xi32>
        %eq3A_567 = arith.cmpi eq, %rem3A_566, %broadcast_in_dim3A : vector<16xi32>
        %broadcast_in_dim3A_568 = arith.constant 32 : i32
        %broadcast_in_dim3A_569 = vector.broadcast %broadcast_in_dim3A_568 : i32 to vector<16xi32>
        %div3A_570 = arith.divsi %div3A_563, %broadcast_in_dim3A_569 : vector<16xi32>
        %mul3A_571 = arith.constant 51200 : i32
        %mul3A_572 = vector.broadcast %mul3A_571 : i32 to vector<16xi32>
        %mul3A_573 = arith.muli %div3A_570, %mul3A_572 : vector<16xi32>
        %mul3A_574 = arith.constant 800 : i32
        %mul3A_575 = vector.broadcast %mul3A_574 : i32 to vector<16xi32>
        %mul3A_576 = arith.muli %div3A_563, %mul3A_575 : vector<16xi32>
        %sub3A_577 = arith.subi %get3A_557, %mul3A_576 : vector<16xi32>
        %mul3A_578 = arith.constant 64 : i32
        %mul3A_579 = vector.broadcast %mul3A_578 : i32 to vector<16xi32>
        %mul3A_580 = arith.muli %sub3A_577, %mul3A_579 : vector<16xi32>
        %add3A_581 = arith.addi %mul3A_573, %mul3A_580 : vector<16xi32>
        %add3A_582 = arith.constant 16 : i32
        %add3A_583 = vector.broadcast %add3A_582 : i32 to vector<16xi32>
        %add3A_584 = arith.addi %add3A_583, %iota3A : vector<16xi32>
        %add3A_585 = arith.addi %add3A_581, %add3A_584 : vector<16xi32>
        %broadcast_in_dim3A_586 = arith.constant 1 : i32
        %broadcast_in_dim3A_587 = vector.broadcast %broadcast_in_dim3A_586 : i32 to vector<16xi32>
        %broadcast_in_dim3A_588 = arith.constant 0 : i32
        %broadcast_in_dim3A_589 = vector.broadcast %broadcast_in_dim3A_588 : i32 to vector<16xi32>
        %select_n3A_590 = arith.select %eq3A_567, %broadcast_in_dim3A_587, %broadcast_in_dim3A_589 : vector<16xi1>, vector<16xi32>
        %sub3A_591 = arith.constant 1 : i32
        %sub3A_592 = vector.broadcast %sub3A_591 : i32 to vector<16xi32>
        %sub3A_593 = arith.subi %iota3A, %sub3A_592 : vector<16xi32>
        %max3A_594 = arith.maxsi %sub3A_593, %broadcast_in_dim3A_589 : vector<16xi32>
        %lt3A_595 = arith.constant 0 : i32
        %lt3A_596 = vector.broadcast %lt3A_595 : i32 to vector<16xi32>
        %lt3A_597 = arith.cmpi slt, %max3A_594, %lt3A_596 : vector<16xi32>
        %add3A_598 = arith.constant 16 : i32
        %add3A_599 = vector.broadcast %add3A_598 : i32 to vector<16xi32>
        %add3A_600 = arith.addi %max3A_594, %add3A_599 : vector<16xi32>
        %select_n3A_601 = arith.select %lt3A_597, %add3A_600, %max3A_594 : vector<16xi1>, vector<16xi32>
        %broadcast_in_dim3A_602 = vector.shape_cast %select_n3A_601 : vector<16xi32> to vector<16x1xi32>
        %gather3A_603 = vector.shape_cast %broadcast_in_dim3A_602 : vector<16x1xi32> to vector<16xi32>
        %gather3A_604 = tpu.dynamic_gather %select_n3A_590[%gather3A_603] in [0] : vector<16xi32>, vector<16xi32> -> vector<16xi32>
        %ge3A_605 = arith.constant 1 : i32
        %ge3A_606 = vector.broadcast %ge3A_605 : i32 to vector<16xi32>
        %ge3A_607 = arith.cmpi sge, %iota3A, %ge3A_606 : vector<16xi32>
        %select_n3A_608 = arith.select %ge3A_607, %gather3A_604, %broadcast_in_dim3A_589 : vector<16xi1>, vector<16xi32>
        %add3A_609 = arith.addi %select_n3A_590, %select_n3A_608 : vector<16xi32>
        %sub3A_610 = arith.constant 2 : i32
        %sub3A_611 = vector.broadcast %sub3A_610 : i32 to vector<16xi32>
        %sub3A_612 = arith.subi %iota3A, %sub3A_611 : vector<16xi32>
        %max3A_613 = arith.maxsi %sub3A_612, %broadcast_in_dim3A_589 : vector<16xi32>
        %lt3A_614 = arith.constant 0 : i32
        %lt3A_615 = vector.broadcast %lt3A_614 : i32 to vector<16xi32>
        %lt3A_616 = arith.cmpi slt, %max3A_613, %lt3A_615 : vector<16xi32>
        %add3A_617 = arith.constant 16 : i32
        %add3A_618 = vector.broadcast %add3A_617 : i32 to vector<16xi32>
        %add3A_619 = arith.addi %max3A_613, %add3A_618 : vector<16xi32>
        %select_n3A_620 = arith.select %lt3A_616, %add3A_619, %max3A_613 : vector<16xi1>, vector<16xi32>
        %broadcast_in_dim3A_621 = vector.shape_cast %select_n3A_620 : vector<16xi32> to vector<16x1xi32>
        %gather3A_622 = vector.shape_cast %broadcast_in_dim3A_621 : vector<16x1xi32> to vector<16xi32>
        %gather3A_623 = tpu.dynamic_gather %add3A_609[%gather3A_622] in [0] : vector<16xi32>, vector<16xi32> -> vector<16xi32>
        %ge3A_624 = arith.constant 2 : i32
        %ge3A_625 = vector.broadcast %ge3A_624 : i32 to vector<16xi32>
        %ge3A_626 = arith.cmpi sge, %iota3A, %ge3A_625 : vector<16xi32>
        %select_n3A_627 = arith.select %ge3A_626, %gather3A_623, %broadcast_in_dim3A_589 : vector<16xi1>, vector<16xi32>
        %add3A_628 = arith.addi %add3A_609, %select_n3A_627 : vector<16xi32>
        %sub3A_629 = arith.constant 4 : i32
        %sub3A_630 = vector.broadcast %sub3A_629 : i32 to vector<16xi32>
        %sub3A_631 = arith.subi %iota3A, %sub3A_630 : vector<16xi32>
        %max3A_632 = arith.maxsi %sub3A_631, %broadcast_in_dim3A_589 : vector<16xi32>
        %lt3A_633 = arith.constant 0 : i32
        %lt3A_634 = vector.broadcast %lt3A_633 : i32 to vector<16xi32>
        %lt3A_635 = arith.cmpi slt, %max3A_632, %lt3A_634 : vector<16xi32>
        %add3A_636 = arith.constant 16 : i32
        %add3A_637 = vector.broadcast %add3A_636 : i32 to vector<16xi32>
        %add3A_638 = arith.addi %max3A_632, %add3A_637 : vector<16xi32>
        %select_n3A_639 = arith.select %lt3A_635, %add3A_638, %max3A_632 : vector<16xi1>, vector<16xi32>
        %broadcast_in_dim3A_640 = vector.shape_cast %select_n3A_639 : vector<16xi32> to vector<16x1xi32>
        %gather3A_641 = vector.shape_cast %broadcast_in_dim3A_640 : vector<16x1xi32> to vector<16xi32>
        %gather3A_642 = tpu.dynamic_gather %add3A_628[%gather3A_641] in [0] : vector<16xi32>, vector<16xi32> -> vector<16xi32>
        %ge3A_643 = arith.constant 4 : i32
        %ge3A_644 = vector.broadcast %ge3A_643 : i32 to vector<16xi32>
        %ge3A_645 = arith.cmpi sge, %iota3A, %ge3A_644 : vector<16xi32>
        %select_n3A_646 = arith.select %ge3A_645, %gather3A_642, %broadcast_in_dim3A_589 : vector<16xi1>, vector<16xi32>
        %add3A_647 = arith.addi %add3A_628, %select_n3A_646 : vector<16xi32>
        %sub3A_648 = arith.constant 8 : i32
        %sub3A_649 = vector.broadcast %sub3A_648 : i32 to vector<16xi32>
        %sub3A_650 = arith.subi %iota3A, %sub3A_649 : vector<16xi32>
        %max3A_651 = arith.maxsi %sub3A_650, %broadcast_in_dim3A_589 : vector<16xi32>
        %lt3A_652 = arith.constant 0 : i32
        %lt3A_653 = vector.broadcast %lt3A_652 : i32 to vector<16xi32>
        %lt3A_654 = arith.cmpi slt, %max3A_651, %lt3A_653 : vector<16xi32>
        %add3A_655 = arith.constant 16 : i32
        %add3A_656 = vector.broadcast %add3A_655 : i32 to vector<16xi32>
        %add3A_657 = arith.addi %max3A_651, %add3A_656 : vector<16xi32>
        %select_n3A_658 = arith.select %lt3A_654, %add3A_657, %max3A_651 : vector<16xi1>, vector<16xi32>
        %broadcast_in_dim3A_659 = vector.shape_cast %select_n3A_658 : vector<16xi32> to vector<16x1xi32>
        %gather3A_660 = vector.shape_cast %broadcast_in_dim3A_659 : vector<16x1xi32> to vector<16xi32>
        %gather3A_661 = tpu.dynamic_gather %add3A_647[%gather3A_660] in [0] : vector<16xi32>, vector<16xi32> -> vector<16xi32>
        %ge3A_662 = arith.constant 8 : i32
        %ge3A_663 = vector.broadcast %ge3A_662 : i32 to vector<16xi32>
        %ge3A_664 = arith.cmpi sge, %iota3A, %ge3A_663 : vector<16xi32>
        %select_n3A_665 = arith.select %ge3A_664, %gather3A_661, %broadcast_in_dim3A_589 : vector<16xi1>, vector<16xi32>
        %add3A_666 = arith.addi %add3A_647, %select_n3A_665 : vector<16xi32>
        %broadcast_in_dim3A_667 = vector.broadcast %add3A_554 : i32 to vector<16xi32>
        %add3A_668 = arith.addi %broadcast_in_dim3A_667, %add3A_666 : vector<16xi32>
        %sub3A_669 = arith.constant 1 : i32
        %sub3A_670 = vector.broadcast %sub3A_669 : i32 to vector<16xi32>
        %sub3A_671 = arith.subi %add3A_668, %sub3A_670 : vector<16xi32>
        tpu.vector_store_idx %arg10[%sub3A_671], %add3A_585 masked %eq3A_567 : memref<320xi32, #tpu.memory_space<vmem>>[vector<16xi32>], vector<16xi32>, vector<16xi1>
        tpu.vector_store_idx %arg11[%sub3A_671], %get3A_560 masked %eq3A_567 : memref<320xf32, #tpu.memory_space<vmem>>[vector<16xi32>], vector<16xf32>, vector<16xi1>
        %all_reduce_population_count3A_672 = tpu.all_reduce %eq3A_567 {dim = 0 : i64, kind = #tpu.reduction_kind<sum>} : vector<16xi1> -> vector<16xi32>
        %slice3A_673 = vector.extract_strided_slice %all_reduce_population_count3A_672 {offsets = [0], sizes = [1], strides = [1]} : vector<16xi32> to vector<1xi32>
        %squeeze3A_674 = vector.extract %slice3A_673[0] : i32 from vector<1xi32>
        %add3A_675 = arith.addi %add3A_554, %squeeze3A_674 : i32
        %get3A_676 = arith.index_cast %scan3A_437 : i32 to index
        %get3A_677 = arith.constant 32 : index
        %get3A_678 = tpu.vector_load %arg8[%get3A_676, %get3A_677] {strides = array<i32>} : memref<64x64xi32, #tpu.memory_space<vmem>>, vector<16xi32>,
        %get3A_679 = arith.index_cast %scan3A_437 : i32 to index
        %get3A_680 = arith.constant 32 : index
        %get3A_681 = tpu.vector_load %arg9[%get3A_679, %get3A_680] {strides = array<i32>} : memref<64x64xf32, #tpu.memory_space<vmem>>, vector<16xf32>,
        %broadcast_in_dim3A_682 = arith.constant 800 : i32
        %broadcast_in_dim3A_683 = vector.broadcast %broadcast_in_dim3A_682 : i32 to vector<16xi32>
        %div3A_684 = arith.divsi %get3A_678, %broadcast_in_dim3A_683 : vector<16xi32>
        %broadcast_in_dim3A_685 = arith.constant 32 : i32
        %broadcast_in_dim3A_686 = vector.broadcast %broadcast_in_dim3A_685 : i32 to vector<16xi32>
        %rem3A_687 = arith.remsi %div3A_684, %broadcast_in_dim3A_686 : vector<16xi32>
        %eq3A_688 = arith.cmpi eq, %rem3A_687, %broadcast_in_dim3A : vector<16xi32>
        %broadcast_in_dim3A_689 = arith.constant 32 : i32
        %broadcast_in_dim3A_690 = vector.broadcast %broadcast_in_dim3A_689 : i32 to vector<16xi32>
        %div3A_691 = arith.divsi %div3A_684, %broadcast_in_dim3A_690 : vector<16xi32>
        %mul3A_692 = arith.constant 51200 : i32
        %mul3A_693 = vector.broadcast %mul3A_692 : i32 to vector<16xi32>
        %mul3A_694 = arith.muli %div3A_691, %mul3A_693 : vector<16xi32>
        %mul3A_695 = arith.constant 800 : i32
        %mul3A_696 = vector.broadcast %mul3A_695 : i32 to vector<16xi32>
        %mul3A_697 = arith.muli %div3A_684, %mul3A_696 : vector<16xi32>
        %sub3A_698 = arith.subi %get3A_678, %mul3A_697 : vector<16xi32>
        %mul3A_699 = arith.constant 64 : i32
        %mul3A_700 = vector.broadcast %mul3A_699 : i32 to vector<16xi32>
        %mul3A_701 = arith.muli %sub3A_698, %mul3A_700 : vector<16xi32>
        %add3A_702 = arith.addi %mul3A_694, %mul3A_701 : vector<16xi32>
        %add3A_703 = arith.constant 32 : i32
        %add3A_704 = vector.broadcast %add3A_703 : i32 to vector<16xi32>
        %add3A_705 = arith.addi %add3A_704, %iota3A : vector<16xi32>
        %add3A_706 = arith.addi %add3A_702, %add3A_705 : vector<16xi32>
        %broadcast_in_dim3A_707 = arith.constant 1 : i32
        %broadcast_in_dim3A_708 = vector.broadcast %broadcast_in_dim3A_707 : i32 to vector<16xi32>
        %broadcast_in_dim3A_709 = arith.constant 0 : i32
        %broadcast_in_dim3A_710 = vector.broadcast %broadcast_in_dim3A_709 : i32 to vector<16xi32>
        %select_n3A_711 = arith.select %eq3A_688, %broadcast_in_dim3A_708, %broadcast_in_dim3A_710 : vector<16xi1>, vector<16xi32>
        %sub3A_712 = arith.constant 1 : i32
        %sub3A_713 = vector.broadcast %sub3A_712 : i32 to vector<16xi32>
        %sub3A_714 = arith.subi %iota3A, %sub3A_713 : vector<16xi32>
        %max3A_715 = arith.maxsi %sub3A_714, %broadcast_in_dim3A_710 : vector<16xi32>
        %lt3A_716 = arith.constant 0 : i32
        %lt3A_717 = vector.broadcast %lt3A_716 : i32 to vector<16xi32>
        %lt3A_718 = arith.cmpi slt, %max3A_715, %lt3A_717 : vector<16xi32>
        %add3A_719 = arith.constant 16 : i32
        %add3A_720 = vector.broadcast %add3A_719 : i32 to vector<16xi32>
        %add3A_721 = arith.addi %max3A_715, %add3A_720 : vector<16xi32>
        %select_n3A_722 = arith.select %lt3A_718, %add3A_721, %max3A_715 : vector<16xi1>, vector<16xi32>
        %broadcast_in_dim3A_723 = vector.shape_cast %select_n3A_722 : vector<16xi32> to vector<16x1xi32>
        %gather3A_724 = vector.shape_cast %broadcast_in_dim3A_723 : vector<16x1xi32> to vector<16xi32>
        %gather3A_725 = tpu.dynamic_gather %select_n3A_711[%gather3A_724] in [0] : vector<16xi32>, vector<16xi32> -> vector<16xi32>
        %ge3A_726 = arith.constant 1 : i32
        %ge3A_727 = vector.broadcast %ge3A_726 : i32 to vector<16xi32>
        %ge3A_728 = arith.cmpi sge, %iota3A, %ge3A_727 : vector<16xi32>
        %select_n3A_729 = arith.select %ge3A_728, %gather3A_725, %broadcast_in_dim3A_710 : vector<16xi1>, vector<16xi32>
        %add3A_730 = arith.addi %select_n3A_711, %select_n3A_729 : vector<16xi32>
        %sub3A_731 = arith.constant 2 : i32
        %sub3A_732 = vector.broadcast %sub3A_731 : i32 to vector<16xi32>
        %sub3A_733 = arith.subi %iota3A, %sub3A_732 : vector<16xi32>
        %max3A_734 = arith.maxsi %sub3A_733, %broadcast_in_dim3A_710 : vector<16xi32>
        %lt3A_735 = arith.constant 0 : i32
        %lt3A_736 = vector.broadcast %lt3A_735 : i32 to vector<16xi32>
        %lt3A_737 = arith.cmpi slt, %max3A_734, %lt3A_736 : vector<16xi32>
        %add3A_738 = arith.constant 16 : i32
        %add3A_739 = vector.broadcast %add3A_738 : i32 to vector<16xi32>
        %add3A_740 = arith.addi %max3A_734, %add3A_739 : vector<16xi32>
        %select_n3A_741 = arith.select %lt3A_737, %add3A_740, %max3A_734 : vector<16xi1>, vector<16xi32>
        %broadcast_in_dim3A_742 = vector.shape_cast %select_n3A_741 : vector<16xi32> to vector<16x1xi32>
        %gather3A_743 = vector.shape_cast %broadcast_in_dim3A_742 : vector<16x1xi32> to vector<16xi32>
        %gather3A_744 = tpu.dynamic_gather %add3A_730[%gather3A_743] in [0] : vector<16xi32>, vector<16xi32> -> vector<16xi32>
        %ge3A_745 = arith.constant 2 : i32
        %ge3A_746 = vector.broadcast %ge3A_745 : i32 to vector<16xi32>
        %ge3A_747 = arith.cmpi sge, %iota3A, %ge3A_746 : vector<16xi32>
        %select_n3A_748 = arith.select %ge3A_747, %gather3A_744, %broadcast_in_dim3A_710 : vector<16xi1>, vector<16xi32>
        %add3A_749 = arith.addi %add3A_730, %select_n3A_748 : vector<16xi32>
        %sub3A_750 = arith.constant 4 : i32
        %sub3A_751 = vector.broadcast %sub3A_750 : i32 to vector<16xi32>
        %sub3A_752 = arith.subi %iota3A, %sub3A_751 : vector<16xi32>
        %max3A_753 = arith.maxsi %sub3A_752, %broadcast_in_dim3A_710 : vector<16xi32>
        %lt3A_754 = arith.constant 0 : i32
        %lt3A_755 = vector.broadcast %lt3A_754 : i32 to vector<16xi32>
        %lt3A_756 = arith.cmpi slt, %max3A_753, %lt3A_755 : vector<16xi32>
        %add3A_757 = arith.constant 16 : i32
        %add3A_758 = vector.broadcast %add3A_757 : i32 to vector<16xi32>
        %add3A_759 = arith.addi %max3A_753, %add3A_758 : vector<16xi32>
        %select_n3A_760 = arith.select %lt3A_756, %add3A_759, %max3A_753 : vector<16xi1>, vector<16xi32>
        %broadcast_in_dim3A_761 = vector.shape_cast %select_n3A_760 : vector<16xi32> to vector<16x1xi32>
        %gather3A_762 = vector.shape_cast %broadcast_in_dim3A_761 : vector<16x1xi32> to vector<16xi32>
        %gather3A_763 = tpu.dynamic_gather %add3A_749[%gather3A_762] in [0] : vector<16xi32>, vector<16xi32> -> vector<16xi32>
        %ge3A_764 = arith.constant 4 : i32
        %ge3A_765 = vector.broadcast %ge3A_764 : i32 to vector<16xi32>
        %ge3A_766 = arith.cmpi sge, %iota3A, %ge3A_765 : vector<16xi32>
        %select_n3A_767 = arith.select %ge3A_766, %gather3A_763, %broadcast_in_dim3A_710 : vector<16xi1>, vector<16xi32>
        %add3A_768 = arith.addi %add3A_749, %select_n3A_767 : vector<16xi32>
        %sub3A_769 = arith.constant 8 : i32
        %sub3A_770 = vector.broadcast %sub3A_769 : i32 to vector<16xi32>
        %sub3A_771 = arith.subi %iota3A, %sub3A_770 : vector<16xi32>
        %max3A_772 = arith.maxsi %sub3A_771, %broadcast_in_dim3A_710 : vector<16xi32>
        %lt3A_773 = arith.constant 0 : i32
        %lt3A_774 = vector.broadcast %lt3A_773 : i32 to vector<16xi32>
        %lt3A_775 = arith.cmpi slt, %max3A_772, %lt3A_774 : vector<16xi32>
        %add3A_776 = arith.constant 16 : i32
        %add3A_777 = vector.broadcast %add3A_776 : i32 to vector<16xi32>
        %add3A_778 = arith.addi %max3A_772, %add3A_777 : vector<16xi32>
        %select_n3A_779 = arith.select %lt3A_775, %add3A_778, %max3A_772 : vector<16xi1>, vector<16xi32>
        %broadcast_in_dim3A_780 = vector.shape_cast %select_n3A_779 : vector<16xi32> to vector<16x1xi32>
        %gather3A_781 = vector.shape_cast %broadcast_in_dim3A_780 : vector<16x1xi32> to vector<16xi32>
        %gather3A_782 = tpu.dynamic_gather %add3A_768[%gather3A_781] in [0] : vector<16xi32>, vector<16xi32> -> vector<16xi32>
        %ge3A_783 = arith.constant 8 : i32
        %ge3A_784 = vector.broadcast %ge3A_783 : i32 to vector<16xi32>
        %ge3A_785 = arith.cmpi sge, %iota3A, %ge3A_784 : vector<16xi32>
        %select_n3A_786 = arith.select %ge3A_785, %gather3A_782, %broadcast_in_dim3A_710 : vector<16xi1>, vector<16xi32>
        %add3A_787 = arith.addi %add3A_768, %select_n3A_786 : vector<16xi32>
        %broadcast_in_dim3A_788 = vector.broadcast %add3A_675 : i32 to vector<16xi32>
        %add3A_789 = arith.addi %broadcast_in_dim3A_788, %add3A_787 : vector<16xi32>
        %sub3A_790 = arith.constant 1 : i32
        %sub3A_791 = vector.broadcast %sub3A_790 : i32 to vector<16xi32>
        %sub3A_792 = arith.subi %add3A_789, %sub3A_791 : vector<16xi32>
        tpu.vector_store_idx %arg10[%sub3A_792], %add3A_706 masked %eq3A_688 : memref<320xi32, #tpu.memory_space<vmem>>[vector<16xi32>], vector<16xi32>, vector<16xi1>
        tpu.vector_store_idx %arg11[%sub3A_792], %get3A_681 masked %eq3A_688 : memref<320xf32, #tpu.memory_space<vmem>>[vector<16xi32>], vector<16xf32>, vector<16xi1>
        %all_reduce_population_count3A_793 = tpu.all_reduce %eq3A_688 {dim = 0 : i64, kind = #tpu.reduction_kind<sum>} : vector<16xi1> -> vector<16xi32>
        %slice3A_794 = vector.extract_strided_slice %all_reduce_population_count3A_793 {offsets = [0], sizes = [1], strides = [1]} : vector<16xi32> to vector<1xi32>
        %squeeze3A_795 = vector.extract %slice3A_794[0] : i32 from vector<1xi32>
        %add3A_796 = arith.addi %add3A_675, %squeeze3A_795 : i32
        %get3A_797 = arith.index_cast %scan3A_437 : i32 to index
        %get3A_798 = arith.constant 48 : index
        %get3A_799 = tpu.vector_load %arg8[%get3A_797, %get3A_798] {strides = array<i32>} : memref<64x64xi32, #tpu.memory_space<vmem>>, vector<16xi32>,
        %get3A_800 = arith.index_cast %scan3A_437 : i32 to index
        %get3A_801 = arith.constant 48 : index
        %get3A_802 = tpu.vector_load %arg9[%get3A_800, %get3A_801] {strides = array<i32>} : memref<64x64xf32, #tpu.memory_space<vmem>>, vector<16xf32>,
        %broadcast_in_dim3A_803 = arith.constant 800 : i32
        %broadcast_in_dim3A_804 = vector.broadcast %broadcast_in_dim3A_803 : i32 to vector<16xi32>
        %div3A_805 = arith.divsi %get3A_799, %broadcast_in_dim3A_804 : vector<16xi32>
        %broadcast_in_dim3A_806 = arith.constant 32 : i32
        %broadcast_in_dim3A_807 = vector.broadcast %broadcast_in_dim3A_806 : i32 to vector<16xi32>
        %rem3A_808 = arith.remsi %div3A_805, %broadcast_in_dim3A_807 : vector<16xi32>
        %eq3A_809 = arith.cmpi eq, %rem3A_808, %broadcast_in_dim3A : vector<16xi32>
        %broadcast_in_dim3A_810 = arith.constant 32 : i32
        %broadcast_in_dim3A_811 = vector.broadcast %broadcast_in_dim3A_810 : i32 to vector<16xi32>
        %div3A_812 = arith.divsi %div3A_805, %broadcast_in_dim3A_811 : vector<16xi32>
        %mul3A_813 = arith.constant 51200 : i32
        %mul3A_814 = vector.broadcast %mul3A_813 : i32 to vector<16xi32>
        %mul3A_815 = arith.muli %div3A_812, %mul3A_814 : vector<16xi32>
        %mul3A_816 = arith.constant 800 : i32
        %mul3A_817 = vector.broadcast %mul3A_816 : i32 to vector<16xi32>
        %mul3A_818 = arith.muli %div3A_805, %mul3A_817 : vector<16xi32>
        %sub3A_819 = arith.subi %get3A_799, %mul3A_818 : vector<16xi32>
        %mul3A_820 = arith.constant 64 : i32
        %mul3A_821 = vector.broadcast %mul3A_820 : i32 to vector<16xi32>
        %mul3A_822 = arith.muli %sub3A_819, %mul3A_821 : vector<16xi32>
        %add3A_823 = arith.addi %mul3A_815, %mul3A_822 : vector<16xi32>
        %add3A_824 = arith.constant 48 : i32
        %add3A_825 = vector.broadcast %add3A_824 : i32 to vector<16xi32>
        %add3A_826 = arith.addi %add3A_825, %iota3A : vector<16xi32>
        %add3A_827 = arith.addi %add3A_823, %add3A_826 : vector<16xi32>
        %broadcast_in_dim3A_828 = arith.constant 1 : i32
        %broadcast_in_dim3A_829 = vector.broadcast %broadcast_in_dim3A_828 : i32 to vector<16xi32>
        %broadcast_in_dim3A_830 = arith.constant 0 : i32
        %broadcast_in_dim3A_831 = vector.broadcast %broadcast_in_dim3A_830 : i32 to vector<16xi32>
        %select_n3A_832 = arith.select %eq3A_809, %broadcast_in_dim3A_829, %broadcast_in_dim3A_831 : vector<16xi1>, vector<16xi32>
        %sub3A_833 = arith.constant 1 : i32
        %sub3A_834 = vector.broadcast %sub3A_833 : i32 to vector<16xi32>
        %sub3A_835 = arith.subi %iota3A, %sub3A_834 : vector<16xi32>
        %max3A_836 = arith.maxsi %sub3A_835, %broadcast_in_dim3A_831 : vector<16xi32>
        %lt3A_837 = arith.constant 0 : i32
        %lt3A_838 = vector.broadcast %lt3A_837 : i32 to vector<16xi32>
        %lt3A_839 = arith.cmpi slt, %max3A_836, %lt3A_838 : vector<16xi32>
        %add3A_840 = arith.constant 16 : i32
        %add3A_841 = vector.broadcast %add3A_840 : i32 to vector<16xi32>
        %add3A_842 = arith.addi %max3A_836, %add3A_841 : vector<16xi32>
        %select_n3A_843 = arith.select %lt3A_839, %add3A_842, %max3A_836 : vector<16xi1>, vector<16xi32>
        %broadcast_in_dim3A_844 = vector.shape_cast %select_n3A_843 : vector<16xi32> to vector<16x1xi32>
        %gather3A_845 = vector.shape_cast %broadcast_in_dim3A_844 : vector<16x1xi32> to vector<16xi32>
        %gather3A_846 = tpu.dynamic_gather %select_n3A_832[%gather3A_845] in [0] : vector<16xi32>, vector<16xi32> -> vector<16xi32>
        %ge3A_847 = arith.constant 1 : i32
        %ge3A_848 = vector.broadcast %ge3A_847 : i32 to vector<16xi32>
        %ge3A_849 = arith.cmpi sge, %iota3A, %ge3A_848 : vector<16xi32>
        %select_n3A_850 = arith.select %ge3A_849, %gather3A_846, %broadcast_in_dim3A_831 : vector<16xi1>, vector<16xi32>
        %add3A_851 = arith.addi %select_n3A_832, %select_n3A_850 : vector<16xi32>
        %sub3A_852 = arith.constant 2 : i32
        %sub3A_853 = vector.broadcast %sub3A_852 : i32 to vector<16xi32>
        %sub3A_854 = arith.subi %iota3A, %sub3A_853 : vector<16xi32>
        %max3A_855 = arith.maxsi %sub3A_854, %broadcast_in_dim3A_831 : vector<16xi32>
        %lt3A_856 = arith.constant 0 : i32
        %lt3A_857 = vector.broadcast %lt3A_856 : i32 to vector<16xi32>
        %lt3A_858 = arith.cmpi slt, %max3A_855, %lt3A_857 : vector<16xi32>
        %add3A_859 = arith.constant 16 : i32
        %add3A_860 = vector.broadcast %add3A_859 : i32 to vector<16xi32>
        %add3A_861 = arith.addi %max3A_855, %add3A_860 : vector<16xi32>
        %select_n3A_862 = arith.select %lt3A_858, %add3A_861, %max3A_855 : vector<16xi1>, vector<16xi32>
        %broadcast_in_dim3A_863 = vector.shape_cast %select_n3A_862 : vector<16xi32> to vector<16x1xi32>
        %gather3A_864 = vector.shape_cast %broadcast_in_dim3A_863 : vector<16x1xi32> to vector<16xi32>
        %gather3A_865 = tpu.dynamic_gather %add3A_851[%gather3A_864] in [0] : vector<16xi32>, vector<16xi32> -> vector<16xi32>
        %ge3A_866 = arith.constant 2 : i32
        %ge3A_867 = vector.broadcast %ge3A_866 : i32 to vector<16xi32>
        %ge3A_868 = arith.cmpi sge, %iota3A, %ge3A_867 : vector<16xi32>
        %select_n3A_869 = arith.select %ge3A_868, %gather3A_865, %broadcast_in_dim3A_831 : vector<16xi1>, vector<16xi32>
        %add3A_870 = arith.addi %add3A_851, %select_n3A_869 : vector<16xi32>
        %sub3A_871 = arith.constant 4 : i32
        %sub3A_872 = vector.broadcast %sub3A_871 : i32 to vector<16xi32>
        %sub3A_873 = arith.subi %iota3A, %sub3A_872 : vector<16xi32>
        %max3A_874 = arith.maxsi %sub3A_873, %broadcast_in_dim3A_831 : vector<16xi32>
        %lt3A_875 = arith.constant 0 : i32
        %lt3A_876 = vector.broadcast %lt3A_875 : i32 to vector<16xi32>
        %lt3A_877 = arith.cmpi slt, %max3A_874, %lt3A_876 : vector<16xi32>
        %add3A_878 = arith.constant 16 : i32
        %add3A_879 = vector.broadcast %add3A_878 : i32 to vector<16xi32>
        %add3A_880 = arith.addi %max3A_874, %add3A_879 : vector<16xi32>
        %select_n3A_881 = arith.select %lt3A_877, %add3A_880, %max3A_874 : vector<16xi1>, vector<16xi32>
        %broadcast_in_dim3A_882 = vector.shape_cast %select_n3A_881 : vector<16xi32> to vector<16x1xi32>
        %gather3A_883 = vector.shape_cast %broadcast_in_dim3A_882 : vector<16x1xi32> to vector<16xi32>
        %gather3A_884 = tpu.dynamic_gather %add3A_870[%gather3A_883] in [0] : vector<16xi32>, vector<16xi32> -> vector<16xi32>
        %ge3A_885 = arith.constant 4 : i32
        %ge3A_886 = vector.broadcast %ge3A_885 : i32 to vector<16xi32>
        %ge3A_887 = arith.cmpi sge, %iota3A, %ge3A_886 : vector<16xi32>
        %select_n3A_888 = arith.select %ge3A_887, %gather3A_884, %broadcast_in_dim3A_831 : vector<16xi1>, vector<16xi32>
        %add3A_889 = arith.addi %add3A_870, %select_n3A_888 : vector<16xi32>
        %sub3A_890 = arith.constant 8 : i32
        %sub3A_891 = vector.broadcast %sub3A_890 : i32 to vector<16xi32>
        %sub3A_892 = arith.subi %iota3A, %sub3A_891 : vector<16xi32>
        %max3A_893 = arith.maxsi %sub3A_892, %broadcast_in_dim3A_831 : vector<16xi32>
        %lt3A_894 = arith.constant 0 : i32
        %lt3A_895 = vector.broadcast %lt3A_894 : i32 to vector<16xi32>
        %lt3A_896 = arith.cmpi slt, %max3A_893, %lt3A_895 : vector<16xi32>
        %add3A_897 = arith.constant 16 : i32
        %add3A_898 = vector.broadcast %add3A_897 : i32 to vector<16xi32>
        %add3A_899 = arith.addi %max3A_893, %add3A_898 : vector<16xi32>
        %select_n3A_900 = arith.select %lt3A_896, %add3A_899, %max3A_893 : vector<16xi1>, vector<16xi32>
        %broadcast_in_dim3A_901 = vector.shape_cast %select_n3A_900 : vector<16xi32> to vector<16x1xi32>
        %gather3A_902 = vector.shape_cast %broadcast_in_dim3A_901 : vector<16x1xi32> to vector<16xi32>
        %gather3A_903 = tpu.dynamic_gather %add3A_889[%gather3A_902] in [0] : vector<16xi32>, vector<16xi32> -> vector<16xi32>
        %ge3A_904 = arith.constant 8 : i32
        %ge3A_905 = vector.broadcast %ge3A_904 : i32 to vector<16xi32>
        %ge3A_906 = arith.cmpi sge, %iota3A, %ge3A_905 : vector<16xi32>
        %select_n3A_907 = arith.select %ge3A_906, %gather3A_903, %broadcast_in_dim3A_831 : vector<16xi1>, vector<16xi32>
        %add3A_908 = arith.addi %add3A_889, %select_n3A_907 : vector<16xi32>
        %broadcast_in_dim3A_909 = vector.broadcast %add3A_796 : i32 to vector<16xi32>
        %add3A_910 = arith.addi %broadcast_in_dim3A_909, %add3A_908 : vector<16xi32>
        %sub3A_911 = arith.constant 1 : i32
        %sub3A_912 = vector.broadcast %sub3A_911 : i32 to vector<16xi32>
        %sub3A_913 = arith.subi %add3A_910, %sub3A_912 : vector<16xi32>
        tpu.vector_store_idx %arg10[%sub3A_913], %add3A_827 masked %eq3A_809 : memref<320xi32, #tpu.memory_space<vmem>>[vector<16xi32>], vector<16xi32>, vector<16xi1>
        tpu.vector_store_idx %arg11[%sub3A_913], %get3A_802 masked %eq3A_809 : memref<320xf32, #tpu.memory_space<vmem>>[vector<16xi32>], vector<16xf32>, vector<16xi1>
        %all_reduce_population_count3A_914 = tpu.all_reduce %eq3A_809 {dim = 0 : i64, kind = #tpu.reduction_kind<sum>} : vector<16xi1> -> vector<16xi32>
        %slice3A_915 = vector.extract_strided_slice %all_reduce_population_count3A_914 {offsets = [0], sizes = [1], strides = [1]} : vector<16xi32> to vector<1xi32>
        %squeeze3A_916 = vector.extract %slice3A_915[0] : i32 from vector<1xi32>
        %add3A_917 = arith.addi %add3A_796, %squeeze3A_916 : i32
        %ge3A_918 = arith.constant 256 : i32
        %ge3A_919 = arith.cmpi sge, %add3A_917, %ge3A_918 : i32
        %convert_element_type3A_920 = arith.extui %ge3A_919 : i1 to i32
        %cond3A = arith.constant 0 : i32
        %cond3A_921 = arith.cmpi ne, %convert_element_type3A_920, %cond3A : i32
        %cond3A_922:2 = scf.if %cond3A_921 -> (i32, i32) {
          %mul3A_923 = arith.constant 1049856 : i32
          %mul3A_924 = arith.muli %add3A, %mul3A_923 : i32
          %add3A_925 = arith.addi %mul3A_924, %scan3A_439 : i32
          %multiple_of3A_926 = tpu.assume_multiple %add3A_925, 256 : i32
          "tpu.region"() ({
            %run_scoped3A = tpu.sem_alloc : memref<!tpu.dma_semaphore, #tpu.memory_space<semaphore_mem>>
            %dma_start3A = arith.constant 0 : i32
            %dma_start3A_963 = tpu.memref_slice %arg10[%dma_start3A] : memref<320xi32, #tpu.memory_space<vmem>> -> memref<256xi32, #tpu.memory_space<vmem>>
            %dma_start3A_964 = tpu.memref_slice %arg6[%multiple_of3A_926] : memref<33595392xi32, #tpu.memory_space<hbm>> -> memref<256xi32, #tpu.memory_space<hbm>>
            %dma_start3A_965 = tpu.memref_slice %arg6[%multiple_of3A_926] : memref<33595392xi32, #tpu.memory_space<hbm>> -> memref<256xi32, #tpu.memory_space<hbm>>
            %dma_start3A_966 = arith.constant 0 : i32
            %dma_start3A_967 = tpu.memref_slice %arg10[%dma_start3A_966] : memref<320xi32, #tpu.memory_space<vmem>> -> memref<256xi32, #tpu.memory_space<vmem>>
            tpu.enqueue_dma source(%dma_start3A_967 : memref<256xi32, #tpu.memory_space<vmem>>) target(%dma_start3A_965 : memref<256xi32, #tpu.memory_space<hbm>>) target_semaphore(%run_scoped3A : memref<!tpu.dma_semaphore, #tpu.memory_space<semaphore_mem>>)
            %dma_wait3A = arith.constant 0 : i32
            %dma_wait3A_968 = tpu.memref_slice %arg10[%dma_wait3A] : memref<320xi32, #tpu.memory_space<vmem>> -> memref<256xi32, #tpu.memory_space<vmem>>
            %dma_wait3A_969 = tpu.memref_slice %arg6[%multiple_of3A_926] : memref<33595392xi32, #tpu.memory_space<hbm>> -> memref<256xi32, #tpu.memory_space<hbm>>
            %dma_wait3A_970 = tpu.memref_slice %arg6[%multiple_of3A_926] : memref<33595392xi32, #tpu.memory_space<hbm>> -> memref<256xi32, #tpu.memory_space<hbm>>
            %dma_wait3A_971 = arith.constant 0 : i32
            %dma_wait3A_972 = tpu.memref_slice %arg10[%dma_wait3A_971] : memref<320xi32, #tpu.memory_space<vmem>> -> memref<256xi32, #tpu.memory_space<vmem>>
            tpu.wait_dma2 semaphore(%run_scoped3A : memref<!tpu.dma_semaphore, #tpu.memory_space<semaphore_mem>>) src(%dma_wait3A_972 : memref<256xi32, #tpu.memory_space<vmem>>) dst(%dma_wait3A_970 : memref<256xi32, #tpu.memory_space<hbm>>)
            tpu.yield
          }) : () -> ()
          "tpu.region"() ({
            %run_scoped3A = tpu.sem_alloc : memref<!tpu.dma_semaphore, #tpu.memory_space<semaphore_mem>>
            %dma_start3A = arith.constant 0 : i32
            %dma_start3A_963 = tpu.memref_slice %arg11[%dma_start3A] : memref<320xf32, #tpu.memory_space<vmem>> -> memref<256xf32, #tpu.memory_space<vmem>>
            %dma_start3A_964 = tpu.memref_slice %arg7[%multiple_of3A_926] : memref<33595392xf32, #tpu.memory_space<hbm>> -> memref<256xf32, #tpu.memory_space<hbm>>
            %dma_start3A_965 = tpu.memref_slice %arg7[%multiple_of3A_926] : memref<33595392xf32, #tpu.memory_space<hbm>> -> memref<256xf32, #tpu.memory_space<hbm>>
            %dma_start3A_966 = arith.constant 0 : i32
            %dma_start3A_967 = tpu.memref_slice %arg11[%dma_start3A_966] : memref<320xf32, #tpu.memory_space<vmem>> -> memref<256xf32, #tpu.memory_space<vmem>>
            tpu.enqueue_dma source(%dma_start3A_967 : memref<256xf32, #tpu.memory_space<vmem>>) target(%dma_start3A_965 : memref<256xf32, #tpu.memory_space<hbm>>) target_semaphore(%run_scoped3A : memref<!tpu.dma_semaphore, #tpu.memory_space<semaphore_mem>>)
            %dma_wait3A = arith.constant 0 : i32
            %dma_wait3A_968 = tpu.memref_slice %arg11[%dma_wait3A] : memref<320xf32, #tpu.memory_space<vmem>> -> memref<256xf32, #tpu.memory_space<vmem>>
            %dma_wait3A_969 = tpu.memref_slice %arg7[%multiple_of3A_926] : memref<33595392xf32, #tpu.memory_space<hbm>> -> memref<256xf32, #tpu.memory_space<hbm>>
            %dma_wait3A_970 = tpu.memref_slice %arg7[%multiple_of3A_926] : memref<33595392xf32, #tpu.memory_space<hbm>> -> memref<256xf32, #tpu.memory_space<hbm>>
            %dma_wait3A_971 = arith.constant 0 : i32
            %dma_wait3A_972 = tpu.memref_slice %arg11[%dma_wait3A_971] : memref<320xf32, #tpu.memory_space<vmem>> -> memref<256xf32, #tpu.memory_space<vmem>>
            tpu.wait_dma2 semaphore(%run_scoped3A : memref<!tpu.dma_semaphore, #tpu.memory_space<semaphore_mem>>) src(%dma_wait3A_972 : memref<256xf32, #tpu.memory_space<vmem>>) dst(%dma_wait3A_970 : memref<256xf32, #tpu.memory_space<hbm>>)
            tpu.yield
          }) : () -> ()
          %get3A_927 = arith.constant 256 : index
          %get3A_928 = tpu.vector_load %arg10[%get3A_927] {strides = array<i32>} : memref<320xi32, #tpu.memory_space<vmem>>, vector<16xi32>,
          %get3A_929 = arith.constant 256 : index
          %get3A_930 = tpu.vector_load %arg11[%get3A_929] {strides = array<i32>} : memref<320xf32, #tpu.memory_space<vmem>>, vector<16xf32>,
          %swap3A_931 = arith.constant 0 : index
          %swap3A_932 = tpu.vector_load %arg10[%swap3A_931] {strides = array<i32>} : memref<320xi32, #tpu.memory_space<vmem>>, vector<16xi32>,
          tpu.vector_store %arg10[%swap3A_931], %get3A_928 {strides = array<i32>} : memref<320xi32, #tpu.memory_space<vmem>>, vector<16xi32>,
          %swap3A_933 = arith.constant 0 : index
          %swap3A_934 = tpu.vector_load %arg11[%swap3A_933] {strides = array<i32>} : memref<320xf32, #tpu.memory_space<vmem>>, vector<16xf32>,
          tpu.vector_store %arg11[%swap3A_933], %get3A_930 {strides = array<i32>} : memref<320xf32, #tpu.memory_space<vmem>>, vector<16xf32>,
          %get3A_935 = arith.constant 272 : index
          %get3A_936 = tpu.vector_load %arg10[%get3A_935] {strides = array<i32>} : memref<320xi32, #tpu.memory_space<vmem>>, vector<16xi32>,
          %get3A_937 = arith.constant 272 : index
          %get3A_938 = tpu.vector_load %arg11[%get3A_937] {strides = array<i32>} : memref<320xf32, #tpu.memory_space<vmem>>, vector<16xf32>,
          %swap3A_939 = arith.constant 16 : index
          %swap3A_940 = tpu.vector_load %arg10[%swap3A_939] {strides = array<i32>} : memref<320xi32, #tpu.memory_space<vmem>>, vector<16xi32>,
          tpu.vector_store %arg10[%swap3A_939], %get3A_936 {strides = array<i32>} : memref<320xi32, #tpu.memory_space<vmem>>, vector<16xi32>,
          %swap3A_941 = arith.constant 16 : index
          %swap3A_942 = tpu.vector_load %arg11[%swap3A_941] {strides = array<i32>} : memref<320xf32, #tpu.memory_space<vmem>>, vector<16xf32>,
          tpu.vector_store %arg11[%swap3A_941], %get3A_938 {strides = array<i32>} : memref<320xf32, #tpu.memory_space<vmem>>, vector<16xf32>,
          %get3A_943 = arith.constant 288 : index
          %get3A_944 = tpu.vector_load %arg10[%get3A_943] {strides = array<i32>} : memref<320xi32, #tpu.memory_space<vmem>>, vector<16xi32>,
          %get3A_945 = arith.constant 288 : index
          %get3A_946 = tpu.vector_load %arg11[%get3A_945] {strides = array<i32>} : memref<320xf32, #tpu.memory_space<vmem>>, vector<16xf32>,
          %swap3A_947 = arith.constant 32 : index
          %swap3A_948 = tpu.vector_load %arg10[%swap3A_947] {strides = array<i32>} : memref<320xi32, #tpu.memory_space<vmem>>, vector<16xi32>,
          tpu.vector_store %arg10[%swap3A_947], %get3A_944 {strides = array<i32>} : memref<320xi32, #tpu.memory_space<vmem>>, vector<16xi32>,
          %swap3A_949 = arith.constant 32 : index
          %swap3A_950 = tpu.vector_load %arg11[%swap3A_949] {strides = array<i32>} : memref<320xf32, #tpu.memory_space<vmem>>, vector<16xf32>,
          tpu.vector_store %arg11[%swap3A_949], %get3A_946 {strides = array<i32>} : memref<320xf32, #tpu.memory_space<vmem>>, vector<16xf32>,
          %get3A_951 = arith.constant 304 : index
          %get3A_952 = tpu.vector_load %arg10[%get3A_951] {strides = array<i32>} : memref<320xi32, #tpu.memory_space<vmem>>, vector<16xi32>,
          %get3A_953 = arith.constant 304 : index
          %get3A_954 = tpu.vector_load %arg11[%get3A_953] {strides = array<i32>} : memref<320xf32, #tpu.memory_space<vmem>>, vector<16xf32>,
          %swap3A_955 = arith.constant 48 : index
          %swap3A_956 = tpu.vector_load %arg10[%swap3A_955] {strides = array<i32>} : memref<320xi32, #tpu.memory_space<vmem>>, vector<16xi32>,
          tpu.vector_store %arg10[%swap3A_955], %get3A_952 {strides = array<i32>} : memref<320xi32, #tpu.memory_space<vmem>>, vector<16xi32>,
          %swap3A_957 = arith.constant 48 : index
          %swap3A_958 = tpu.vector_load %arg11[%swap3A_957] {strides = array<i32>} : memref<320xf32, #tpu.memory_space<vmem>>, vector<16xf32>,
          tpu.vector_store %arg11[%swap3A_957], %get3A_954 {strides = array<i32>} : memref<320xf32, #tpu.memory_space<vmem>>, vector<16xf32>,
          %sub3A_959 = arith.constant 256 : i32
          %sub3A_960 = arith.subi %add3A_917, %sub3A_959 : i32
          %add3A_961 = arith.constant 256 : i32
          %add3A_962 = arith.addi %scan3A_439, %add3A_961 : i32
          scf.yield %sub3A_960, %add3A_962 : i32, i32
        } else {
          scf.yield %add3A_917, %scan3A_439 : i32, i32
        }
        scf.yield %cond3A_922#0, %cond3A_922#1 : i32, i32
      }
      %scan3A_436 = arith.constant 64 : i32
      scf.yield %scan3A_435#0, %scan3A_435#1 : i32, i32
    }
    %scan3A_7 = arith.constant 256 : i32
    %add3A_8 = arith.constant 0 : i32
    %add3A_9 = vector.broadcast %add3A_8 : i32 to vector<16xi32>
    %add3A_10 = arith.addi %add3A_9, %iota3A : vector<16xi32>
    %broadcast_in_dim3A_11 = vector.broadcast %scan3A_6#0 : i32 to vector<16xi32>
    %ge3A = arith.cmpi sge, %add3A_10, %broadcast_in_dim3A_11 : vector<16xi32>
    %get3A = arith.constant 0 : index
    %get3A_12 = tpu.vector_load %arg10[%get3A] {strides = array<i32>} : memref<320xi32, #tpu.memory_space<vmem>>, vector<16xi32>,
    %jit3A = arith.constant 0 : i32
    %broadcast_in_dim3A_13 = vector.broadcast %jit3A : i32 to vector<16xi32>
    %select_n3A = arith.select %ge3A, %broadcast_in_dim3A_13, %get3A_12 : vector<16xi1>, vector<16xi32>
    %swap3A = arith.constant 0 : index
    %swap3A_14 = tpu.vector_load %arg10[%swap3A] {strides = array<i32>} : memref<320xi32, #tpu.memory_space<vmem>>, vector<16xi32>,
    tpu.vector_store %arg10[%swap3A], %select_n3A {strides = array<i32>} : memref<320xi32, #tpu.memory_space<vmem>>, vector<16xi32>,
    %get3A_15 = arith.constant 0 : index
    %get3A_16 = tpu.vector_load %arg11[%get3A_15] {strides = array<i32>} : memref<320xf32, #tpu.memory_space<vmem>>, vector<16xf32>,
    %jit3A_17 = arith.constant 0.000000e+00 : f32
    %broadcast_in_dim3A_18 = vector.broadcast %jit3A_17 : f32 to vector<16xf32>
    %select_n3A_19 = arith.select %ge3A, %broadcast_in_dim3A_18, %get3A_16 : vector<16xi1>, vector<16xf32>
    %swap3A_20 = arith.constant 0 : index
    %swap3A_21 = tpu.vector_load %arg11[%swap3A_20] {strides = array<i32>} : memref<320xf32, #tpu.memory_space<vmem>>, vector<16xf32>,
    tpu.vector_store %arg11[%swap3A_20], %select_n3A_19 {strides = array<i32>} : memref<320xf32, #tpu.memory_space<vmem>>, vector<16xf32>,
    %add3A_22 = arith.constant 16 : i32
    %add3A_23 = vector.broadcast %add3A_22 : i32 to vector<16xi32>
    %add3A_24 = arith.addi %add3A_23, %iota3A : vector<16xi32>
    %broadcast_in_dim3A_25 = vector.broadcast %scan3A_6#0 : i32 to vector<16xi32>
    %ge3A_26 = arith.cmpi sge, %add3A_24, %broadcast_in_dim3A_25 : vector<16xi32>
    %get3A_27 = arith.constant 16 : index
    %get3A_28 = tpu.vector_load %arg10[%get3A_27] {strides = array<i32>} : memref<320xi32, #tpu.memory_space<vmem>>, vector<16xi32>,
    %jit3A_29 = arith.constant 0 : i32
    %broadcast_in_dim3A_30 = vector.broadcast %jit3A_29 : i32 to vector<16xi32>
    %select_n3A_31 = arith.select %ge3A_26, %broadcast_in_dim3A_30, %get3A_28 : vector<16xi1>, vector<16xi32>
    %swap3A_32 = arith.constant 16 : index
    %swap3A_33 = tpu.vector_load %arg10[%swap3A_32] {strides = array<i32>} : memref<320xi32, #tpu.memory_space<vmem>>, vector<16xi32>,
    tpu.vector_store %arg10[%swap3A_32], %select_n3A_31 {strides = array<i32>} : memref<320xi32, #tpu.memory_space<vmem>>, vector<16xi32>,
    %get3A_34 = arith.constant 16 : index
    %get3A_35 = tpu.vector_load %arg11[%get3A_34] {strides = array<i32>} : memref<320xf32, #tpu.memory_space<vmem>>, vector<16xf32>,
    %jit3A_36 = arith.constant 0.000000e+00 : f32
    %broadcast_in_dim3A_37 = vector.broadcast %jit3A_36 : f32 to vector<16xf32>
    %select_n3A_38 = arith.select %ge3A_26, %broadcast_in_dim3A_37, %get3A_35 : vector<16xi1>, vector<16xf32>
    %swap3A_39 = arith.constant 16 : index
    %swap3A_40 = tpu.vector_load %arg11[%swap3A_39] {strides = array<i32>} : memref<320xf32, #tpu.memory_space<vmem>>, vector<16xf32>,
    tpu.vector_store %arg11[%swap3A_39], %select_n3A_38 {strides = array<i32>} : memref<320xf32, #tpu.memory_space<vmem>>, vector<16xf32>,
    %add3A_41 = arith.constant 32 : i32
    %add3A_42 = vector.broadcast %add3A_41 : i32 to vector<16xi32>
    %add3A_43 = arith.addi %add3A_42, %iota3A : vector<16xi32>
    %broadcast_in_dim3A_44 = vector.broadcast %scan3A_6#0 : i32 to vector<16xi32>
    %ge3A_45 = arith.cmpi sge, %add3A_43, %broadcast_in_dim3A_44 : vector<16xi32>
    %get3A_46 = arith.constant 32 : index
    %get3A_47 = tpu.vector_load %arg10[%get3A_46] {strides = array<i32>} : memref<320xi32, #tpu.memory_space<vmem>>, vector<16xi32>,
    %jit3A_48 = arith.constant 0 : i32
    %broadcast_in_dim3A_49 = vector.broadcast %jit3A_48 : i32 to vector<16xi32>
    %select_n3A_50 = arith.select %ge3A_45, %broadcast_in_dim3A_49, %get3A_47 : vector<16xi1>, vector<16xi32>
    %swap3A_51 = arith.constant 32 : index
    %swap3A_52 = tpu.vector_load %arg10[%swap3A_51] {strides = array<i32>} : memref<320xi32, #tpu.memory_space<vmem>>, vector<16xi32>,
    tpu.vector_store %arg10[%swap3A_51], %select_n3A_50 {strides = array<i32>} : memref<320xi32, #tpu.memory_space<vmem>>, vector<16xi32>,
    %get3A_53 = arith.constant 32 : index
    %get3A_54 = tpu.vector_load %arg11[%get3A_53] {strides = array<i32>} : memref<320xf32, #tpu.memory_space<vmem>>, vector<16xf32>,
    %jit3A_55 = arith.constant 0.000000e+00 : f32
    %broadcast_in_dim3A_56 = vector.broadcast %jit3A_55 : f32 to vector<16xf32>
    %select_n3A_57 = arith.select %ge3A_45, %broadcast_in_dim3A_56, %get3A_54 : vector<16xi1>, vector<16xf32>
    %swap3A_58 = arith.constant 32 : index
    %swap3A_59 = tpu.vector_load %arg11[%swap3A_58] {strides = array<i32>} : memref<320xf32, #tpu.memory_space<vmem>>, vector<16xf32>,
    tpu.vector_store %arg11[%swap3A_58], %select_n3A_57 {strides = array<i32>} : memref<320xf32, #tpu.memory_space<vmem>>, vector<16xf32>,
    %add3A_60 = arith.constant 48 : i32
    %add3A_61 = vector.broadcast %add3A_60 : i32 to vector<16xi32>
    %add3A_62 = arith.addi %add3A_61, %iota3A : vector<16xi32>
    %broadcast_in_dim3A_63 = vector.broadcast %scan3A_6#0 : i32 to vector<16xi32>
    %ge3A_64 = arith.cmpi sge, %add3A_62, %broadcast_in_dim3A_63 : vector<16xi32>
    %get3A_65 = arith.constant 48 : index
    %get3A_66 = tpu.vector_load %arg10[%get3A_65] {strides = array<i32>} : memref<320xi32, #tpu.memory_space<vmem>>, vector<16xi32>,
    %jit3A_67 = arith.constant 0 : i32
    %broadcast_in_dim3A_68 = vector.broadcast %jit3A_67 : i32 to vector<16xi32>
    %select_n3A_69 = arith.select %ge3A_64, %broadcast_in_dim3A_68, %get3A_66 : vector<16xi1>, vector<16xi32>
    %swap3A_70 = arith.constant 48 : index
    %swap3A_71 = tpu.vector_load %arg10[%swap3A_70] {strides = array<i32>} : memref<320xi32, #tpu.memory_space<vmem>>, vector<16xi32>,
    tpu.vector_store %arg10[%swap3A_70], %select_n3A_69 {strides = array<i32>} : memref<320xi32, #tpu.memory_space<vmem>>, vector<16xi32>,
    %get3A_72 = arith.constant 48 : index
    %get3A_73 = tpu.vector_load %arg11[%get3A_72] {strides = array<i32>} : memref<320xf32, #tpu.memory_space<vmem>>, vector<16xf32>,
    %jit3A_74 = arith.constant 0.000000e+00 : f32
    %broadcast_in_dim3A_75 = vector.broadcast %jit3A_74 : f32 to vector<16xf32>
    %select_n3A_76 = arith.select %ge3A_64, %broadcast_in_dim3A_75, %get3A_73 : vector<16xi1>, vector<16xf32>
    %swap3A_77 = arith.constant 48 : index
    %swap3A_78 = tpu.vector_load %arg11[%swap3A_77] {strides = array<i32>} : memref<320xf32, #tpu.memory_space<vmem>>, vector<16xf32>,
    tpu.vector_store %arg11[%swap3A_77], %select_n3A_76 {strides = array<i32>} : memref<320xf32, #tpu.memory_space<vmem>>, vector<16xf32>,
    %add3A_79 = arith.constant 64 : i32
    %add3A_80 = vector.broadcast %add3A_79 : i32 to vector<16xi32>
    %add3A_81 = arith.addi %add3A_80, %iota3A : vector<16xi32>
    %broadcast_in_dim3A_82 = vector.broadcast %scan3A_6#0 : i32 to vector<16xi32>
    %ge3A_83 = arith.cmpi sge, %add3A_81, %broadcast_in_dim3A_82 : vector<16xi32>
    %get3A_84 = arith.constant 64 : index
    %get3A_85 = tpu.vector_load %arg10[%get3A_84] {strides = array<i32>} : memref<320xi32, #tpu.memory_space<vmem>>, vector<16xi32>,
    %jit3A_86 = arith.constant 0 : i32
    %broadcast_in_dim3A_87 = vector.broadcast %jit3A_86 : i32 to vector<16xi32>
    %select_n3A_88 = arith.select %ge3A_83, %broadcast_in_dim3A_87, %get3A_85 : vector<16xi1>, vector<16xi32>
    %swap3A_89 = arith.constant 64 : index
    %swap3A_90 = tpu.vector_load %arg10[%swap3A_89] {strides = array<i32>} : memref<320xi32, #tpu.memory_space<vmem>>, vector<16xi32>,
    tpu.vector_store %arg10[%swap3A_89], %select_n3A_88 {strides = array<i32>} : memref<320xi32, #tpu.memory_space<vmem>>, vector<16xi32>,
    %get3A_91 = arith.constant 64 : index
    %get3A_92 = tpu.vector_load %arg11[%get3A_91] {strides = array<i32>} : memref<320xf32, #tpu.memory_space<vmem>>, vector<16xf32>,
    %jit3A_93 = arith.constant 0.000000e+00 : f32
    %broadcast_in_dim3A_94 = vector.broadcast %jit3A_93 : f32 to vector<16xf32>
    %select_n3A_95 = arith.select %ge3A_83, %broadcast_in_dim3A_94, %get3A_92 : vector<16xi1>, vector<16xf32>
    %swap3A_96 = arith.constant 64 : index
    %swap3A_97 = tpu.vector_load %arg11[%swap3A_96] {strides = array<i32>} : memref<320xf32, #tpu.memory_space<vmem>>, vector<16xf32>,
    tpu.vector_store %arg11[%swap3A_96], %select_n3A_95 {strides = array<i32>} : memref<320xf32, #tpu.memory_space<vmem>>, vector<16xf32>,
    %add3A_98 = arith.constant 80 : i32
    %add3A_99 = vector.broadcast %add3A_98 : i32 to vector<16xi32>
    %add3A_100 = arith.addi %add3A_99, %iota3A : vector<16xi32>
    %broadcast_in_dim3A_101 = vector.broadcast %scan3A_6#0 : i32 to vector<16xi32>
    %ge3A_102 = arith.cmpi sge, %add3A_100, %broadcast_in_dim3A_101 : vector<16xi32>
    %get3A_103 = arith.constant 80 : index
    %get3A_104 = tpu.vector_load %arg10[%get3A_103] {strides = array<i32>} : memref<320xi32, #tpu.memory_space<vmem>>, vector<16xi32>,
    %jit3A_105 = arith.constant 0 : i32
    %broadcast_in_dim3A_106 = vector.broadcast %jit3A_105 : i32 to vector<16xi32>
    %select_n3A_107 = arith.select %ge3A_102, %broadcast_in_dim3A_106, %get3A_104 : vector<16xi1>, vector<16xi32>
    %swap3A_108 = arith.constant 80 : index
    %swap3A_109 = tpu.vector_load %arg10[%swap3A_108] {strides = array<i32>} : memref<320xi32, #tpu.memory_space<vmem>>, vector<16xi32>,
    tpu.vector_store %arg10[%swap3A_108], %select_n3A_107 {strides = array<i32>} : memref<320xi32, #tpu.memory_space<vmem>>, vector<16xi32>,
    %get3A_110 = arith.constant 80 : index
    %get3A_111 = tpu.vector_load %arg11[%get3A_110] {strides = array<i32>} : memref<320xf32, #tpu.memory_space<vmem>>, vector<16xf32>,
    %jit3A_112 = arith.constant 0.000000e+00 : f32
    %broadcast_in_dim3A_113 = vector.broadcast %jit3A_112 : f32 to vector<16xf32>
    %select_n3A_114 = arith.select %ge3A_102, %broadcast_in_dim3A_113, %get3A_111 : vector<16xi1>, vector<16xf32>
    %swap3A_115 = arith.constant 80 : index
    %swap3A_116 = tpu.vector_load %arg11[%swap3A_115] {strides = array<i32>} : memref<320xf32, #tpu.memory_space<vmem>>, vector<16xf32>,
    tpu.vector_store %arg11[%swap3A_115], %select_n3A_114 {strides = array<i32>} : memref<320xf32, #tpu.memory_space<vmem>>, vector<16xf32>,
    %add3A_117 = arith.constant 96 : i32
    %add3A_118 = vector.broadcast %add3A_117 : i32 to vector<16xi32>
    %add3A_119 = arith.addi %add3A_118, %iota3A : vector<16xi32>
    %broadcast_in_dim3A_120 = vector.broadcast %scan3A_6#0 : i32 to vector<16xi32>
    %ge3A_121 = arith.cmpi sge, %add3A_119, %broadcast_in_dim3A_120 : vector<16xi32>
    %get3A_122 = arith.constant 96 : index
    %get3A_123 = tpu.vector_load %arg10[%get3A_122] {strides = array<i32>} : memref<320xi32, #tpu.memory_space<vmem>>, vector<16xi32>,
    %jit3A_124 = arith.constant 0 : i32
    %broadcast_in_dim3A_125 = vector.broadcast %jit3A_124 : i32 to vector<16xi32>
    %select_n3A_126 = arith.select %ge3A_121, %broadcast_in_dim3A_125, %get3A_123 : vector<16xi1>, vector<16xi32>
    %swap3A_127 = arith.constant 96 : index
    %swap3A_128 = tpu.vector_load %arg10[%swap3A_127] {strides = array<i32>} : memref<320xi32, #tpu.memory_space<vmem>>, vector<16xi32>,
    tpu.vector_store %arg10[%swap3A_127], %select_n3A_126 {strides = array<i32>} : memref<320xi32, #tpu.memory_space<vmem>>, vector<16xi32>,
    %get3A_129 = arith.constant 96 : index
    %get3A_130 = tpu.vector_load %arg11[%get3A_129] {strides = array<i32>} : memref<320xf32, #tpu.memory_space<vmem>>, vector<16xf32>,
    %jit3A_131 = arith.constant 0.000000e+00 : f32
    %broadcast_in_dim3A_132 = vector.broadcast %jit3A_131 : f32 to vector<16xf32>
    %select_n3A_133 = arith.select %ge3A_121, %broadcast_in_dim3A_132, %get3A_130 : vector<16xi1>, vector<16xf32>
    %swap3A_134 = arith.constant 96 : index
    %swap3A_135 = tpu.vector_load %arg11[%swap3A_134] {strides = array<i32>} : memref<320xf32, #tpu.memory_space<vmem>>, vector<16xf32>,
    tpu.vector_store %arg11[%swap3A_134], %select_n3A_133 {strides = array<i32>} : memref<320xf32, #tpu.memory_space<vmem>>, vector<16xf32>,
    %add3A_136 = arith.constant 112 : i32
    %add3A_137 = vector.broadcast %add3A_136 : i32 to vector<16xi32>
    %add3A_138 = arith.addi %add3A_137, %iota3A : vector<16xi32>
    %broadcast_in_dim3A_139 = vector.broadcast %scan3A_6#0 : i32 to vector<16xi32>
    %ge3A_140 = arith.cmpi sge, %add3A_138, %broadcast_in_dim3A_139 : vector<16xi32>
    %get3A_141 = arith.constant 112 : index
    %get3A_142 = tpu.vector_load %arg10[%get3A_141] {strides = array<i32>} : memref<320xi32, #tpu.memory_space<vmem>>, vector<16xi32>,
    %jit3A_143 = arith.constant 0 : i32
    %broadcast_in_dim3A_144 = vector.broadcast %jit3A_143 : i32 to vector<16xi32>
    %select_n3A_145 = arith.select %ge3A_140, %broadcast_in_dim3A_144, %get3A_142 : vector<16xi1>, vector<16xi32>
    %swap3A_146 = arith.constant 112 : index
    %swap3A_147 = tpu.vector_load %arg10[%swap3A_146] {strides = array<i32>} : memref<320xi32, #tpu.memory_space<vmem>>, vector<16xi32>,
    tpu.vector_store %arg10[%swap3A_146], %select_n3A_145 {strides = array<i32>} : memref<320xi32, #tpu.memory_space<vmem>>, vector<16xi32>,
    %get3A_148 = arith.constant 112 : index
    %get3A_149 = tpu.vector_load %arg11[%get3A_148] {strides = array<i32>} : memref<320xf32, #tpu.memory_space<vmem>>, vector<16xf32>,
    %jit3A_150 = arith.constant 0.000000e+00 : f32
    %broadcast_in_dim3A_151 = vector.broadcast %jit3A_150 : f32 to vector<16xf32>
    %select_n3A_152 = arith.select %ge3A_140, %broadcast_in_dim3A_151, %get3A_149 : vector<16xi1>, vector<16xf32>
    %swap3A_153 = arith.constant 112 : index
    %swap3A_154 = tpu.vector_load %arg11[%swap3A_153] {strides = array<i32>} : memref<320xf32, #tpu.memory_space<vmem>>, vector<16xf32>,
    tpu.vector_store %arg11[%swap3A_153], %select_n3A_152 {strides = array<i32>} : memref<320xf32, #tpu.memory_space<vmem>>, vector<16xf32>,
    %add3A_155 = arith.constant 128 : i32
    %add3A_156 = vector.broadcast %add3A_155 : i32 to vector<16xi32>
    %add3A_157 = arith.addi %add3A_156, %iota3A : vector<16xi32>
    %broadcast_in_dim3A_158 = vector.broadcast %scan3A_6#0 : i32 to vector<16xi32>
    %ge3A_159 = arith.cmpi sge, %add3A_157, %broadcast_in_dim3A_158 : vector<16xi32>
    %get3A_160 = arith.constant 128 : index
    %get3A_161 = tpu.vector_load %arg10[%get3A_160] {strides = array<i32>} : memref<320xi32, #tpu.memory_space<vmem>>, vector<16xi32>,
    %jit3A_162 = arith.constant 0 : i32
    %broadcast_in_dim3A_163 = vector.broadcast %jit3A_162 : i32 to vector<16xi32>
    %select_n3A_164 = arith.select %ge3A_159, %broadcast_in_dim3A_163, %get3A_161 : vector<16xi1>, vector<16xi32>
    %swap3A_165 = arith.constant 128 : index
    %swap3A_166 = tpu.vector_load %arg10[%swap3A_165] {strides = array<i32>} : memref<320xi32, #tpu.memory_space<vmem>>, vector<16xi32>,
    tpu.vector_store %arg10[%swap3A_165], %select_n3A_164 {strides = array<i32>} : memref<320xi32, #tpu.memory_space<vmem>>, vector<16xi32>,
    %get3A_167 = arith.constant 128 : index
    %get3A_168 = tpu.vector_load %arg11[%get3A_167] {strides = array<i32>} : memref<320xf32, #tpu.memory_space<vmem>>, vector<16xf32>,
    %jit3A_169 = arith.constant 0.000000e+00 : f32
    %broadcast_in_dim3A_170 = vector.broadcast %jit3A_169 : f32 to vector<16xf32>
    %select_n3A_171 = arith.select %ge3A_159, %broadcast_in_dim3A_170, %get3A_168 : vector<16xi1>, vector<16xf32>
    %swap3A_172 = arith.constant 128 : index
    %swap3A_173 = tpu.vector_load %arg11[%swap3A_172] {strides = array<i32>} : memref<320xf32, #tpu.memory_space<vmem>>, vector<16xf32>,
    tpu.vector_store %arg11[%swap3A_172], %select_n3A_171 {strides = array<i32>} : memref<320xf32, #tpu.memory_space<vmem>>, vector<16xf32>,
    %add3A_174 = arith.constant 144 : i32
    %add3A_175 = vector.broadcast %add3A_174 : i32 to vector<16xi32>
    %add3A_176 = arith.addi %add3A_175, %iota3A : vector<16xi32>
    %broadcast_in_dim3A_177 = vector.broadcast %scan3A_6#0 : i32 to vector<16xi32>
    %ge3A_178 = arith.cmpi sge, %add3A_176, %broadcast_in_dim3A_177 : vector<16xi32>
    %get3A_179 = arith.constant 144 : index
    %get3A_180 = tpu.vector_load %arg10[%get3A_179] {strides = array<i32>} : memref<320xi32, #tpu.memory_space<vmem>>, vector<16xi32>,
    %jit3A_181 = arith.constant 0 : i32
    %broadcast_in_dim3A_182 = vector.broadcast %jit3A_181 : i32 to vector<16xi32>
    %select_n3A_183 = arith.select %ge3A_178, %broadcast_in_dim3A_182, %get3A_180 : vector<16xi1>, vector<16xi32>
    %swap3A_184 = arith.constant 144 : index
    %swap3A_185 = tpu.vector_load %arg10[%swap3A_184] {strides = array<i32>} : memref<320xi32, #tpu.memory_space<vmem>>, vector<16xi32>,
    tpu.vector_store %arg10[%swap3A_184], %select_n3A_183 {strides = array<i32>} : memref<320xi32, #tpu.memory_space<vmem>>, vector<16xi32>,
    %get3A_186 = arith.constant 144 : index
    %get3A_187 = tpu.vector_load %arg11[%get3A_186] {strides = array<i32>} : memref<320xf32, #tpu.memory_space<vmem>>, vector<16xf32>,
    %jit3A_188 = arith.constant 0.000000e+00 : f32
    %broadcast_in_dim3A_189 = vector.broadcast %jit3A_188 : f32 to vector<16xf32>
    %select_n3A_190 = arith.select %ge3A_178, %broadcast_in_dim3A_189, %get3A_187 : vector<16xi1>, vector<16xf32>
    %swap3A_191 = arith.constant 144 : index
    %swap3A_192 = tpu.vector_load %arg11[%swap3A_191] {strides = array<i32>} : memref<320xf32, #tpu.memory_space<vmem>>, vector<16xf32>,
    tpu.vector_store %arg11[%swap3A_191], %select_n3A_190 {strides = array<i32>} : memref<320xf32, #tpu.memory_space<vmem>>, vector<16xf32>,
    %add3A_193 = arith.constant 160 : i32
    %add3A_194 = vector.broadcast %add3A_193 : i32 to vector<16xi32>
    %add3A_195 = arith.addi %add3A_194, %iota3A : vector<16xi32>
    %broadcast_in_dim3A_196 = vector.broadcast %scan3A_6#0 : i32 to vector<16xi32>
    %ge3A_197 = arith.cmpi sge, %add3A_195, %broadcast_in_dim3A_196 : vector<16xi32>
    %get3A_198 = arith.constant 160 : index
    %get3A_199 = tpu.vector_load %arg10[%get3A_198] {strides = array<i32>} : memref<320xi32, #tpu.memory_space<vmem>>, vector<16xi32>,
    %jit3A_200 = arith.constant 0 : i32
    %broadcast_in_dim3A_201 = vector.broadcast %jit3A_200 : i32 to vector<16xi32>
    %select_n3A_202 = arith.select %ge3A_197, %broadcast_in_dim3A_201, %get3A_199 : vector<16xi1>, vector<16xi32>
    %swap3A_203 = arith.constant 160 : index
    %swap3A_204 = tpu.vector_load %arg10[%swap3A_203] {strides = array<i32>} : memref<320xi32, #tpu.memory_space<vmem>>, vector<16xi32>,
    tpu.vector_store %arg10[%swap3A_203], %select_n3A_202 {strides = array<i32>} : memref<320xi32, #tpu.memory_space<vmem>>, vector<16xi32>,
    %get3A_205 = arith.constant 160 : index
    %get3A_206 = tpu.vector_load %arg11[%get3A_205] {strides = array<i32>} : memref<320xf32, #tpu.memory_space<vmem>>, vector<16xf32>,
    %jit3A_207 = arith.constant 0.000000e+00 : f32
    %broadcast_in_dim3A_208 = vector.broadcast %jit3A_207 : f32 to vector<16xf32>
    %select_n3A_209 = arith.select %ge3A_197, %broadcast_in_dim3A_208, %get3A_206 : vector<16xi1>, vector<16xf32>
    %swap3A_210 = arith.constant 160 : index
    %swap3A_211 = tpu.vector_load %arg11[%swap3A_210] {strides = array<i32>} : memref<320xf32, #tpu.memory_space<vmem>>, vector<16xf32>,
    tpu.vector_store %arg11[%swap3A_210], %select_n3A_209 {strides = array<i32>} : memref<320xf32, #tpu.memory_space<vmem>>, vector<16xf32>,
    %add3A_212 = arith.constant 176 : i32
    %add3A_213 = vector.broadcast %add3A_212 : i32 to vector<16xi32>
    %add3A_214 = arith.addi %add3A_213, %iota3A : vector<16xi32>
    %broadcast_in_dim3A_215 = vector.broadcast %scan3A_6#0 : i32 to vector<16xi32>
    %ge3A_216 = arith.cmpi sge, %add3A_214, %broadcast_in_dim3A_215 : vector<16xi32>
    %get3A_217 = arith.constant 176 : index
    %get3A_218 = tpu.vector_load %arg10[%get3A_217] {strides = array<i32>} : memref<320xi32, #tpu.memory_space<vmem>>, vector<16xi32>,
    %jit3A_219 = arith.constant 0 : i32
    %broadcast_in_dim3A_220 = vector.broadcast %jit3A_219 : i32 to vector<16xi32>
    %select_n3A_221 = arith.select %ge3A_216, %broadcast_in_dim3A_220, %get3A_218 : vector<16xi1>, vector<16xi32>
    %swap3A_222 = arith.constant 176 : index
    %swap3A_223 = tpu.vector_load %arg10[%swap3A_222] {strides = array<i32>} : memref<320xi32, #tpu.memory_space<vmem>>, vector<16xi32>,
    tpu.vector_store %arg10[%swap3A_222], %select_n3A_221 {strides = array<i32>} : memref<320xi32, #tpu.memory_space<vmem>>, vector<16xi32>,
    %get3A_224 = arith.constant 176 : index
    %get3A_225 = tpu.vector_load %arg11[%get3A_224] {strides = array<i32>} : memref<320xf32, #tpu.memory_space<vmem>>, vector<16xf32>,
    %jit3A_226 = arith.constant 0.000000e+00 : f32
    %broadcast_in_dim3A_227 = vector.broadcast %jit3A_226 : f32 to vector<16xf32>
    %select_n3A_228 = arith.select %ge3A_216, %broadcast_in_dim3A_227, %get3A_225 : vector<16xi1>, vector<16xf32>
    %swap3A_229 = arith.constant 176 : index
    %swap3A_230 = tpu.vector_load %arg11[%swap3A_229] {strides = array<i32>} : memref<320xf32, #tpu.memory_space<vmem>>, vector<16xf32>,
    tpu.vector_store %arg11[%swap3A_229], %select_n3A_228 {strides = array<i32>} : memref<320xf32, #tpu.memory_space<vmem>>, vector<16xf32>,
    %add3A_231 = arith.constant 192 : i32
    %add3A_232 = vector.broadcast %add3A_231 : i32 to vector<16xi32>
    %add3A_233 = arith.addi %add3A_232, %iota3A : vector<16xi32>
    %broadcast_in_dim3A_234 = vector.broadcast %scan3A_6#0 : i32 to vector<16xi32>
    %ge3A_235 = arith.cmpi sge, %add3A_233, %broadcast_in_dim3A_234 : vector<16xi32>
    %get3A_236 = arith.constant 192 : index
    %get3A_237 = tpu.vector_load %arg10[%get3A_236] {strides = array<i32>} : memref<320xi32, #tpu.memory_space<vmem>>, vector<16xi32>,
    %jit3A_238 = arith.constant 0 : i32
    %broadcast_in_dim3A_239 = vector.broadcast %jit3A_238 : i32 to vector<16xi32>
    %select_n3A_240 = arith.select %ge3A_235, %broadcast_in_dim3A_239, %get3A_237 : vector<16xi1>, vector<16xi32>
    %swap3A_241 = arith.constant 192 : index
    %swap3A_242 = tpu.vector_load %arg10[%swap3A_241] {strides = array<i32>} : memref<320xi32, #tpu.memory_space<vmem>>, vector<16xi32>,
    tpu.vector_store %arg10[%swap3A_241], %select_n3A_240 {strides = array<i32>} : memref<320xi32, #tpu.memory_space<vmem>>, vector<16xi32>,
    %get3A_243 = arith.constant 192 : index
    %get3A_244 = tpu.vector_load %arg11[%get3A_243] {strides = array<i32>} : memref<320xf32, #tpu.memory_space<vmem>>, vector<16xf32>,
    %jit3A_245 = arith.constant 0.000000e+00 : f32
    %broadcast_in_dim3A_246 = vector.broadcast %jit3A_245 : f32 to vector<16xf32>
    %select_n3A_247 = arith.select %ge3A_235, %broadcast_in_dim3A_246, %get3A_244 : vector<16xi1>, vector<16xf32>
    %swap3A_248 = arith.constant 192 : index
    %swap3A_249 = tpu.vector_load %arg11[%swap3A_248] {strides = array<i32>} : memref<320xf32, #tpu.memory_space<vmem>>, vector<16xf32>,
    tpu.vector_store %arg11[%swap3A_248], %select_n3A_247 {strides = array<i32>} : memref<320xf32, #tpu.memory_space<vmem>>, vector<16xf32>,
    %add3A_250 = arith.constant 208 : i32
    %add3A_251 = vector.broadcast %add3A_250 : i32 to vector<16xi32>
    %add3A_252 = arith.addi %add3A_251, %iota3A : vector<16xi32>
    %broadcast_in_dim3A_253 = vector.broadcast %scan3A_6#0 : i32 to vector<16xi32>
    %ge3A_254 = arith.cmpi sge, %add3A_252, %broadcast_in_dim3A_253 : vector<16xi32>
    %get3A_255 = arith.constant 208 : index
    %get3A_256 = tpu.vector_load %arg10[%get3A_255] {strides = array<i32>} : memref<320xi32, #tpu.memory_space<vmem>>, vector<16xi32>,
    %jit3A_257 = arith.constant 0 : i32
    %broadcast_in_dim3A_258 = vector.broadcast %jit3A_257 : i32 to vector<16xi32>
    %select_n3A_259 = arith.select %ge3A_254, %broadcast_in_dim3A_258, %get3A_256 : vector<16xi1>, vector<16xi32>
    %swap3A_260 = arith.constant 208 : index
    %swap3A_261 = tpu.vector_load %arg10[%swap3A_260] {strides = array<i32>} : memref<320xi32, #tpu.memory_space<vmem>>, vector<16xi32>,
    tpu.vector_store %arg10[%swap3A_260], %select_n3A_259 {strides = array<i32>} : memref<320xi32, #tpu.memory_space<vmem>>, vector<16xi32>,
    %get3A_262 = arith.constant 208 : index
    %get3A_263 = tpu.vector_load %arg11[%get3A_262] {strides = array<i32>} : memref<320xf32, #tpu.memory_space<vmem>>, vector<16xf32>,
    %jit3A_264 = arith.constant 0.000000e+00 : f32
    %broadcast_in_dim3A_265 = vector.broadcast %jit3A_264 : f32 to vector<16xf32>
    %select_n3A_266 = arith.select %ge3A_254, %broadcast_in_dim3A_265, %get3A_263 : vector<16xi1>, vector<16xf32>
    %swap3A_267 = arith.constant 208 : index
    %swap3A_268 = tpu.vector_load %arg11[%swap3A_267] {strides = array<i32>} : memref<320xf32, #tpu.memory_space<vmem>>, vector<16xf32>,
    tpu.vector_store %arg11[%swap3A_267], %select_n3A_266 {strides = array<i32>} : memref<320xf32, #tpu.memory_space<vmem>>, vector<16xf32>,
    %add3A_269 = arith.constant 224 : i32
    %add3A_270 = vector.broadcast %add3A_269 : i32 to vector<16xi32>
    %add3A_271 = arith.addi %add3A_270, %iota3A : vector<16xi32>
    %broadcast_in_dim3A_272 = vector.broadcast %scan3A_6#0 : i32 to vector<16xi32>
    %ge3A_273 = arith.cmpi sge, %add3A_271, %broadcast_in_dim3A_272 : vector<16xi32>
    %get3A_274 = arith.constant 224 : index
    %get3A_275 = tpu.vector_load %arg10[%get3A_274] {strides = array<i32>} : memref<320xi32, #tpu.memory_space<vmem>>, vector<16xi32>,
    %jit3A_276 = arith.constant 0 : i32
    %broadcast_in_dim3A_277 = vector.broadcast %jit3A_276 : i32 to vector<16xi32>
    %select_n3A_278 = arith.select %ge3A_273, %broadcast_in_dim3A_277, %get3A_275 : vector<16xi1>, vector<16xi32>
    %swap3A_279 = arith.constant 224 : index
    %swap3A_280 = tpu.vector_load %arg10[%swap3A_279] {strides = array<i32>} : memref<320xi32, #tpu.memory_space<vmem>>, vector<16xi32>,
    tpu.vector_store %arg10[%swap3A_279], %select_n3A_278 {strides = array<i32>} : memref<320xi32, #tpu.memory_space<vmem>>, vector<16xi32>,
    %get3A_281 = arith.constant 224 : index
    %get3A_282 = tpu.vector_load %arg11[%get3A_281] {strides = array<i32>} : memref<320xf32, #tpu.memory_space<vmem>>, vector<16xf32>,
    %jit3A_283 = arith.constant 0.000000e+00 : f32
    %broadcast_in_dim3A_284 = vector.broadcast %jit3A_283 : f32 to vector<16xf32>
    %select_n3A_285 = arith.select %ge3A_273, %broadcast_in_dim3A_284, %get3A_282 : vector<16xi1>, vector<16xf32>
    %swap3A_286 = arith.constant 224 : index
    %swap3A_287 = tpu.vector_load %arg11[%swap3A_286] {strides = array<i32>} : memref<320xf32, #tpu.memory_space<vmem>>, vector<16xf32>,
    tpu.vector_store %arg11[%swap3A_286], %select_n3A_285 {strides = array<i32>} : memref<320xf32, #tpu.memory_space<vmem>>, vector<16xf32>,
    %add3A_288 = arith.constant 240 : i32
    %add3A_289 = vector.broadcast %add3A_288 : i32 to vector<16xi32>
    %add3A_290 = arith.addi %add3A_289, %iota3A : vector<16xi32>
    %broadcast_in_dim3A_291 = vector.broadcast %scan3A_6#0 : i32 to vector<16xi32>
    %ge3A_292 = arith.cmpi sge, %add3A_290, %broadcast_in_dim3A_291 : vector<16xi32>
    %get3A_293 = arith.constant 240 : index
    %get3A_294 = tpu.vector_load %arg10[%get3A_293] {strides = array<i32>} : memref<320xi32, #tpu.memory_space<vmem>>, vector<16xi32>,
    %jit3A_295 = arith.constant 0 : i32
    %broadcast_in_dim3A_296 = vector.broadcast %jit3A_295 : i32 to vector<16xi32>
    %select_n3A_297 = arith.select %ge3A_292, %broadcast_in_dim3A_296, %get3A_294 : vector<16xi1>, vector<16xi32>
    %swap3A_298 = arith.constant 240 : index
    %swap3A_299 = tpu.vector_load %arg10[%swap3A_298] {strides = array<i32>} : memref<320xi32, #tpu.memory_space<vmem>>, vector<16xi32>,
    tpu.vector_store %arg10[%swap3A_298], %select_n3A_297 {strides = array<i32>} : memref<320xi32, #tpu.memory_space<vmem>>, vector<16xi32>,
    %get3A_300 = arith.constant 240 : index
    %get3A_301 = tpu.vector_load %arg11[%get3A_300] {strides = array<i32>} : memref<320xf32, #tpu.memory_space<vmem>>, vector<16xf32>,
    %jit3A_302 = arith.constant 0.000000e+00 : f32
    %broadcast_in_dim3A_303 = vector.broadcast %jit3A_302 : f32 to vector<16xf32>
    %select_n3A_304 = arith.select %ge3A_292, %broadcast_in_dim3A_303, %get3A_301 : vector<16xi1>, vector<16xf32>
    %swap3A_305 = arith.constant 240 : index
    %swap3A_306 = tpu.vector_load %arg11[%swap3A_305] {strides = array<i32>} : memref<320xf32, #tpu.memory_space<vmem>>, vector<16xf32>,
    tpu.vector_store %arg11[%swap3A_305], %select_n3A_304 {strides = array<i32>} : memref<320xf32, #tpu.memory_space<vmem>>, vector<16xf32>,
    %add3A_307 = arith.constant 256 : i32
    %add3A_308 = vector.broadcast %add3A_307 : i32 to vector<16xi32>
    %add3A_309 = arith.addi %add3A_308, %iota3A : vector<16xi32>
    %broadcast_in_dim3A_310 = vector.broadcast %scan3A_6#0 : i32 to vector<16xi32>
    %ge3A_311 = arith.cmpi sge, %add3A_309, %broadcast_in_dim3A_310 : vector<16xi32>
    %get3A_312 = arith.constant 256 : index
    %get3A_313 = tpu.vector_load %arg10[%get3A_312] {strides = array<i32>} : memref<320xi32, #tpu.memory_space<vmem>>, vector<16xi32>,
    %jit3A_314 = arith.constant 0 : i32
    %broadcast_in_dim3A_315 = vector.broadcast %jit3A_314 : i32 to vector<16xi32>
    %select_n3A_316 = arith.select %ge3A_311, %broadcast_in_dim3A_315, %get3A_313 : vector<16xi1>, vector<16xi32>
    %swap3A_317 = arith.constant 256 : index
    %swap3A_318 = tpu.vector_load %arg10[%swap3A_317] {strides = array<i32>} : memref<320xi32, #tpu.memory_space<vmem>>, vector<16xi32>,
    tpu.vector_store %arg10[%swap3A_317], %select_n3A_316 {strides = array<i32>} : memref<320xi32, #tpu.memory_space<vmem>>, vector<16xi32>,
    %get3A_319 = arith.constant 256 : index
    %get3A_320 = tpu.vector_load %arg11[%get3A_319] {strides = array<i32>} : memref<320xf32, #tpu.memory_space<vmem>>, vector<16xf32>,
    %jit3A_321 = arith.constant 0.000000e+00 : f32
    %broadcast_in_dim3A_322 = vector.broadcast %jit3A_321 : f32 to vector<16xf32>
    %select_n3A_323 = arith.select %ge3A_311, %broadcast_in_dim3A_322, %get3A_320 : vector<16xi1>, vector<16xf32>
    %swap3A_324 = arith.constant 256 : index
    %swap3A_325 = tpu.vector_load %arg11[%swap3A_324] {strides = array<i32>} : memref<320xf32, #tpu.memory_space<vmem>>, vector<16xf32>,
    tpu.vector_store %arg11[%swap3A_324], %select_n3A_323 {strides = array<i32>} : memref<320xf32, #tpu.memory_space<vmem>>, vector<16xf32>,
    %add3A_326 = arith.constant 272 : i32
    %add3A_327 = vector.broadcast %add3A_326 : i32 to vector<16xi32>
    %add3A_328 = arith.addi %add3A_327, %iota3A : vector<16xi32>
    %broadcast_in_dim3A_329 = vector.broadcast %scan3A_6#0 : i32 to vector<16xi32>
    %ge3A_330 = arith.cmpi sge, %add3A_328, %broadcast_in_dim3A_329 : vector<16xi32>
    %get3A_331 = arith.constant 272 : index
    %get3A_332 = tpu.vector_load %arg10[%get3A_331] {strides = array<i32>} : memref<320xi32, #tpu.memory_space<vmem>>, vector<16xi32>,
    %jit3A_333 = arith.constant 0 : i32
    %broadcast_in_dim3A_334 = vector.broadcast %jit3A_333 : i32 to vector<16xi32>
    %select_n3A_335 = arith.select %ge3A_330, %broadcast_in_dim3A_334, %get3A_332 : vector<16xi1>, vector<16xi32>
    %swap3A_336 = arith.constant 272 : index
    %swap3A_337 = tpu.vector_load %arg10[%swap3A_336] {strides = array<i32>} : memref<320xi32, #tpu.memory_space<vmem>>, vector<16xi32>,
    tpu.vector_store %arg10[%swap3A_336], %select_n3A_335 {strides = array<i32>} : memref<320xi32, #tpu.memory_space<vmem>>, vector<16xi32>,
    %get3A_338 = arith.constant 272 : index
    %get3A_339 = tpu.vector_load %arg11[%get3A_338] {strides = array<i32>} : memref<320xf32, #tpu.memory_space<vmem>>, vector<16xf32>,
    %jit3A_340 = arith.constant 0.000000e+00 : f32
    %broadcast_in_dim3A_341 = vector.broadcast %jit3A_340 : f32 to vector<16xf32>
    %select_n3A_342 = arith.select %ge3A_330, %broadcast_in_dim3A_341, %get3A_339 : vector<16xi1>, vector<16xf32>
    %swap3A_343 = arith.constant 272 : index
    %swap3A_344 = tpu.vector_load %arg11[%swap3A_343] {strides = array<i32>} : memref<320xf32, #tpu.memory_space<vmem>>, vector<16xf32>,
    tpu.vector_store %arg11[%swap3A_343], %select_n3A_342 {strides = array<i32>} : memref<320xf32, #tpu.memory_space<vmem>>, vector<16xf32>,
    %add3A_345 = arith.constant 288 : i32
    %add3A_346 = vector.broadcast %add3A_345 : i32 to vector<16xi32>
    %add3A_347 = arith.addi %add3A_346, %iota3A : vector<16xi32>
    %broadcast_in_dim3A_348 = vector.broadcast %scan3A_6#0 : i32 to vector<16xi32>
    %ge3A_349 = arith.cmpi sge, %add3A_347, %broadcast_in_dim3A_348 : vector<16xi32>
    %get3A_350 = arith.constant 288 : index
    %get3A_351 = tpu.vector_load %arg10[%get3A_350] {strides = array<i32>} : memref<320xi32, #tpu.memory_space<vmem>>, vector<16xi32>,
    %jit3A_352 = arith.constant 0 : i32
    %broadcast_in_dim3A_353 = vector.broadcast %jit3A_352 : i32 to vector<16xi32>
    %select_n3A_354 = arith.select %ge3A_349, %broadcast_in_dim3A_353, %get3A_351 : vector<16xi1>, vector<16xi32>
    %swap3A_355 = arith.constant 288 : index
    %swap3A_356 = tpu.vector_load %arg10[%swap3A_355] {strides = array<i32>} : memref<320xi32, #tpu.memory_space<vmem>>, vector<16xi32>,
    tpu.vector_store %arg10[%swap3A_355], %select_n3A_354 {strides = array<i32>} : memref<320xi32, #tpu.memory_space<vmem>>, vector<16xi32>,
    %get3A_357 = arith.constant 288 : index
    %get3A_358 = tpu.vector_load %arg11[%get3A_357] {strides = array<i32>} : memref<320xf32, #tpu.memory_space<vmem>>, vector<16xf32>,
    %jit3A_359 = arith.constant 0.000000e+00 : f32
    %broadcast_in_dim3A_360 = vector.broadcast %jit3A_359 : f32 to vector<16xf32>
    %select_n3A_361 = arith.select %ge3A_349, %broadcast_in_dim3A_360, %get3A_358 : vector<16xi1>, vector<16xf32>
    %swap3A_362 = arith.constant 288 : index
    %swap3A_363 = tpu.vector_load %arg11[%swap3A_362] {strides = array<i32>} : memref<320xf32, #tpu.memory_space<vmem>>, vector<16xf32>,
    tpu.vector_store %arg11[%swap3A_362], %select_n3A_361 {strides = array<i32>} : memref<320xf32, #tpu.memory_space<vmem>>, vector<16xf32>,
    %add3A_364 = arith.constant 304 : i32
    %add3A_365 = vector.broadcast %add3A_364 : i32 to vector<16xi32>
    %add3A_366 = arith.addi %add3A_365, %iota3A : vector<16xi32>
    %broadcast_in_dim3A_367 = vector.broadcast %scan3A_6#0 : i32 to vector<16xi32>
    %ge3A_368 = arith.cmpi sge, %add3A_366, %broadcast_in_dim3A_367 : vector<16xi32>
    %get3A_369 = arith.constant 304 : index
    %get3A_370 = tpu.vector_load %arg10[%get3A_369] {strides = array<i32>} : memref<320xi32, #tpu.memory_space<vmem>>, vector<16xi32>,
    %jit3A_371 = arith.constant 0 : i32
    %broadcast_in_dim3A_372 = vector.broadcast %jit3A_371 : i32 to vector<16xi32>
    %select_n3A_373 = arith.select %ge3A_368, %broadcast_in_dim3A_372, %get3A_370 : vector<16xi1>, vector<16xi32>
    %swap3A_374 = arith.constant 304 : index
    %swap3A_375 = tpu.vector_load %arg10[%swap3A_374] {strides = array<i32>} : memref<320xi32, #tpu.memory_space<vmem>>, vector<16xi32>,
    tpu.vector_store %arg10[%swap3A_374], %select_n3A_373 {strides = array<i32>} : memref<320xi32, #tpu.memory_space<vmem>>, vector<16xi32>,
    %get3A_376 = arith.constant 304 : index
    %get3A_377 = tpu.vector_load %arg11[%get3A_376] {strides = array<i32>} : memref<320xf32, #tpu.memory_space<vmem>>, vector<16xf32>,
    %jit3A_378 = arith.constant 0.000000e+00 : f32
    %broadcast_in_dim3A_379 = vector.broadcast %jit3A_378 : f32 to vector<16xf32>
    %select_n3A_380 = arith.select %ge3A_368, %broadcast_in_dim3A_379, %get3A_377 : vector<16xi1>, vector<16xf32>
    %swap3A_381 = arith.constant 304 : index
    %swap3A_382 = tpu.vector_load %arg11[%swap3A_381] {strides = array<i32>} : memref<320xf32, #tpu.memory_space<vmem>>, vector<16xf32>,
    tpu.vector_store %arg11[%swap3A_381], %select_n3A_380 {strides = array<i32>} : memref<320xf32, #tpu.memory_space<vmem>>, vector<16xf32>,
    %mul3A_383 = arith.constant 1049856 : i32
    %mul3A_384 = arith.muli %add3A, %mul3A_383 : i32
    %add3A_385 = arith.addi %mul3A_384, %scan3A_6#1 : i32
    %multiple_of3A = tpu.assume_multiple %add3A_385, 256 : i32
    "tpu.region"() ({
      %run_scoped3A = tpu.sem_alloc : memref<!tpu.dma_semaphore, #tpu.memory_space<semaphore_mem>>
      %dma_start3A = arith.constant 0 : i32
      %dma_start3A_424 = tpu.memref_slice %arg10[%dma_start3A] : memref<320xi32, #tpu.memory_space<vmem>> -> memref<256xi32, #tpu.memory_space<vmem>>
      %dma_start3A_425 = tpu.memref_slice %arg6[%multiple_of3A] : memref<33595392xi32, #tpu.memory_space<hbm>> -> memref<256xi32, #tpu.memory_space<hbm>>
      %dma_start3A_426 = tpu.memref_slice %arg6[%multiple_of3A] : memref<33595392xi32, #tpu.memory_space<hbm>> -> memref<256xi32, #tpu.memory_space<hbm>>
      %dma_start3A_427 = arith.constant 0 : i32
      %dma_start3A_428 = tpu.memref_slice %arg10[%dma_start3A_427] : memref<320xi32, #tpu.memory_space<vmem>> -> memref<256xi32, #tpu.memory_space<vmem>>
      tpu.enqueue_dma source(%dma_start3A_428 : memref<256xi32, #tpu.memory_space<vmem>>) target(%dma_start3A_426 : memref<256xi32, #tpu.memory_space<hbm>>) target_semaphore(%run_scoped3A : memref<!tpu.dma_semaphore, #tpu.memory_space<semaphore_mem>>)
      %dma_wait3A = arith.constant 0 : i32
      %dma_wait3A_429 = tpu.memref_slice %arg10[%dma_wait3A] : memref<320xi32, #tpu.memory_space<vmem>> -> memref<256xi32, #tpu.memory_space<vmem>>
      %dma_wait3A_430 = tpu.memref_slice %arg6[%multiple_of3A] : memref<33595392xi32, #tpu.memory_space<hbm>> -> memref<256xi32, #tpu.memory_space<hbm>>
      %dma_wait3A_431 = tpu.memref_slice %arg6[%multiple_of3A] : memref<33595392xi32, #tpu.memory_space<hbm>> -> memref<256xi32, #tpu.memory_space<hbm>>
      %dma_wait3A_432 = arith.constant 0 : i32
      %dma_wait3A_433 = tpu.memref_slice %arg10[%dma_wait3A_432] : memref<320xi32, #tpu.memory_space<vmem>> -> memref<256xi32, #tpu.memory_space<vmem>>
      tpu.wait_dma2 semaphore(%run_scoped3A : memref<!tpu.dma_semaphore, #tpu.memory_space<semaphore_mem>>) src(%dma_wait3A_433 : memref<256xi32, #tpu.memory_space<vmem>>) dst(%dma_wait3A_431 : memref<256xi32, #tpu.memory_space<hbm>>)
      tpu.yield
    }) : () -> ()
    "tpu.region"() ({
      %run_scoped3A = tpu.sem_alloc : memref<!tpu.dma_semaphore, #tpu.memory_space<semaphore_mem>>
      %dma_start3A = arith.constant 0 : i32
      %dma_start3A_424 = tpu.memref_slice %arg11[%dma_start3A] : memref<320xf32, #tpu.memory_space<vmem>> -> memref<256xf32, #tpu.memory_space<vmem>>
      %dma_start3A_425 = tpu.memref_slice %arg7[%multiple_of3A] : memref<33595392xf32, #tpu.memory_space<hbm>> -> memref<256xf32, #tpu.memory_space<hbm>>
      %dma_start3A_426 = tpu.memref_slice %arg7[%multiple_of3A] : memref<33595392xf32, #tpu.memory_space<hbm>> -> memref<256xf32, #tpu.memory_space<hbm>>
      %dma_start3A_427 = arith.constant 0 : i32
      %dma_start3A_428 = tpu.memref_slice %arg11[%dma_start3A_427] : memref<320xf32, #tpu.memory_space<vmem>> -> memref<256xf32, #tpu.memory_space<vmem>>
      tpu.enqueue_dma source(%dma_start3A_428 : memref<256xf32, #tpu.memory_space<vmem>>) target(%dma_start3A_426 : memref<256xf32, #tpu.memory_space<hbm>>) target_semaphore(%run_scoped3A : memref<!tpu.dma_semaphore, #tpu.memory_space<semaphore_mem>>)
      %dma_wait3A = arith.constant 0 : i32
      %dma_wait3A_429 = tpu.memref_slice %arg11[%dma_wait3A] : memref<320xf32, #tpu.memory_space<vmem>> -> memref<256xf32, #tpu.memory_space<vmem>>
      %dma_wait3A_430 = tpu.memref_slice %arg7[%multiple_of3A] : memref<33595392xf32, #tpu.memory_space<hbm>> -> memref<256xf32, #tpu.memory_space<hbm>>
      %dma_wait3A_431 = tpu.memref_slice %arg7[%multiple_of3A] : memref<33595392xf32, #tpu.memory_space<hbm>> -> memref<256xf32, #tpu.memory_space<hbm>>
      %dma_wait3A_432 = arith.constant 0 : i32
      %dma_wait3A_433 = tpu.memref_slice %arg11[%dma_wait3A_432] : memref<320xf32, #tpu.memory_space<vmem>> -> memref<256xf32, #tpu.memory_space<vmem>>
      tpu.wait_dma2 semaphore(%run_scoped3A : memref<!tpu.dma_semaphore, #tpu.memory_space<semaphore_mem>>) src(%dma_wait3A_433 : memref<256xf32, #tpu.memory_space<vmem>>) dst(%dma_wait3A_431 : memref<256xf32, #tpu.memory_space<hbm>>)
      tpu.yield
    }) : () -> ()
    %add3A_386 = arith.constant 256 : i32
    %add3A_387 = arith.addi %scan3A_6#1, %add3A_386 : i32
    %add3A_388 = arith.constant 1024 : i32
    %add3A_389 = arith.addi %add3A_387, %add3A_388 : i32
    %sub3A = arith.constant 1 : i32
    %sub3A_390 = arith.subi %add3A_389, %sub3A : i32
    %jit3A_391 = arith.constant 1024 : i32
    %div3A = arith.divsi %sub3A_390, %jit3A_391 : i32
    %sign3A = arith.constant 0 : i32
    %sign3A_392 = arith.cmpi sgt, %sub3A_390, %sign3A : i32
    %sign3A_393 = arith.extui %sign3A_392 : i1 to i32
    %sign3A_394 = arith.constant 0 : i32
    %sign3A_395 = arith.cmpi slt, %sub3A_390, %sign3A_394 : i32
    %sign3A_396 = arith.extui %sign3A_395 : i1 to i32
    %sign3A_397 = arith.subi %sign3A_393, %sign3A_396 : i32
    %sign3A_398 = arith.constant 0 : i32
    %sign3A_399 = arith.cmpi sgt, %jit3A_391, %sign3A_398 : i32
    %sign3A_400 = arith.extui %sign3A_399 : i1 to i32
    %sign3A_401 = arith.constant 0 : i32
    %sign3A_402 = arith.cmpi slt, %jit3A_391, %sign3A_401 : i32
    %sign3A_403 = arith.extui %sign3A_402 : i1 to i32
    %sign3A_404 = arith.subi %sign3A_400, %sign3A_403 : i32
    %ne3A = arith.cmpi ne, %sign3A_397, %sign3A_404 : i32
    %rem3A = arith.remsi %sub3A_390, %jit3A_391 : i32
    %ne3A_405 = arith.constant 0 : i32
    %ne3A_406 = arith.cmpi ne, %rem3A, %ne3A_405 : i32
    %and3A = arith.andi %ne3A, %ne3A_406 : i1
    %sub3A_407 = arith.constant 1 : i32
    %sub3A_408 = arith.subi %div3A, %sub3A_407 : i32
    %select_n3A_409 = arith.select %and3A, %sub3A_408, %div3A : i32
    %lt3A = arith.constant 2 : i32
    %lt3A_410 = arith.cmpi slt, %add3A, %lt3A : i32
    %convert_element_type3A = arith.extui %lt3A_410 : i1 to i32
    %add3A_411 = arith.constant 39 : i32
    %add3A_412 = arith.addi %add3A_411, %convert_element_type3A : i32
    %while3A = arith.constant 0 : i32
    %while3A_413 = arith.constant 0 : i32
    %while3A_414 = arith.subi %add3A_412, %while3A : i32
    %while3A_415 = arith.addi %while3A, %while3A_414 : i32
    %while3A_416 = arith.constant 1 : i32
    %while3A_417 = arith.divsi %while3A_414, %while3A_416 : i32
    %while3A_418 = arith.muli %while3A_417, %while3A_416 : i32
    %while3A_419 = arith.addi %while3A, %while3A_418 : i32
    %while3A_420 = arith.constant 1 : i32
    %while3A_421 = scf.for %while3A_424 = %while3A to %while3A_419 step %while3A_420 iter_args(%while3A_425 = %while3A_413) -> (i32)  : i32 {
      %mul3A_426 = arith.constant 32 : i32
      %mul3A_427 = arith.muli %while3A_424, %mul3A_426 : i32
      %add3A_428 = arith.addi %mul3A_427, %add3A : i32
      %mul3A_429 = arith.constant 800 : i32
      %mul3A_430 = arith.muli %add3A_428, %mul3A_429 : i32
      %multiple_of3A_431 = tpu.assume_multiple %mul3A_430, 8 : i32
      %mul3A_432 = arith.constant 51200 : i32
      %mul3A_433 = arith.muli %while3A_424, %mul3A_432 : i32
      "tpu.region"() ({
        %run_scoped3A = tpu.sem_alloc : memref<!tpu.dma_semaphore, #tpu.memory_space<semaphore_mem>>
        %dma_start3A = arith.constant 0 : i32
        %dma_start3A_447 = tpu.memref_slice %arg4[%multiple_of3A_431, %dma_start3A] : memref<1000000x64xf32, #tpu.memory_space<hbm>> -> memref<800x64xf32, #tpu.memory_space<hbm>>
        %dma_start3A_448 = arith.constant 0 : i32
        %dma_start3A_449 = tpu.memref_slice %arg4[%multiple_of3A_431, %dma_start3A_448] : memref<1000000x64xf32, #tpu.memory_space<hbm>> -> memref<800x64xf32, #tpu.memory_space<hbm>>
        tpu.enqueue_dma source(%dma_start3A_449 : memref<800x64xf32, #tpu.memory_space<hbm>>) target(%arg12 : memref<800x64xf32, #tpu.memory_space<vmem>>) target_semaphore(%run_scoped3A : memref<!tpu.dma_semaphore, #tpu.memory_space<semaphore_mem>>)
        %dma_wait3A = arith.constant 0 : i32
        %dma_wait3A_450 = tpu.memref_slice %arg4[%multiple_of3A_431, %dma_wait3A] : memref<1000000x64xf32, #tpu.memory_space<hbm>> -> memref<800x64xf32, #tpu.memory_space<hbm>>
        %dma_wait3A_451 = arith.constant 0 : i32
        %dma_wait3A_452 = tpu.memref_slice %arg4[%multiple_of3A_431, %dma_wait3A_451] : memref<1000000x64xf32, #tpu.memory_space<hbm>> -> memref<800x64xf32, #tpu.memory_space<hbm>>
        tpu.wait_dma2 semaphore(%run_scoped3A : memref<!tpu.dma_semaphore, #tpu.memory_space<semaphore_mem>>) src(%dma_wait3A_452 : memref<800x64xf32, #tpu.memory_space<hbm>>) dst(%arg12 : memref<800x64xf32, #tpu.memory_space<vmem>>)
        tpu.yield
      }) : () -> ()
      %while3A_434 = arith.constant 0 : i32
      %while3A_435 = arith.constant 0 : i32
      %while3A_436 = arith.subi %select_n3A_409, %while3A_434 : i32
      %while3A_437 = arith.addi %while3A_434, %while3A_436 : i32
      %while3A_438 = arith.constant 1 : i32
      %while3A_439 = arith.divsi %while3A_436, %while3A_438 : i32
      %while3A_440 = arith.muli %while3A_439, %while3A_438 : i32
      %while3A_441 = arith.addi %while3A_434, %while3A_440 : i32
      %while3A_442 = arith.constant 1 : i32
      %while3A_443 = scf.for %while3A_447 = %while3A_434 to %while3A_441 step %while3A_442 iter_args(%while3A_448 = %while3A_435) -> (i32)  : i32 {
        %mul3A_449 = arith.constant 1049856 : i32
        %mul3A_450 = arith.muli %add3A, %mul3A_449 : i32
        %mul3A_451 = arith.constant 1024 : i32
        %mul3A_452 = arith.muli %while3A_447, %mul3A_451 : i32
        %add3A_453 = arith.addi %mul3A_450, %mul3A_452 : i32
        %multiple_of3A_454 = tpu.assume_multiple %add3A_453, 256 : i32
        "tpu.region"() ({
          %run_scoped3A = tpu.sem_alloc : memref<!tpu.dma_semaphore, #tpu.memory_space<semaphore_mem>>
          %dma_start3A = tpu.memref_slice %arg6[%multiple_of3A_454] : memref<33595392xi32, #tpu.memory_space<hbm>> -> memref<1024xi32, #tpu.memory_space<hbm>>
          %dma_start3A_462 = tpu.memref_slice %arg6[%multiple_of3A_454] : memref<33595392xi32, #tpu.memory_space<hbm>> -> memref<1024xi32, #tpu.memory_space<hbm>>
          tpu.enqueue_dma source(%dma_start3A_462 : memref<1024xi32, #tpu.memory_space<hbm>>) target(%arg13 : memref<1024xi32, #tpu.memory_space<vmem>>) target_semaphore(%run_scoped3A : memref<!tpu.dma_semaphore, #tpu.memory_space<semaphore_mem>>)
          %dma_wait3A = tpu.memref_slice %arg6[%multiple_of3A_454] : memref<33595392xi32, #tpu.memory_space<hbm>> -> memref<1024xi32, #tpu.memory_space<hbm>>
          %dma_wait3A_463 = tpu.memref_slice %arg6[%multiple_of3A_454] : memref<33595392xi32, #tpu.memory_space<hbm>> -> memref<1024xi32, #tpu.memory_space<hbm>>
          tpu.wait_dma2 semaphore(%run_scoped3A : memref<!tpu.dma_semaphore, #tpu.memory_space<semaphore_mem>>) src(%dma_wait3A_463 : memref<1024xi32, #tpu.memory_space<hbm>>) dst(%arg13 : memref<1024xi32, #tpu.memory_space<vmem>>)
          tpu.yield
        }) : () -> ()
        "tpu.region"() ({
          %run_scoped3A = tpu.sem_alloc : memref<!tpu.dma_semaphore, #tpu.memory_space<semaphore_mem>>
          %dma_start3A = tpu.memref_slice %arg7[%multiple_of3A_454] : memref<33595392xf32, #tpu.memory_space<hbm>> -> memref<1024xf32, #tpu.memory_space<hbm>>
          %dma_start3A_462 = tpu.memref_slice %arg7[%multiple_of3A_454] : memref<33595392xf32, #tpu.memory_space<hbm>> -> memref<1024xf32, #tpu.memory_space<hbm>>
          tpu.enqueue_dma source(%dma_start3A_462 : memref<1024xf32, #tpu.memory_space<hbm>>) target(%arg14 : memref<1024xf32, #tpu.memory_space<vmem>>) target_semaphore(%run_scoped3A : memref<!tpu.dma_semaphore, #tpu.memory_space<semaphore_mem>>)
          %dma_wait3A = tpu.memref_slice %arg7[%multiple_of3A_454] : memref<33595392xf32, #tpu.memory_space<hbm>> -> memref<1024xf32, #tpu.memory_space<hbm>>
          %dma_wait3A_463 = tpu.memref_slice %arg7[%multiple_of3A_454] : memref<33595392xf32, #tpu.memory_space<hbm>> -> memref<1024xf32, #tpu.memory_space<hbm>>
          tpu.wait_dma2 semaphore(%run_scoped3A : memref<!tpu.dma_semaphore, #tpu.memory_space<semaphore_mem>>) src(%dma_wait3A_463 : memref<1024xf32, #tpu.memory_space<hbm>>) dst(%arg14 : memref<1024xf32, #tpu.memory_space<vmem>>)
          tpu.yield
        }) : () -> ()
        %scan3A_455 = arith.constant 0 : i32
        %scan3A_456 = arith.constant 0 : i32
        %scan3A_457 = arith.constant 64 : i32
        %scan3A_458 = arith.addi %scan3A_456, %scan3A_457 : i32
        %scan3A_459 = arith.constant 1 : i32
        %scan3A_460 = scf.for %scan3A_462 = %scan3A_456 to %scan3A_458 step %scan3A_459 iter_args(%scan3A_463 = %scan3A_455) -> (i32)  : i32 {
          %mul3A_464 = arith.constant 16 : i32
          %mul3A_465 = arith.muli %scan3A_462, %mul3A_464 : i32
          %get3A_466 = arith.index_cast %mul3A_465 : i32 to index
          %get3A_467 = tpu.vector_load %arg13[%get3A_466] {strides = array<i32>} : memref<1024xi32, #tpu.memory_space<vmem>>, vector<16xi32>,
          %mul3A_468 = arith.constant 16 : i32
          %mul3A_469 = arith.muli %scan3A_462, %mul3A_468 : i32
          %get3A_470 = arith.index_cast %mul3A_469 : i32 to index
          %get3A_471 = tpu.vector_load %arg14[%get3A_470] {strides = array<i32>} : memref<1024xf32, #tpu.memory_space<vmem>>, vector<16xf32>,
          %mul3A_472 = arith.constant 1024 : i32
          %mul3A_473 = arith.muli %while3A_447, %mul3A_472 : i32
          %mul3A_474 = arith.constant 16 : i32
          %mul3A_475 = arith.muli %scan3A_462, %mul3A_474 : i32
          %add3A_476 = arith.addi %mul3A_473, %mul3A_475 : i32
          %broadcast_in_dim3A_477 = vector.broadcast %add3A_476 : i32 to vector<16xi32>
          %add3A_478 = arith.addi %broadcast_in_dim3A_477, %iota3A : vector<16xi32>
          %broadcast_in_dim3A_479 = vector.broadcast %mul3A_433 : i32 to vector<16xi32>
          %ge3A_480 = arith.cmpi sge, %get3A_467, %broadcast_in_dim3A_479 : vector<16xi32>
          %add3A_481 = arith.constant 51200 : i32
          %add3A_482 = vector.broadcast %add3A_481 : i32 to vector<16xi32>
          %add3A_483 = arith.addi %broadcast_in_dim3A_479, %add3A_482 : vector<16xi32>
          %lt3A_484 = arith.cmpi slt, %get3A_467, %add3A_483 : vector<16xi32>
          %and3A_485 = arith.andi %ge3A_480, %lt3A_484 : vector<16xi1>
          %broadcast_in_dim3A_486 = vector.broadcast %add3A_387 : i32 to vector<16xi32>
          %lt3A_487 = arith.cmpi slt, %add3A_478, %broadcast_in_dim3A_486 : vector<16xi32>
          %and3A_488 = arith.andi %and3A_485, %lt3A_487 : vector<16xi1>
          %sub3A_489 = arith.subi %get3A_467, %broadcast_in_dim3A_479 : vector<16xi32>
          %jit3A_490 = arith.constant 0 : i32
          %broadcast_in_dim3A_491 = vector.broadcast %jit3A_490 : i32 to vector<16xi32>
          %select_n3A_492 = arith.select %and3A_488, %sub3A_489, %broadcast_in_dim3A_491 : vector<16xi1>, vector<16xi32>
          %broadcast_in_dim3A_493 = arith.constant 64 : i32
          %broadcast_in_dim3A_494 = vector.broadcast %broadcast_in_dim3A_493 : i32 to vector<16xi32>
          %div3A_495 = arith.divsi %select_n3A_492, %broadcast_in_dim3A_494 : vector<16xi32>
          %broadcast_in_dim3A_496 = arith.constant 64 : i32
          %broadcast_in_dim3A_497 = vector.broadcast %broadcast_in_dim3A_496 : i32 to vector<16xi32>
          %rem3A_498 = arith.remsi %select_n3A_492, %broadcast_in_dim3A_497 : vector<16xi32>
          %eq3A = arith.constant 0 : i32
          %eq3A_499 = vector.broadcast %eq3A : i32 to vector<16xi32>
          %eq3A_500 = arith.cmpi eq, %iota3A, %eq3A_499 : vector<16xi32>
          %and3A_501 = arith.andi %and3A_488, %eq3A_500 : vector<16xi1>
          tpu.vector_store_idx %arg12[%div3A_495, %rem3A_498], %get3A_471 masked %and3A_501 {add = true} : memref<800x64xf32, #tpu.memory_space<vmem>>[vector<16xi32>, vector<16xi32>], vector<16xf32>, vector<16xi1>
          %eq3A_502 = arith.constant 1 : i32
          %eq3A_503 = vector.broadcast %eq3A_502 : i32 to vector<16xi32>
          %eq3A_504 = arith.cmpi eq, %iota3A, %eq3A_503 : vector<16xi32>
          %and3A_505 = arith.andi %and3A_488, %eq3A_504 : vector<16xi1>
          tpu.vector_store_idx %arg12[%div3A_495, %rem3A_498], %get3A_471 masked %and3A_505 {add = true} : memref<800x64xf32, #tpu.memory_space<vmem>>[vector<16xi32>, vector<16xi32>], vector<16xf32>, vector<16xi1>
          %eq3A_506 = arith.constant 2 : i32
          %eq3A_507 = vector.broadcast %eq3A_506 : i32 to vector<16xi32>
          %eq3A_508 = arith.cmpi eq, %iota3A, %eq3A_507 : vector<16xi32>
          %and3A_509 = arith.andi %and3A_488, %eq3A_508 : vector<16xi1>
          tpu.vector_store_idx %arg12[%div3A_495, %rem3A_498], %get3A_471 masked %and3A_509 {add = true} : memref<800x64xf32, #tpu.memory_space<vmem>>[vector<16xi32>, vector<16xi32>], vector<16xf32>, vector<16xi1>
          %eq3A_510 = arith.constant 3 : i32
          %eq3A_511 = vector.broadcast %eq3A_510 : i32 to vector<16xi32>
          %eq3A_512 = arith.cmpi eq, %iota3A, %eq3A_511 : vector<16xi32>
          %and3A_513 = arith.andi %and3A_488, %eq3A_512 : vector<16xi1>
          tpu.vector_store_idx %arg12[%div3A_495, %rem3A_498], %get3A_471 masked %and3A_513 {add = true} : memref<800x64xf32, #tpu.memory_space<vmem>>[vector<16xi32>, vector<16xi32>], vector<16xf32>, vector<16xi1>
          %eq3A_514 = arith.constant 4 : i32
          %eq3A_515 = vector.broadcast %eq3A_514 : i32 to vector<16xi32>
          %eq3A_516 = arith.cmpi eq, %iota3A, %eq3A_515 : vector<16xi32>
          %and3A_517 = arith.andi %and3A_488, %eq3A_516 : vector<16xi1>
          tpu.vector_store_idx %arg12[%div3A_495, %rem3A_498], %get3A_471 masked %and3A_517 {add = true} : memref<800x64xf32, #tpu.memory_space<vmem>>[vector<16xi32>, vector<16xi32>], vector<16xf32>, vector<16xi1>
          %eq3A_518 = arith.constant 5 : i32
          %eq3A_519 = vector.broadcast %eq3A_518 : i32 to vector<16xi32>
          %eq3A_520 = arith.cmpi eq, %iota3A, %eq3A_519 : vector<16xi32>
          %and3A_521 = arith.andi %and3A_488, %eq3A_520 : vector<16xi1>
          tpu.vector_store_idx %arg12[%div3A_495, %rem3A_498], %get3A_471 masked %and3A_521 {add = true} : memref<800x64xf32, #tpu.memory_space<vmem>>[vector<16xi32>, vector<16xi32>], vector<16xf32>, vector<16xi1>
          %eq3A_522 = arith.constant 6 : i32
          %eq3A_523 = vector.broadcast %eq3A_522 : i32 to vector<16xi32>
          %eq3A_524 = arith.cmpi eq, %iota3A, %eq3A_523 : vector<16xi32>
          %and3A_525 = arith.andi %and3A_488, %eq3A_524 : vector<16xi1>
          tpu.vector_store_idx %arg12[%div3A_495, %rem3A_498], %get3A_471 masked %and3A_525 {add = true} : memref<800x64xf32, #tpu.memory_space<vmem>>[vector<16xi32>, vector<16xi32>], vector<16xf32>, vector<16xi1>
          %eq3A_526 = arith.constant 7 : i32
          %eq3A_527 = vector.broadcast %eq3A_526 : i32 to vector<16xi32>
          %eq3A_528 = arith.cmpi eq, %iota3A, %eq3A_527 : vector<16xi32>
          %and3A_529 = arith.andi %and3A_488, %eq3A_528 : vector<16xi1>
          tpu.vector_store_idx %arg12[%div3A_495, %rem3A_498], %get3A_471 masked %and3A_529 {add = true} : memref<800x64xf32, #tpu.memory_space<vmem>>[vector<16xi32>, vector<16xi32>], vector<16xf32>, vector<16xi1>
          %eq3A_530 = arith.constant 8 : i32
          %eq3A_531 = vector.broadcast %eq3A_530 : i32 to vector<16xi32>
          %eq3A_532 = arith.cmpi eq, %iota3A, %eq3A_531 : vector<16xi32>
          %and3A_533 = arith.andi %and3A_488, %eq3A_532 : vector<16xi1>
          tpu.vector_store_idx %arg12[%div3A_495, %rem3A_498], %get3A_471 masked %and3A_533 {add = true} : memref<800x64xf32, #tpu.memory_space<vmem>>[vector<16xi32>, vector<16xi32>], vector<16xf32>, vector<16xi1>
          %eq3A_534 = arith.constant 9 : i32
          %eq3A_535 = vector.broadcast %eq3A_534 : i32 to vector<16xi32>
          %eq3A_536 = arith.cmpi eq, %iota3A, %eq3A_535 : vector<16xi32>
          %and3A_537 = arith.andi %and3A_488, %eq3A_536 : vector<16xi1>
          tpu.vector_store_idx %arg12[%div3A_495, %rem3A_498], %get3A_471 masked %and3A_537 {add = true} : memref<800x64xf32, #tpu.memory_space<vmem>>[vector<16xi32>, vector<16xi32>], vector<16xf32>, vector<16xi1>
          %eq3A_538 = arith.constant 10 : i32
          %eq3A_539 = vector.broadcast %eq3A_538 : i32 to vector<16xi32>
          %eq3A_540 = arith.cmpi eq, %iota3A, %eq3A_539 : vector<16xi32>
          %and3A_541 = arith.andi %and3A_488, %eq3A_540 : vector<16xi1>
          tpu.vector_store_idx %arg12[%div3A_495, %rem3A_498], %get3A_471 masked %and3A_541 {add = true} : memref<800x64xf32, #tpu.memory_space<vmem>>[vector<16xi32>, vector<16xi32>], vector<16xf32>, vector<16xi1>
          %eq3A_542 = arith.constant 11 : i32
          %eq3A_543 = vector.broadcast %eq3A_542 : i32 to vector<16xi32>
          %eq3A_544 = arith.cmpi eq, %iota3A, %eq3A_543 : vector<16xi32>
          %and3A_545 = arith.andi %and3A_488, %eq3A_544 : vector<16xi1>
          tpu.vector_store_idx %arg12[%div3A_495, %rem3A_498], %get3A_471 masked %and3A_545 {add = true} : memref<800x64xf32, #tpu.memory_space<vmem>>[vector<16xi32>, vector<16xi32>], vector<16xf32>, vector<16xi1>
          %eq3A_546 = arith.constant 12 : i32
          %eq3A_547 = vector.broadcast %eq3A_546 : i32 to vector<16xi32>
          %eq3A_548 = arith.cmpi eq, %iota3A, %eq3A_547 : vector<16xi32>
          %and3A_549 = arith.andi %and3A_488, %eq3A_548 : vector<16xi1>
          tpu.vector_store_idx %arg12[%div3A_495, %rem3A_498], %get3A_471 masked %and3A_549 {add = true} : memref<800x64xf32, #tpu.memory_space<vmem>>[vector<16xi32>, vector<16xi32>], vector<16xf32>, vector<16xi1>
          %eq3A_550 = arith.constant 13 : i32
          %eq3A_551 = vector.broadcast %eq3A_550 : i32 to vector<16xi32>
          %eq3A_552 = arith.cmpi eq, %iota3A, %eq3A_551 : vector<16xi32>
          %and3A_553 = arith.andi %and3A_488, %eq3A_552 : vector<16xi1>
          tpu.vector_store_idx %arg12[%div3A_495, %rem3A_498], %get3A_471 masked %and3A_553 {add = true} : memref<800x64xf32, #tpu.memory_space<vmem>>[vector<16xi32>, vector<16xi32>], vector<16xf32>, vector<16xi1>
          %eq3A_554 = arith.constant 14 : i32
          %eq3A_555 = vector.broadcast %eq3A_554 : i32 to vector<16xi32>
          %eq3A_556 = arith.cmpi eq, %iota3A, %eq3A_555 : vector<16xi32>
          %and3A_557 = arith.andi %and3A_488, %eq3A_556 : vector<16xi1>
          tpu.vector_store_idx %arg12[%div3A_495, %rem3A_498], %get3A_471 masked %and3A_557 {add = true} : memref<800x64xf32, #tpu.memory_space<vmem>>[vector<16xi32>, vector<16xi32>], vector<16xf32>, vector<16xi1>
          %eq3A_558 = arith.constant 15 : i32
          %eq3A_559 = vector.broadcast %eq3A_558 : i32 to vector<16xi32>
          %eq3A_560 = arith.cmpi eq, %iota3A, %eq3A_559 : vector<16xi32>
          %and3A_561 = arith.andi %and3A_488, %eq3A_560 : vector<16xi1>
          tpu.vector_store_idx %arg12[%div3A_495, %rem3A_498], %get3A_471 masked %and3A_561 {add = true} : memref<800x64xf32, #tpu.memory_space<vmem>>[vector<16xi32>, vector<16xi32>], vector<16xf32>, vector<16xi1>
          %scan3A_562 = arith.constant 0 : i32
          scf.yield %scan3A_562 : i32
        }
        %scan3A_461 = arith.constant 64 : i32
        scf.yield %scan3A_460 : i32
      }
      %while3A_444 = arith.constant 1 : i32
      %while3A_445 = scf.for %while3A_447 = %while3A_441 to %while3A_437 step %while3A_444 iter_args(%while3A_448 = %while3A_443) -> (i32)  : i32 {
        %mul3A_449 = arith.constant 1049856 : i32
        %mul3A_450 = arith.muli %add3A, %mul3A_449 : i32
        %mul3A_451 = arith.constant 1024 : i32
        %mul3A_452 = arith.muli %while3A_447, %mul3A_451 : i32
        %add3A_453 = arith.addi %mul3A_450, %mul3A_452 : i32
        %multiple_of3A_454 = tpu.assume_multiple %add3A_453, 256 : i32
        "tpu.region"() ({
          %run_scoped3A = tpu.sem_alloc : memref<!tpu.dma_semaphore, #tpu.memory_space<semaphore_mem>>
          %dma_start3A = tpu.memref_slice %arg6[%multiple_of3A_454] : memref<33595392xi32, #tpu.memory_space<hbm>> -> memref<1024xi32, #tpu.memory_space<hbm>>
          %dma_start3A_462 = tpu.memref_slice %arg6[%multiple_of3A_454] : memref<33595392xi32, #tpu.memory_space<hbm>> -> memref<1024xi32, #tpu.memory_space<hbm>>
          tpu.enqueue_dma source(%dma_start3A_462 : memref<1024xi32, #tpu.memory_space<hbm>>) target(%arg13 : memref<1024xi32, #tpu.memory_space<vmem>>) target_semaphore(%run_scoped3A : memref<!tpu.dma_semaphore, #tpu.memory_space<semaphore_mem>>)
          %dma_wait3A = tpu.memref_slice %arg6[%multiple_of3A_454] : memref<33595392xi32, #tpu.memory_space<hbm>> -> memref<1024xi32, #tpu.memory_space<hbm>>
          %dma_wait3A_463 = tpu.memref_slice %arg6[%multiple_of3A_454] : memref<33595392xi32, #tpu.memory_space<hbm>> -> memref<1024xi32, #tpu.memory_space<hbm>>
          tpu.wait_dma2 semaphore(%run_scoped3A : memref<!tpu.dma_semaphore, #tpu.memory_space<semaphore_mem>>) src(%dma_wait3A_463 : memref<1024xi32, #tpu.memory_space<hbm>>) dst(%arg13 : memref<1024xi32, #tpu.memory_space<vmem>>)
          tpu.yield
        }) : () -> ()
        "tpu.region"() ({
          %run_scoped3A = tpu.sem_alloc : memref<!tpu.dma_semaphore, #tpu.memory_space<semaphore_mem>>
          %dma_start3A = tpu.memref_slice %arg7[%multiple_of3A_454] : memref<33595392xf32, #tpu.memory_space<hbm>> -> memref<1024xf32, #tpu.memory_space<hbm>>
          %dma_start3A_462 = tpu.memref_slice %arg7[%multiple_of3A_454] : memref<33595392xf32, #tpu.memory_space<hbm>> -> memref<1024xf32, #tpu.memory_space<hbm>>
          tpu.enqueue_dma source(%dma_start3A_462 : memref<1024xf32, #tpu.memory_space<hbm>>) target(%arg14 : memref<1024xf32, #tpu.memory_space<vmem>>) target_semaphore(%run_scoped3A : memref<!tpu.dma_semaphore, #tpu.memory_space<semaphore_mem>>)
          %dma_wait3A = tpu.memref_slice %arg7[%multiple_of3A_454] : memref<33595392xf32, #tpu.memory_space<hbm>> -> memref<1024xf32, #tpu.memory_space<hbm>>
          %dma_wait3A_463 = tpu.memref_slice %arg7[%multiple_of3A_454] : memref<33595392xf32, #tpu.memory_space<hbm>> -> memref<1024xf32, #tpu.memory_space<hbm>>
          tpu.wait_dma2 semaphore(%run_scoped3A : memref<!tpu.dma_semaphore, #tpu.memory_space<semaphore_mem>>) src(%dma_wait3A_463 : memref<1024xf32, #tpu.memory_space<hbm>>) dst(%arg14 : memref<1024xf32, #tpu.memory_space<vmem>>)
          tpu.yield
        }) : () -> ()
        %scan3A_455 = arith.constant 0 : i32
        %scan3A_456 = arith.constant 0 : i32
        %scan3A_457 = arith.constant 64 : i32
        %scan3A_458 = arith.addi %scan3A_456, %scan3A_457 : i32
        %scan3A_459 = arith.constant 1 : i32
        %scan3A_460 = scf.for %scan3A_462 = %scan3A_456 to %scan3A_458 step %scan3A_459 iter_args(%scan3A_463 = %scan3A_455) -> (i32)  : i32 {
          %mul3A_464 = arith.constant 16 : i32
          %mul3A_465 = arith.muli %scan3A_462, %mul3A_464 : i32
          %get3A_466 = arith.index_cast %mul3A_465 : i32 to index
          %get3A_467 = tpu.vector_load %arg13[%get3A_466] {strides = array<i32>} : memref<1024xi32, #tpu.memory_space<vmem>>, vector<16xi32>,
          %mul3A_468 = arith.constant 16 : i32
          %mul3A_469 = arith.muli %scan3A_462, %mul3A_468 : i32
          %get3A_470 = arith.index_cast %mul3A_469 : i32 to index
          %get3A_471 = tpu.vector_load %arg14[%get3A_470] {strides = array<i32>} : memref<1024xf32, #tpu.memory_space<vmem>>, vector<16xf32>,
          %mul3A_472 = arith.constant 1024 : i32
          %mul3A_473 = arith.muli %while3A_447, %mul3A_472 : i32
          %mul3A_474 = arith.constant 16 : i32
          %mul3A_475 = arith.muli %scan3A_462, %mul3A_474 : i32
          %add3A_476 = arith.addi %mul3A_473, %mul3A_475 : i32
          %broadcast_in_dim3A_477 = vector.broadcast %add3A_476 : i32 to vector<16xi32>
          %add3A_478 = arith.addi %broadcast_in_dim3A_477, %iota3A : vector<16xi32>
          %broadcast_in_dim3A_479 = vector.broadcast %mul3A_433 : i32 to vector<16xi32>
          %ge3A_480 = arith.cmpi sge, %get3A_467, %broadcast_in_dim3A_479 : vector<16xi32>
          %add3A_481 = arith.constant 51200 : i32
          %add3A_482 = vector.broadcast %add3A_481 : i32 to vector<16xi32>
          %add3A_483 = arith.addi %broadcast_in_dim3A_479, %add3A_482 : vector<16xi32>
          %lt3A_484 = arith.cmpi slt, %get3A_467, %add3A_483 : vector<16xi32>
          %and3A_485 = arith.andi %ge3A_480, %lt3A_484 : vector<16xi1>
          %broadcast_in_dim3A_486 = vector.broadcast %add3A_387 : i32 to vector<16xi32>
          %lt3A_487 = arith.cmpi slt, %add3A_478, %broadcast_in_dim3A_486 : vector<16xi32>
          %and3A_488 = arith.andi %and3A_485, %lt3A_487 : vector<16xi1>
          %sub3A_489 = arith.subi %get3A_467, %broadcast_in_dim3A_479 : vector<16xi32>
          %jit3A_490 = arith.constant 0 : i32
          %broadcast_in_dim3A_491 = vector.broadcast %jit3A_490 : i32 to vector<16xi32>
          %select_n3A_492 = arith.select %and3A_488, %sub3A_489, %broadcast_in_dim3A_491 : vector<16xi1>, vector<16xi32>
          %broadcast_in_dim3A_493 = arith.constant 64 : i32
          %broadcast_in_dim3A_494 = vector.broadcast %broadcast_in_dim3A_493 : i32 to vector<16xi32>
          %div3A_495 = arith.divsi %select_n3A_492, %broadcast_in_dim3A_494 : vector<16xi32>
          %broadcast_in_dim3A_496 = arith.constant 64 : i32
          %broadcast_in_dim3A_497 = vector.broadcast %broadcast_in_dim3A_496 : i32 to vector<16xi32>
          %rem3A_498 = arith.remsi %select_n3A_492, %broadcast_in_dim3A_497 : vector<16xi32>
          %eq3A = arith.constant 0 : i32
          %eq3A_499 = vector.broadcast %eq3A : i32 to vector<16xi32>
          %eq3A_500 = arith.cmpi eq, %iota3A, %eq3A_499 : vector<16xi32>
          %and3A_501 = arith.andi %and3A_488, %eq3A_500 : vector<16xi1>
          tpu.vector_store_idx %arg12[%div3A_495, %rem3A_498], %get3A_471 masked %and3A_501 {add = true} : memref<800x64xf32, #tpu.memory_space<vmem>>[vector<16xi32>, vector<16xi32>], vector<16xf32>, vector<16xi1>
          %eq3A_502 = arith.constant 1 : i32
          %eq3A_503 = vector.broadcast %eq3A_502 : i32 to vector<16xi32>
          %eq3A_504 = arith.cmpi eq, %iota3A, %eq3A_503 : vector<16xi32>
          %and3A_505 = arith.andi %and3A_488, %eq3A_504 : vector<16xi1>
          tpu.vector_store_idx %arg12[%div3A_495, %rem3A_498], %get3A_471 masked %and3A_505 {add = true} : memref<800x64xf32, #tpu.memory_space<vmem>>[vector<16xi32>, vector<16xi32>], vector<16xf32>, vector<16xi1>
          %eq3A_506 = arith.constant 2 : i32
          %eq3A_507 = vector.broadcast %eq3A_506 : i32 to vector<16xi32>
          %eq3A_508 = arith.cmpi eq, %iota3A, %eq3A_507 : vector<16xi32>
          %and3A_509 = arith.andi %and3A_488, %eq3A_508 : vector<16xi1>
          tpu.vector_store_idx %arg12[%div3A_495, %rem3A_498], %get3A_471 masked %and3A_509 {add = true} : memref<800x64xf32, #tpu.memory_space<vmem>>[vector<16xi32>, vector<16xi32>], vector<16xf32>, vector<16xi1>
          %eq3A_510 = arith.constant 3 : i32
          %eq3A_511 = vector.broadcast %eq3A_510 : i32 to vector<16xi32>
          %eq3A_512 = arith.cmpi eq, %iota3A, %eq3A_511 : vector<16xi32>
          %and3A_513 = arith.andi %and3A_488, %eq3A_512 : vector<16xi1>
          tpu.vector_store_idx %arg12[%div3A_495, %rem3A_498], %get3A_471 masked %and3A_513 {add = true} : memref<800x64xf32, #tpu.memory_space<vmem>>[vector<16xi32>, vector<16xi32>], vector<16xf32>, vector<16xi1>
          %eq3A_514 = arith.constant 4 : i32
          %eq3A_515 = vector.broadcast %eq3A_514 : i32 to vector<16xi32>
          %eq3A_516 = arith.cmpi eq, %iota3A, %eq3A_515 : vector<16xi32>
          %and3A_517 = arith.andi %and3A_488, %eq3A_516 : vector<16xi1>
          tpu.vector_store_idx %arg12[%div3A_495, %rem3A_498], %get3A_471 masked %and3A_517 {add = true} : memref<800x64xf32, #tpu.memory_space<vmem>>[vector<16xi32>, vector<16xi32>], vector<16xf32>, vector<16xi1>
          %eq3A_518 = arith.constant 5 : i32
          %eq3A_519 = vector.broadcast %eq3A_518 : i32 to vector<16xi32>
          %eq3A_520 = arith.cmpi eq, %iota3A, %eq3A_519 : vector<16xi32>
          %and3A_521 = arith.andi %and3A_488, %eq3A_520 : vector<16xi1>
          tpu.vector_store_idx %arg12[%div3A_495, %rem3A_498], %get3A_471 masked %and3A_521 {add = true} : memref<800x64xf32, #tpu.memory_space<vmem>>[vector<16xi32>, vector<16xi32>], vector<16xf32>, vector<16xi1>
          %eq3A_522 = arith.constant 6 : i32
          %eq3A_523 = vector.broadcast %eq3A_522 : i32 to vector<16xi32>
          %eq3A_524 = arith.cmpi eq, %iota3A, %eq3A_523 : vector<16xi32>
          %and3A_525 = arith.andi %and3A_488, %eq3A_524 : vector<16xi1>
          tpu.vector_store_idx %arg12[%div3A_495, %rem3A_498], %get3A_471 masked %and3A_525 {add = true} : memref<800x64xf32, #tpu.memory_space<vmem>>[vector<16xi32>, vector<16xi32>], vector<16xf32>, vector<16xi1>
          %eq3A_526 = arith.constant 7 : i32
          %eq3A_527 = vector.broadcast %eq3A_526 : i32 to vector<16xi32>
          %eq3A_528 = arith.cmpi eq, %iota3A, %eq3A_527 : vector<16xi32>
          %and3A_529 = arith.andi %and3A_488, %eq3A_528 : vector<16xi1>
          tpu.vector_store_idx %arg12[%div3A_495, %rem3A_498], %get3A_471 masked %and3A_529 {add = true} : memref<800x64xf32, #tpu.memory_space<vmem>>[vector<16xi32>, vector<16xi32>], vector<16xf32>, vector<16xi1>
          %eq3A_530 = arith.constant 8 : i32
          %eq3A_531 = vector.broadcast %eq3A_530 : i32 to vector<16xi32>
          %eq3A_532 = arith.cmpi eq, %iota3A, %eq3A_531 : vector<16xi32>
          %and3A_533 = arith.andi %and3A_488, %eq3A_532 : vector<16xi1>
          tpu.vector_store_idx %arg12[%div3A_495, %rem3A_498], %get3A_471 masked %and3A_533 {add = true} : memref<800x64xf32, #tpu.memory_space<vmem>>[vector<16xi32>, vector<16xi32>], vector<16xf32>, vector<16xi1>
          %eq3A_534 = arith.constant 9 : i32
          %eq3A_535 = vector.broadcast %eq3A_534 : i32 to vector<16xi32>
          %eq3A_536 = arith.cmpi eq, %iota3A, %eq3A_535 : vector<16xi32>
          %and3A_537 = arith.andi %and3A_488, %eq3A_536 : vector<16xi1>
          tpu.vector_store_idx %arg12[%div3A_495, %rem3A_498], %get3A_471 masked %and3A_537 {add = true} : memref<800x64xf32, #tpu.memory_space<vmem>>[vector<16xi32>, vector<16xi32>], vector<16xf32>, vector<16xi1>
          %eq3A_538 = arith.constant 10 : i32
          %eq3A_539 = vector.broadcast %eq3A_538 : i32 to vector<16xi32>
          %eq3A_540 = arith.cmpi eq, %iota3A, %eq3A_539 : vector<16xi32>
          %and3A_541 = arith.andi %and3A_488, %eq3A_540 : vector<16xi1>
          tpu.vector_store_idx %arg12[%div3A_495, %rem3A_498], %get3A_471 masked %and3A_541 {add = true} : memref<800x64xf32, #tpu.memory_space<vmem>>[vector<16xi32>, vector<16xi32>], vector<16xf32>, vector<16xi1>
          %eq3A_542 = arith.constant 11 : i32
          %eq3A_543 = vector.broadcast %eq3A_542 : i32 to vector<16xi32>
          %eq3A_544 = arith.cmpi eq, %iota3A, %eq3A_543 : vector<16xi32>
          %and3A_545 = arith.andi %and3A_488, %eq3A_544 : vector<16xi1>
          tpu.vector_store_idx %arg12[%div3A_495, %rem3A_498], %get3A_471 masked %and3A_545 {add = true} : memref<800x64xf32, #tpu.memory_space<vmem>>[vector<16xi32>, vector<16xi32>], vector<16xf32>, vector<16xi1>
          %eq3A_546 = arith.constant 12 : i32
          %eq3A_547 = vector.broadcast %eq3A_546 : i32 to vector<16xi32>
          %eq3A_548 = arith.cmpi eq, %iota3A, %eq3A_547 : vector<16xi32>
          %and3A_549 = arith.andi %and3A_488, %eq3A_548 : vector<16xi1>
          tpu.vector_store_idx %arg12[%div3A_495, %rem3A_498], %get3A_471 masked %and3A_549 {add = true} : memref<800x64xf32, #tpu.memory_space<vmem>>[vector<16xi32>, vector<16xi32>], vector<16xf32>, vector<16xi1>
          %eq3A_550 = arith.constant 13 : i32
          %eq3A_551 = vector.broadcast %eq3A_550 : i32 to vector<16xi32>
          %eq3A_552 = arith.cmpi eq, %iota3A, %eq3A_551 : vector<16xi32>
          %and3A_553 = arith.andi %and3A_488, %eq3A_552 : vector<16xi1>
          tpu.vector_store_idx %arg12[%div3A_495, %rem3A_498], %get3A_471 masked %and3A_553 {add = true} : memref<800x64xf32, #tpu.memory_space<vmem>>[vector<16xi32>, vector<16xi32>], vector<16xf32>, vector<16xi1>
          %eq3A_554 = arith.constant 14 : i32
          %eq3A_555 = vector.broadcast %eq3A_554 : i32 to vector<16xi32>
          %eq3A_556 = arith.cmpi eq, %iota3A, %eq3A_555 : vector<16xi32>
          %and3A_557 = arith.andi %and3A_488, %eq3A_556 : vector<16xi1>
          tpu.vector_store_idx %arg12[%div3A_495, %rem3A_498], %get3A_471 masked %and3A_557 {add = true} : memref<800x64xf32, #tpu.memory_space<vmem>>[vector<16xi32>, vector<16xi32>], vector<16xf32>, vector<16xi1>
          %eq3A_558 = arith.constant 15 : i32
          %eq3A_559 = vector.broadcast %eq3A_558 : i32 to vector<16xi32>
          %eq3A_560 = arith.cmpi eq, %iota3A, %eq3A_559 : vector<16xi32>
          %and3A_561 = arith.andi %and3A_488, %eq3A_560 : vector<16xi1>
          tpu.vector_store_idx %arg12[%div3A_495, %rem3A_498], %get3A_471 masked %and3A_561 {add = true} : memref<800x64xf32, #tpu.memory_space<vmem>>[vector<16xi32>, vector<16xi32>], vector<16xf32>, vector<16xi1>
          %scan3A_562 = arith.constant 0 : i32
          scf.yield %scan3A_562 : i32
        }
        %scan3A_461 = arith.constant 64 : i32
        scf.yield %scan3A_460 : i32
      }
      "tpu.region"() ({
        %run_scoped3A = tpu.sem_alloc : memref<!tpu.dma_semaphore, #tpu.memory_space<semaphore_mem>>
        %dma_start3A = arith.constant 0 : i32
        %dma_start3A_447 = tpu.memref_slice %arg5[%multiple_of3A_431, %dma_start3A] : memref<1000000x64xf32, #tpu.memory_space<hbm>> -> memref<800x64xf32, #tpu.memory_space<hbm>>
        %dma_start3A_448 = arith.constant 0 : i32
        %dma_start3A_449 = tpu.memref_slice %arg5[%multiple_of3A_431, %dma_start3A_448] : memref<1000000x64xf32, #tpu.memory_space<hbm>> -> memref<800x64xf32, #tpu.memory_space<hbm>>
        tpu.enqueue_dma source(%arg12 : memref<800x64xf32, #tpu.memory_space<vmem>>) target(%dma_start3A_449 : memref<800x64xf32, #tpu.memory_space<hbm>>) target_semaphore(%run_scoped3A : memref<!tpu.dma_semaphore, #tpu.memory_space<semaphore_mem>>)
        %dma_wait3A = arith.constant 0 : i32
        %dma_wait3A_450 = tpu.memref_slice %arg5[%multiple_of3A_431, %dma_wait3A] : memref<1000000x64xf32, #tpu.memory_space<hbm>> -> memref<800x64xf32, #tpu.memory_space<hbm>>
        %dma_wait3A_451 = arith.constant 0 : i32
        %dma_wait3A_452 = tpu.memref_slice %arg5[%multiple_of3A_431, %dma_wait3A_451] : memref<1000000x64xf32, #tpu.memory_space<hbm>> -> memref<800x64xf32, #tpu.memory_space<hbm>>
        tpu.wait_dma2 semaphore(%run_scoped3A : memref<!tpu.dma_semaphore, #tpu.memory_space<semaphore_mem>>) src(%arg12 : memref<800x64xf32, #tpu.memory_space<vmem>>) dst(%dma_wait3A_452 : memref<800x64xf32, #tpu.memory_space<hbm>>)
        tpu.yield
      }) : () -> ()
      %while3A_446 = arith.constant 0 : i32
      scf.yield %while3A_446 : i32
    }
    %while3A_422 = arith.constant 1 : i32
    %while3A_423 = scf.for %while3A_424 = %while3A_419 to %while3A_415 step %while3A_422 iter_args(%while3A_425 = %while3A_421) -> (i32)  : i32 {
      %mul3A_426 = arith.constant 32 : i32
      %mul3A_427 = arith.muli %while3A_424, %mul3A_426 : i32
      %add3A_428 = arith.addi %mul3A_427, %add3A : i32
      %mul3A_429 = arith.constant 800 : i32
      %mul3A_430 = arith.muli %add3A_428, %mul3A_429 : i32
      %multiple_of3A_431 = tpu.assume_multiple %mul3A_430, 8 : i32
      %mul3A_432 = arith.constant 51200 : i32
      %mul3A_433 = arith.muli %while3A_424, %mul3A_432 : i32
      "tpu.region"() ({
        %run_scoped3A = tpu.sem_alloc : memref<!tpu.dma_semaphore, #tpu.memory_space<semaphore_mem>>
        %dma_start3A = arith.constant 0 : i32
        %dma_start3A_447 = tpu.memref_slice %arg4[%multiple_of3A_431, %dma_start3A] : memref<1000000x64xf32, #tpu.memory_space<hbm>> -> memref<800x64xf32, #tpu.memory_space<hbm>>
        %dma_start3A_448 = arith.constant 0 : i32
        %dma_start3A_449 = tpu.memref_slice %arg4[%multiple_of3A_431, %dma_start3A_448] : memref<1000000x64xf32, #tpu.memory_space<hbm>> -> memref<800x64xf32, #tpu.memory_space<hbm>>
        tpu.enqueue_dma source(%dma_start3A_449 : memref<800x64xf32, #tpu.memory_space<hbm>>) target(%arg12 : memref<800x64xf32, #tpu.memory_space<vmem>>) target_semaphore(%run_scoped3A : memref<!tpu.dma_semaphore, #tpu.memory_space<semaphore_mem>>)
        %dma_wait3A = arith.constant 0 : i32
        %dma_wait3A_450 = tpu.memref_slice %arg4[%multiple_of3A_431, %dma_wait3A] : memref<1000000x64xf32, #tpu.memory_space<hbm>> -> memref<800x64xf32, #tpu.memory_space<hbm>>
        %dma_wait3A_451 = arith.constant 0 : i32
        %dma_wait3A_452 = tpu.memref_slice %arg4[%multiple_of3A_431, %dma_wait3A_451] : memref<1000000x64xf32, #tpu.memory_space<hbm>> -> memref<800x64xf32, #tpu.memory_space<hbm>>
        tpu.wait_dma2 semaphore(%run_scoped3A : memref<!tpu.dma_semaphore, #tpu.memory_space<semaphore_mem>>) src(%dma_wait3A_452 : memref<800x64xf32, #tpu.memory_space<hbm>>) dst(%arg12 : memref<800x64xf32, #tpu.memory_space<vmem>>)
        tpu.yield
      }) : () -> ()
      %while3A_434 = arith.constant 0 : i32
      %while3A_435 = arith.constant 0 : i32
      %while3A_436 = arith.subi %select_n3A_409, %while3A_434 : i32
      %while3A_437 = arith.addi %while3A_434, %while3A_436 : i32
      %while3A_438 = arith.constant 1 : i32
      %while3A_439 = arith.divsi %while3A_436, %while3A_438 : i32
      %while3A_440 = arith.muli %while3A_439, %while3A_438 : i32
      %while3A_441 = arith.addi %while3A_434, %while3A_440 : i32
      %while3A_442 = arith.constant 1 : i32
      %while3A_443 = scf.for %while3A_447 = %while3A_434 to %while3A_441 step %while3A_442 iter_args(%while3A_448 = %while3A_435) -> (i32)  : i32 {
        %mul3A_449 = arith.constant 1049856 : i32
        %mul3A_450 = arith.muli %add3A, %mul3A_449 : i32
        %mul3A_451 = arith.constant 1024 : i32
        %mul3A_452 = arith.muli %while3A_447, %mul3A_451 : i32
        %add3A_453 = arith.addi %mul3A_450, %mul3A_452 : i32
        %multiple_of3A_454 = tpu.assume_multiple %add3A_453, 256 : i32
        "tpu.region"() ({
          %run_scoped3A = tpu.sem_alloc : memref<!tpu.dma_semaphore, #tpu.memory_space<semaphore_mem>>
          %dma_start3A = tpu.memref_slice %arg6[%multiple_of3A_454] : memref<33595392xi32, #tpu.memory_space<hbm>> -> memref<1024xi32, #tpu.memory_space<hbm>>
          %dma_start3A_462 = tpu.memref_slice %arg6[%multiple_of3A_454] : memref<33595392xi32, #tpu.memory_space<hbm>> -> memref<1024xi32, #tpu.memory_space<hbm>>
          tpu.enqueue_dma source(%dma_start3A_462 : memref<1024xi32, #tpu.memory_space<hbm>>) target(%arg13 : memref<1024xi32, #tpu.memory_space<vmem>>) target_semaphore(%run_scoped3A : memref<!tpu.dma_semaphore, #tpu.memory_space<semaphore_mem>>)
          %dma_wait3A = tpu.memref_slice %arg6[%multiple_of3A_454] : memref<33595392xi32, #tpu.memory_space<hbm>> -> memref<1024xi32, #tpu.memory_space<hbm>>
          %dma_wait3A_463 = tpu.memref_slice %arg6[%multiple_of3A_454] : memref<33595392xi32, #tpu.memory_space<hbm>> -> memref<1024xi32, #tpu.memory_space<hbm>>
          tpu.wait_dma2 semaphore(%run_scoped3A : memref<!tpu.dma_semaphore, #tpu.memory_space<semaphore_mem>>) src(%dma_wait3A_463 : memref<1024xi32, #tpu.memory_space<hbm>>) dst(%arg13 : memref<1024xi32, #tpu.memory_space<vmem>>)
          tpu.yield
        }) : () -> ()
        "tpu.region"() ({
          %run_scoped3A = tpu.sem_alloc : memref<!tpu.dma_semaphore, #tpu.memory_space<semaphore_mem>>
          %dma_start3A = tpu.memref_slice %arg7[%multiple_of3A_454] : memref<33595392xf32, #tpu.memory_space<hbm>> -> memref<1024xf32, #tpu.memory_space<hbm>>
          %dma_start3A_462 = tpu.memref_slice %arg7[%multiple_of3A_454] : memref<33595392xf32, #tpu.memory_space<hbm>> -> memref<1024xf32, #tpu.memory_space<hbm>>
          tpu.enqueue_dma source(%dma_start3A_462 : memref<1024xf32, #tpu.memory_space<hbm>>) target(%arg14 : memref<1024xf32, #tpu.memory_space<vmem>>) target_semaphore(%run_scoped3A : memref<!tpu.dma_semaphore, #tpu.memory_space<semaphore_mem>>)
          %dma_wait3A = tpu.memref_slice %arg7[%multiple_of3A_454] : memref<33595392xf32, #tpu.memory_space<hbm>> -> memref<1024xf32, #tpu.memory_space<hbm>>
          %dma_wait3A_463 = tpu.memref_slice %arg7[%multiple_of3A_454] : memref<33595392xf32, #tpu.memory_space<hbm>> -> memref<1024xf32, #tpu.memory_space<hbm>>
          tpu.wait_dma2 semaphore(%run_scoped3A : memref<!tpu.dma_semaphore, #tpu.memory_space<semaphore_mem>>) src(%dma_wait3A_463 : memref<1024xf32, #tpu.memory_space<hbm>>) dst(%arg14 : memref<1024xf32, #tpu.memory_space<vmem>>)
          tpu.yield
        }) : () -> ()
        %scan3A_455 = arith.constant 0 : i32
        %scan3A_456 = arith.constant 0 : i32
        %scan3A_457 = arith.constant 64 : i32
        %scan3A_458 = arith.addi %scan3A_456, %scan3A_457 : i32
        %scan3A_459 = arith.constant 1 : i32
        %scan3A_460 = scf.for %scan3A_462 = %scan3A_456 to %scan3A_458 step %scan3A_459 iter_args(%scan3A_463 = %scan3A_455) -> (i32)  : i32 {
          %mul3A_464 = arith.constant 16 : i32
          %mul3A_465 = arith.muli %scan3A_462, %mul3A_464 : i32
          %get3A_466 = arith.index_cast %mul3A_465 : i32 to index
          %get3A_467 = tpu.vector_load %arg13[%get3A_466] {strides = array<i32>} : memref<1024xi32, #tpu.memory_space<vmem>>, vector<16xi32>,
          %mul3A_468 = arith.constant 16 : i32
          %mul3A_469 = arith.muli %scan3A_462, %mul3A_468 : i32
          %get3A_470 = arith.index_cast %mul3A_469 : i32 to index
          %get3A_471 = tpu.vector_load %arg14[%get3A_470] {strides = array<i32>} : memref<1024xf32, #tpu.memory_space<vmem>>, vector<16xf32>,
          %mul3A_472 = arith.constant 1024 : i32
          %mul3A_473 = arith.muli %while3A_447, %mul3A_472 : i32
          %mul3A_474 = arith.constant 16 : i32
          %mul3A_475 = arith.muli %scan3A_462, %mul3A_474 : i32
          %add3A_476 = arith.addi %mul3A_473, %mul3A_475 : i32
          %broadcast_in_dim3A_477 = vector.broadcast %add3A_476 : i32 to vector<16xi32>
          %add3A_478 = arith.addi %broadcast_in_dim3A_477, %iota3A : vector<16xi32>
          %broadcast_in_dim3A_479 = vector.broadcast %mul3A_433 : i32 to vector<16xi32>
          %ge3A_480 = arith.cmpi sge, %get3A_467, %broadcast_in_dim3A_479 : vector<16xi32>
          %add3A_481 = arith.constant 51200 : i32
          %add3A_482 = vector.broadcast %add3A_481 : i32 to vector<16xi32>
          %add3A_483 = arith.addi %broadcast_in_dim3A_479, %add3A_482 : vector<16xi32>
          %lt3A_484 = arith.cmpi slt, %get3A_467, %add3A_483 : vector<16xi32>
          %and3A_485 = arith.andi %ge3A_480, %lt3A_484 : vector<16xi1>
          %broadcast_in_dim3A_486 = vector.broadcast %add3A_387 : i32 to vector<16xi32>
          %lt3A_487 = arith.cmpi slt, %add3A_478, %broadcast_in_dim3A_486 : vector<16xi32>
          %and3A_488 = arith.andi %and3A_485, %lt3A_487 : vector<16xi1>
          %sub3A_489 = arith.subi %get3A_467, %broadcast_in_dim3A_479 : vector<16xi32>
          %jit3A_490 = arith.constant 0 : i32
          %broadcast_in_dim3A_491 = vector.broadcast %jit3A_490 : i32 to vector<16xi32>
          %select_n3A_492 = arith.select %and3A_488, %sub3A_489, %broadcast_in_dim3A_491 : vector<16xi1>, vector<16xi32>
          %broadcast_in_dim3A_493 = arith.constant 64 : i32
          %broadcast_in_dim3A_494 = vector.broadcast %broadcast_in_dim3A_493 : i32 to vector<16xi32>
          %div3A_495 = arith.divsi %select_n3A_492, %broadcast_in_dim3A_494 : vector<16xi32>
          %broadcast_in_dim3A_496 = arith.constant 64 : i32
          %broadcast_in_dim3A_497 = vector.broadcast %broadcast_in_dim3A_496 : i32 to vector<16xi32>
          %rem3A_498 = arith.remsi %select_n3A_492, %broadcast_in_dim3A_497 : vector<16xi32>
          %eq3A = arith.constant 0 : i32
          %eq3A_499 = vector.broadcast %eq3A : i32 to vector<16xi32>
          %eq3A_500 = arith.cmpi eq, %iota3A, %eq3A_499 : vector<16xi32>
          %and3A_501 = arith.andi %and3A_488, %eq3A_500 : vector<16xi1>
          tpu.vector_store_idx %arg12[%div3A_495, %rem3A_498], %get3A_471 masked %and3A_501 {add = true} : memref<800x64xf32, #tpu.memory_space<vmem>>[vector<16xi32>, vector<16xi32>], vector<16xf32>, vector<16xi1>
          %eq3A_502 = arith.constant 1 : i32
          %eq3A_503 = vector.broadcast %eq3A_502 : i32 to vector<16xi32>
          %eq3A_504 = arith.cmpi eq, %iota3A, %eq3A_503 : vector<16xi32>
          %and3A_505 = arith.andi %and3A_488, %eq3A_504 : vector<16xi1>
          tpu.vector_store_idx %arg12[%div3A_495, %rem3A_498], %get3A_471 masked %and3A_505 {add = true} : memref<800x64xf32, #tpu.memory_space<vmem>>[vector<16xi32>, vector<16xi32>], vector<16xf32>, vector<16xi1>
          %eq3A_506 = arith.constant 2 : i32
          %eq3A_507 = vector.broadcast %eq3A_506 : i32 to vector<16xi32>
          %eq3A_508 = arith.cmpi eq, %iota3A, %eq3A_507 : vector<16xi32>
          %and3A_509 = arith.andi %and3A_488, %eq3A_508 : vector<16xi1>
          tpu.vector_store_idx %arg12[%div3A_495, %rem3A_498], %get3A_471 masked %and3A_509 {add = true} : memref<800x64xf32, #tpu.memory_space<vmem>>[vector<16xi32>, vector<16xi32>], vector<16xf32>, vector<16xi1>
          %eq3A_510 = arith.constant 3 : i32
          %eq3A_511 = vector.broadcast %eq3A_510 : i32 to vector<16xi32>
          %eq3A_512 = arith.cmpi eq, %iota3A, %eq3A_511 : vector<16xi32>
          %and3A_513 = arith.andi %and3A_488, %eq3A_512 : vector<16xi1>
          tpu.vector_store_idx %arg12[%div3A_495, %rem3A_498], %get3A_471 masked %and3A_513 {add = true} : memref<800x64xf32, #tpu.memory_space<vmem>>[vector<16xi32>, vector<16xi32>], vector<16xf32>, vector<16xi1>
          %eq3A_514 = arith.constant 4 : i32
          %eq3A_515 = vector.broadcast %eq3A_514 : i32 to vector<16xi32>
          %eq3A_516 = arith.cmpi eq, %iota3A, %eq3A_515 : vector<16xi32>
          %and3A_517 = arith.andi %and3A_488, %eq3A_516 : vector<16xi1>
          tpu.vector_store_idx %arg12[%div3A_495, %rem3A_498], %get3A_471 masked %and3A_517 {add = true} : memref<800x64xf32, #tpu.memory_space<vmem>>[vector<16xi32>, vector<16xi32>], vector<16xf32>, vector<16xi1>
          %eq3A_518 = arith.constant 5 : i32
          %eq3A_519 = vector.broadcast %eq3A_518 : i32 to vector<16xi32>
          %eq3A_520 = arith.cmpi eq, %iota3A, %eq3A_519 : vector<16xi32>
          %and3A_521 = arith.andi %and3A_488, %eq3A_520 : vector<16xi1>
          tpu.vector_store_idx %arg12[%div3A_495, %rem3A_498], %get3A_471 masked %and3A_521 {add = true} : memref<800x64xf32, #tpu.memory_space<vmem>>[vector<16xi32>, vector<16xi32>], vector<16xf32>, vector<16xi1>
          %eq3A_522 = arith.constant 6 : i32
          %eq3A_523 = vector.broadcast %eq3A_522 : i32 to vector<16xi32>
          %eq3A_524 = arith.cmpi eq, %iota3A, %eq3A_523 : vector<16xi32>
          %and3A_525 = arith.andi %and3A_488, %eq3A_524 : vector<16xi1>
          tpu.vector_store_idx %arg12[%div3A_495, %rem3A_498], %get3A_471 masked %and3A_525 {add = true} : memref<800x64xf32, #tpu.memory_space<vmem>>[vector<16xi32>, vector<16xi32>], vector<16xf32>, vector<16xi1>
          %eq3A_526 = arith.constant 7 : i32
          %eq3A_527 = vector.broadcast %eq3A_526 : i32 to vector<16xi32>
          %eq3A_528 = arith.cmpi eq, %iota3A, %eq3A_527 : vector<16xi32>
          %and3A_529 = arith.andi %and3A_488, %eq3A_528 : vector<16xi1>
          tpu.vector_store_idx %arg12[%div3A_495, %rem3A_498], %get3A_471 masked %and3A_529 {add = true} : memref<800x64xf32, #tpu.memory_space<vmem>>[vector<16xi32>, vector<16xi32>], vector<16xf32>, vector<16xi1>
          %eq3A_530 = arith.constant 8 : i32
          %eq3A_531 = vector.broadcast %eq3A_530 : i32 to vector<16xi32>
          %eq3A_532 = arith.cmpi eq, %iota3A, %eq3A_531 : vector<16xi32>
          %and3A_533 = arith.andi %and3A_488, %eq3A_532 : vector<16xi1>
          tpu.vector_store_idx %arg12[%div3A_495, %rem3A_498], %get3A_471 masked %and3A_533 {add = true} : memref<800x64xf32, #tpu.memory_space<vmem>>[vector<16xi32>, vector<16xi32>], vector<16xf32>, vector<16xi1>
          %eq3A_534 = arith.constant 9 : i32
          %eq3A_535 = vector.broadcast %eq3A_534 : i32 to vector<16xi32>
          %eq3A_536 = arith.cmpi eq, %iota3A, %eq3A_535 : vector<16xi32>
          %and3A_537 = arith.andi %and3A_488, %eq3A_536 : vector<16xi1>
          tpu.vector_store_idx %arg12[%div3A_495, %rem3A_498], %get3A_471 masked %and3A_537 {add = true} : memref<800x64xf32, #tpu.memory_space<vmem>>[vector<16xi32>, vector<16xi32>], vector<16xf32>, vector<16xi1>
          %eq3A_538 = arith.constant 10 : i32
          %eq3A_539 = vector.broadcast %eq3A_538 : i32 to vector<16xi32>
          %eq3A_540 = arith.cmpi eq, %iota3A, %eq3A_539 : vector<16xi32>
          %and3A_541 = arith.andi %and3A_488, %eq3A_540 : vector<16xi1>
          tpu.vector_store_idx %arg12[%div3A_495, %rem3A_498], %get3A_471 masked %and3A_541 {add = true} : memref<800x64xf32, #tpu.memory_space<vmem>>[vector<16xi32>, vector<16xi32>], vector<16xf32>, vector<16xi1>
          %eq3A_542 = arith.constant 11 : i32
          %eq3A_543 = vector.broadcast %eq3A_542 : i32 to vector<16xi32>
          %eq3A_544 = arith.cmpi eq, %iota3A, %eq3A_543 : vector<16xi32>
          %and3A_545 = arith.andi %and3A_488, %eq3A_544 : vector<16xi1>
          tpu.vector_store_idx %arg12[%div3A_495, %rem3A_498], %get3A_471 masked %and3A_545 {add = true} : memref<800x64xf32, #tpu.memory_space<vmem>>[vector<16xi32>, vector<16xi32>], vector<16xf32>, vector<16xi1>
          %eq3A_546 = arith.constant 12 : i32
          %eq3A_547 = vector.broadcast %eq3A_546 : i32 to vector<16xi32>
          %eq3A_548 = arith.cmpi eq, %iota3A, %eq3A_547 : vector<16xi32>
          %and3A_549 = arith.andi %and3A_488, %eq3A_548 : vector<16xi1>
          tpu.vector_store_idx %arg12[%div3A_495, %rem3A_498], %get3A_471 masked %and3A_549 {add = true} : memref<800x64xf32, #tpu.memory_space<vmem>>[vector<16xi32>, vector<16xi32>], vector<16xf32>, vector<16xi1>
          %eq3A_550 = arith.constant 13 : i32
          %eq3A_551 = vector.broadcast %eq3A_550 : i32 to vector<16xi32>
          %eq3A_552 = arith.cmpi eq, %iota3A, %eq3A_551 : vector<16xi32>
          %and3A_553 = arith.andi %and3A_488, %eq3A_552 : vector<16xi1>
          tpu.vector_store_idx %arg12[%div3A_495, %rem3A_498], %get3A_471 masked %and3A_553 {add = true} : memref<800x64xf32, #tpu.memory_space<vmem>>[vector<16xi32>, vector<16xi32>], vector<16xf32>, vector<16xi1>
          %eq3A_554 = arith.constant 14 : i32
          %eq3A_555 = vector.broadcast %eq3A_554 : i32 to vector<16xi32>
          %eq3A_556 = arith.cmpi eq, %iota3A, %eq3A_555 : vector<16xi32>
          %and3A_557 = arith.andi %and3A_488, %eq3A_556 : vector<16xi1>
          tpu.vector_store_idx %arg12[%div3A_495, %rem3A_498], %get3A_471 masked %and3A_557 {add = true} : memref<800x64xf32, #tpu.memory_space<vmem>>[vector<16xi32>, vector<16xi32>], vector<16xf32>, vector<16xi1>
          %eq3A_558 = arith.constant 15 : i32
          %eq3A_559 = vector.broadcast %eq3A_558 : i32 to vector<16xi32>
          %eq3A_560 = arith.cmpi eq, %iota3A, %eq3A_559 : vector<16xi32>
          %and3A_561 = arith.andi %and3A_488, %eq3A_560 : vector<16xi1>
          tpu.vector_store_idx %arg12[%div3A_495, %rem3A_498], %get3A_471 masked %and3A_561 {add = true} : memref<800x64xf32, #tpu.memory_space<vmem>>[vector<16xi32>, vector<16xi32>], vector<16xf32>, vector<16xi1>
          %scan3A_562 = arith.constant 0 : i32
          scf.yield %scan3A_562 : i32
        }
        %scan3A_461 = arith.constant 64 : i32
        scf.yield %scan3A_460 : i32
      }
      %while3A_444 = arith.constant 1 : i32
      %while3A_445 = scf.for %while3A_447 = %while3A_441 to %while3A_437 step %while3A_444 iter_args(%while3A_448 = %while3A_443) -> (i32)  : i32 {
        %mul3A_449 = arith.constant 1049856 : i32
        %mul3A_450 = arith.muli %add3A, %mul3A_449 : i32
        %mul3A_451 = arith.constant 1024 : i32
        %mul3A_452 = arith.muli %while3A_447, %mul3A_451 : i32
        %add3A_453 = arith.addi %mul3A_450, %mul3A_452 : i32
        %multiple_of3A_454 = tpu.assume_multiple %add3A_453, 256 : i32
        "tpu.region"() ({
          %run_scoped3A = tpu.sem_alloc : memref<!tpu.dma_semaphore, #tpu.memory_space<semaphore_mem>>
          %dma_start3A = tpu.memref_slice %arg6[%multiple_of3A_454] : memref<33595392xi32, #tpu.memory_space<hbm>> -> memref<1024xi32, #tpu.memory_space<hbm>>
          %dma_start3A_462 = tpu.memref_slice %arg6[%multiple_of3A_454] : memref<33595392xi32, #tpu.memory_space<hbm>> -> memref<1024xi32, #tpu.memory_space<hbm>>
          tpu.enqueue_dma source(%dma_start3A_462 : memref<1024xi32, #tpu.memory_space<hbm>>) target(%arg13 : memref<1024xi32, #tpu.memory_space<vmem>>) target_semaphore(%run_scoped3A : memref<!tpu.dma_semaphore, #tpu.memory_space<semaphore_mem>>)
          %dma_wait3A = tpu.memref_slice %arg6[%multiple_of3A_454] : memref<33595392xi32, #tpu.memory_space<hbm>> -> memref<1024xi32, #tpu.memory_space<hbm>>
          %dma_wait3A_463 = tpu.memref_slice %arg6[%multiple_of3A_454] : memref<33595392xi32, #tpu.memory_space<hbm>> -> memref<1024xi32, #tpu.memory_space<hbm>>
          tpu.wait_dma2 semaphore(%run_scoped3A : memref<!tpu.dma_semaphore, #tpu.memory_space<semaphore_mem>>) src(%dma_wait3A_463 : memref<1024xi32, #tpu.memory_space<hbm>>) dst(%arg13 : memref<1024xi32, #tpu.memory_space<vmem>>)
          tpu.yield
        }) : () -> ()
        "tpu.region"() ({
          %run_scoped3A = tpu.sem_alloc : memref<!tpu.dma_semaphore, #tpu.memory_space<semaphore_mem>>
          %dma_start3A = tpu.memref_slice %arg7[%multiple_of3A_454] : memref<33595392xf32, #tpu.memory_space<hbm>> -> memref<1024xf32, #tpu.memory_space<hbm>>
          %dma_start3A_462 = tpu.memref_slice %arg7[%multiple_of3A_454] : memref<33595392xf32, #tpu.memory_space<hbm>> -> memref<1024xf32, #tpu.memory_space<hbm>>
          tpu.enqueue_dma source(%dma_start3A_462 : memref<1024xf32, #tpu.memory_space<hbm>>) target(%arg14 : memref<1024xf32, #tpu.memory_space<vmem>>) target_semaphore(%run_scoped3A : memref<!tpu.dma_semaphore, #tpu.memory_space<semaphore_mem>>)
          %dma_wait3A = tpu.memref_slice %arg7[%multiple_of3A_454] : memref<33595392xf32, #tpu.memory_space<hbm>> -> memref<1024xf32, #tpu.memory_space<hbm>>
          %dma_wait3A_463 = tpu.memref_slice %arg7[%multiple_of3A_454] : memref<33595392xf32, #tpu.memory_space<hbm>> -> memref<1024xf32, #tpu.memory_space<hbm>>
          tpu.wait_dma2 semaphore(%run_scoped3A : memref<!tpu.dma_semaphore, #tpu.memory_space<semaphore_mem>>) src(%dma_wait3A_463 : memref<1024xf32, #tpu.memory_space<hbm>>) dst(%arg14 : memref<1024xf32, #tpu.memory_space<vmem>>)
          tpu.yield
        }) : () -> ()
        %scan3A_455 = arith.constant 0 : i32
        %scan3A_456 = arith.constant 0 : i32
        %scan3A_457 = arith.constant 64 : i32
        %scan3A_458 = arith.addi %scan3A_456, %scan3A_457 : i32
        %scan3A_459 = arith.constant 1 : i32
        %scan3A_460 = scf.for %scan3A_462 = %scan3A_456 to %scan3A_458 step %scan3A_459 iter_args(%scan3A_463 = %scan3A_455) -> (i32)  : i32 {
          %mul3A_464 = arith.constant 16 : i32
          %mul3A_465 = arith.muli %scan3A_462, %mul3A_464 : i32
          %get3A_466 = arith.index_cast %mul3A_465 : i32 to index
          %get3A_467 = tpu.vector_load %arg13[%get3A_466] {strides = array<i32>} : memref<1024xi32, #tpu.memory_space<vmem>>, vector<16xi32>,
          %mul3A_468 = arith.constant 16 : i32
          %mul3A_469 = arith.muli %scan3A_462, %mul3A_468 : i32
          %get3A_470 = arith.index_cast %mul3A_469 : i32 to index
          %get3A_471 = tpu.vector_load %arg14[%get3A_470] {strides = array<i32>} : memref<1024xf32, #tpu.memory_space<vmem>>, vector<16xf32>,
          %mul3A_472 = arith.constant 1024 : i32
          %mul3A_473 = arith.muli %while3A_447, %mul3A_472 : i32
          %mul3A_474 = arith.constant 16 : i32
          %mul3A_475 = arith.muli %scan3A_462, %mul3A_474 : i32
          %add3A_476 = arith.addi %mul3A_473, %mul3A_475 : i32
          %broadcast_in_dim3A_477 = vector.broadcast %add3A_476 : i32 to vector<16xi32>
          %add3A_478 = arith.addi %broadcast_in_dim3A_477, %iota3A : vector<16xi32>
          %broadcast_in_dim3A_479 = vector.broadcast %mul3A_433 : i32 to vector<16xi32>
          %ge3A_480 = arith.cmpi sge, %get3A_467, %broadcast_in_dim3A_479 : vector<16xi32>
          %add3A_481 = arith.constant 51200 : i32
          %add3A_482 = vector.broadcast %add3A_481 : i32 to vector<16xi32>
          %add3A_483 = arith.addi %broadcast_in_dim3A_479, %add3A_482 : vector<16xi32>
          %lt3A_484 = arith.cmpi slt, %get3A_467, %add3A_483 : vector<16xi32>
          %and3A_485 = arith.andi %ge3A_480, %lt3A_484 : vector<16xi1>
          %broadcast_in_dim3A_486 = vector.broadcast %add3A_387 : i32 to vector<16xi32>
          %lt3A_487 = arith.cmpi slt, %add3A_478, %broadcast_in_dim3A_486 : vector<16xi32>
          %and3A_488 = arith.andi %and3A_485, %lt3A_487 : vector<16xi1>
          %sub3A_489 = arith.subi %get3A_467, %broadcast_in_dim3A_479 : vector<16xi32>
          %jit3A_490 = arith.constant 0 : i32
          %broadcast_in_dim3A_491 = vector.broadcast %jit3A_490 : i32 to vector<16xi32>
          %select_n3A_492 = arith.select %and3A_488, %sub3A_489, %broadcast_in_dim3A_491 : vector<16xi1>, vector<16xi32>
          %broadcast_in_dim3A_493 = arith.constant 64 : i32
          %broadcast_in_dim3A_494 = vector.broadcast %broadcast_in_dim3A_493 : i32 to vector<16xi32>
          %div3A_495 = arith.divsi %select_n3A_492, %broadcast_in_dim3A_494 : vector<16xi32>
          %broadcast_in_dim3A_496 = arith.constant 64 : i32
          %broadcast_in_dim3A_497 = vector.broadcast %broadcast_in_dim3A_496 : i32 to vector<16xi32>
          %rem3A_498 = arith.remsi %select_n3A_492, %broadcast_in_dim3A_497 : vector<16xi32>
          %eq3A = arith.constant 0 : i32
          %eq3A_499 = vector.broadcast %eq3A : i32 to vector<16xi32>
          %eq3A_500 = arith.cmpi eq, %iota3A, %eq3A_499 : vector<16xi32>
          %and3A_501 = arith.andi %and3A_488, %eq3A_500 : vector<16xi1>
          tpu.vector_store_idx %arg12[%div3A_495, %rem3A_498], %get3A_471 masked %and3A_501 {add = true} : memref<800x64xf32, #tpu.memory_space<vmem>>[vector<16xi32>, vector<16xi32>], vector<16xf32>, vector<16xi1>
          %eq3A_502 = arith.constant 1 : i32
          %eq3A_503 = vector.broadcast %eq3A_502 : i32 to vector<16xi32>
          %eq3A_504 = arith.cmpi eq, %iota3A, %eq3A_503 : vector<16xi32>
          %and3A_505 = arith.andi %and3A_488, %eq3A_504 : vector<16xi1>
          tpu.vector_store_idx %arg12[%div3A_495, %rem3A_498], %get3A_471 masked %and3A_505 {add = true} : memref<800x64xf32, #tpu.memory_space<vmem>>[vector<16xi32>, vector<16xi32>], vector<16xf32>, vector<16xi1>
          %eq3A_506 = arith.constant 2 : i32
          %eq3A_507 = vector.broadcast %eq3A_506 : i32 to vector<16xi32>
          %eq3A_508 = arith.cmpi eq, %iota3A, %eq3A_507 : vector<16xi32>
          %and3A_509 = arith.andi %and3A_488, %eq3A_508 : vector<16xi1>
          tpu.vector_store_idx %arg12[%div3A_495, %rem3A_498], %get3A_471 masked %and3A_509 {add = true} : memref<800x64xf32, #tpu.memory_space<vmem>>[vector<16xi32>, vector<16xi32>], vector<16xf32>, vector<16xi1>
          %eq3A_510 = arith.constant 3 : i32
          %eq3A_511 = vector.broadcast %eq3A_510 : i32 to vector<16xi32>
          %eq3A_512 = arith.cmpi eq, %iota3A, %eq3A_511 : vector<16xi32>
          %and3A_513 = arith.andi %and3A_488, %eq3A_512 : vector<16xi1>
          tpu.vector_store_idx %arg12[%div3A_495, %rem3A_498], %get3A_471 masked %and3A_513 {add = true} : memref<800x64xf32, #tpu.memory_space<vmem>>[vector<16xi32>, vector<16xi32>], vector<16xf32>, vector<16xi1>
          %eq3A_514 = arith.constant 4 : i32
          %eq3A_515 = vector.broadcast %eq3A_514 : i32 to vector<16xi32>
          %eq3A_516 = arith.cmpi eq, %iota3A, %eq3A_515 : vector<16xi32>
          %and3A_517 = arith.andi %and3A_488, %eq3A_516 : vector<16xi1>
          tpu.vector_store_idx %arg12[%div3A_495, %rem3A_498], %get3A_471 masked %and3A_517 {add = true} : memref<800x64xf32, #tpu.memory_space<vmem>>[vector<16xi32>, vector<16xi32>], vector<16xf32>, vector<16xi1>
          %eq3A_518 = arith.constant 5 : i32
          %eq3A_519 = vector.broadcast %eq3A_518 : i32 to vector<16xi32>
          %eq3A_520 = arith.cmpi eq, %iota3A, %eq3A_519 : vector<16xi32>
          %and3A_521 = arith.andi %and3A_488, %eq3A_520 : vector<16xi1>
          tpu.vector_store_idx %arg12[%div3A_495, %rem3A_498], %get3A_471 masked %and3A_521 {add = true} : memref<800x64xf32, #tpu.memory_space<vmem>>[vector<16xi32>, vector<16xi32>], vector<16xf32>, vector<16xi1>
          %eq3A_522 = arith.constant 6 : i32
          %eq3A_523 = vector.broadcast %eq3A_522 : i32 to vector<16xi32>
          %eq3A_524 = arith.cmpi eq, %iota3A, %eq3A_523 : vector<16xi32>
          %and3A_525 = arith.andi %and3A_488, %eq3A_524 : vector<16xi1>
          tpu.vector_store_idx %arg12[%div3A_495, %rem3A_498], %get3A_471 masked %and3A_525 {add = true} : memref<800x64xf32, #tpu.memory_space<vmem>>[vector<16xi32>, vector<16xi32>], vector<16xf32>, vector<16xi1>
          %eq3A_526 = arith.constant 7 : i32
          %eq3A_527 = vector.broadcast %eq3A_526 : i32 to vector<16xi32>
          %eq3A_528 = arith.cmpi eq, %iota3A, %eq3A_527 : vector<16xi32>
          %and3A_529 = arith.andi %and3A_488, %eq3A_528 : vector<16xi1>
          tpu.vector_store_idx %arg12[%div3A_495, %rem3A_498], %get3A_471 masked %and3A_529 {add = true} : memref<800x64xf32, #tpu.memory_space<vmem>>[vector<16xi32>, vector<16xi32>], vector<16xf32>, vector<16xi1>
          %eq3A_530 = arith.constant 8 : i32
          %eq3A_531 = vector.broadcast %eq3A_530 : i32 to vector<16xi32>
          %eq3A_532 = arith.cmpi eq, %iota3A, %eq3A_531 : vector<16xi32>
          %and3A_533 = arith.andi %and3A_488, %eq3A_532 : vector<16xi1>
          tpu.vector_store_idx %arg12[%div3A_495, %rem3A_498], %get3A_471 masked %and3A_533 {add = true} : memref<800x64xf32, #tpu.memory_space<vmem>>[vector<16xi32>, vector<16xi32>], vector<16xf32>, vector<16xi1>
          %eq3A_534 = arith.constant 9 : i32
          %eq3A_535 = vector.broadcast %eq3A_534 : i32 to vector<16xi32>
          %eq3A_536 = arith.cmpi eq, %iota3A, %eq3A_535 : vector<16xi32>
          %and3A_537 = arith.andi %and3A_488, %eq3A_536 : vector<16xi1>
          tpu.vector_store_idx %arg12[%div3A_495, %rem3A_498], %get3A_471 masked %and3A_537 {add = true} : memref<800x64xf32, #tpu.memory_space<vmem>>[vector<16xi32>, vector<16xi32>], vector<16xf32>, vector<16xi1>
          %eq3A_538 = arith.constant 10 : i32
          %eq3A_539 = vector.broadcast %eq3A_538 : i32 to vector<16xi32>
          %eq3A_540 = arith.cmpi eq, %iota3A, %eq3A_539 : vector<16xi32>
          %and3A_541 = arith.andi %and3A_488, %eq3A_540 : vector<16xi1>
          tpu.vector_store_idx %arg12[%div3A_495, %rem3A_498], %get3A_471 masked %and3A_541 {add = true} : memref<800x64xf32, #tpu.memory_space<vmem>>[vector<16xi32>, vector<16xi32>], vector<16xf32>, vector<16xi1>
          %eq3A_542 = arith.constant 11 : i32
          %eq3A_543 = vector.broadcast %eq3A_542 : i32 to vector<16xi32>
          %eq3A_544 = arith.cmpi eq, %iota3A, %eq3A_543 : vector<16xi32>
          %and3A_545 = arith.andi %and3A_488, %eq3A_544 : vector<16xi1>
          tpu.vector_store_idx %arg12[%div3A_495, %rem3A_498], %get3A_471 masked %and3A_545 {add = true} : memref<800x64xf32, #tpu.memory_space<vmem>>[vector<16xi32>, vector<16xi32>], vector<16xf32>, vector<16xi1>
          %eq3A_546 = arith.constant 12 : i32
          %eq3A_547 = vector.broadcast %eq3A_546 : i32 to vector<16xi32>
          %eq3A_548 = arith.cmpi eq, %iota3A, %eq3A_547 : vector<16xi32>
          %and3A_549 = arith.andi %and3A_488, %eq3A_548 : vector<16xi1>
          tpu.vector_store_idx %arg12[%div3A_495, %rem3A_498], %get3A_471 masked %and3A_549 {add = true} : memref<800x64xf32, #tpu.memory_space<vmem>>[vector<16xi32>, vector<16xi32>], vector<16xf32>, vector<16xi1>
          %eq3A_550 = arith.constant 13 : i32
          %eq3A_551 = vector.broadcast %eq3A_550 : i32 to vector<16xi32>
          %eq3A_552 = arith.cmpi eq, %iota3A, %eq3A_551 : vector<16xi32>
          %and3A_553 = arith.andi %and3A_488, %eq3A_552 : vector<16xi1>
          tpu.vector_store_idx %arg12[%div3A_495, %rem3A_498], %get3A_471 masked %and3A_553 {add = true} : memref<800x64xf32, #tpu.memory_space<vmem>>[vector<16xi32>, vector<16xi32>], vector<16xf32>, vector<16xi1>
          %eq3A_554 = arith.constant 14 : i32
          %eq3A_555 = vector.broadcast %eq3A_554 : i32 to vector<16xi32>
          %eq3A_556 = arith.cmpi eq, %iota3A, %eq3A_555 : vector<16xi32>
          %and3A_557 = arith.andi %and3A_488, %eq3A_556 : vector<16xi1>
          tpu.vector_store_idx %arg12[%div3A_495, %rem3A_498], %get3A_471 masked %and3A_557 {add = true} : memref<800x64xf32, #tpu.memory_space<vmem>>[vector<16xi32>, vector<16xi32>], vector<16xf32>, vector<16xi1>
          %eq3A_558 = arith.constant 15 : i32
          %eq3A_559 = vector.broadcast %eq3A_558 : i32 to vector<16xi32>
          %eq3A_560 = arith.cmpi eq, %iota3A, %eq3A_559 : vector<16xi32>
          %and3A_561 = arith.andi %and3A_488, %eq3A_560 : vector<16xi1>
          tpu.vector_store_idx %arg12[%div3A_495, %rem3A_498], %get3A_471 masked %and3A_561 {add = true} : memref<800x64xf32, #tpu.memory_space<vmem>>[vector<16xi32>, vector<16xi32>], vector<16xf32>, vector<16xi1>
          %scan3A_562 = arith.constant 0 : i32
          scf.yield %scan3A_562 : i32
        }
        %scan3A_461 = arith.constant 64 : i32
        scf.yield %scan3A_460 : i32
      }
      "tpu.region"() ({
        %run_scoped3A = tpu.sem_alloc : memref<!tpu.dma_semaphore, #tpu.memory_space<semaphore_mem>>
        %dma_start3A = arith.constant 0 : i32
        %dma_start3A_447 = tpu.memref_slice %arg5[%multiple_of3A_431, %dma_start3A] : memref<1000000x64xf32, #tpu.memory_space<hbm>> -> memref<800x64xf32, #tpu.memory_space<hbm>>
        %dma_start3A_448 = arith.constant 0 : i32
        %dma_start3A_449 = tpu.memref_slice %arg5[%multiple_of3A_431, %dma_start3A_448] : memref<1000000x64xf32, #tpu.memory_space<hbm>> -> memref<800x64xf32, #tpu.memory_space<hbm>>
        tpu.enqueue_dma source(%arg12 : memref<800x64xf32, #tpu.memory_space<vmem>>) target(%dma_start3A_449 : memref<800x64xf32, #tpu.memory_space<hbm>>) target_semaphore(%run_scoped3A : memref<!tpu.dma_semaphore, #tpu.memory_space<semaphore_mem>>)
        %dma_wait3A = arith.constant 0 : i32
        %dma_wait3A_450 = tpu.memref_slice %arg5[%multiple_of3A_431, %dma_wait3A] : memref<1000000x64xf32, #tpu.memory_space<hbm>> -> memref<800x64xf32, #tpu.memory_space<hbm>>
        %dma_wait3A_451 = arith.constant 0 : i32
        %dma_wait3A_452 = tpu.memref_slice %arg5[%multiple_of3A_431, %dma_wait3A_451] : memref<1000000x64xf32, #tpu.memory_space<hbm>> -> memref<800x64xf32, #tpu.memory_space<hbm>>
        tpu.wait_dma2 semaphore(%run_scoped3A : memref<!tpu.dma_semaphore, #tpu.memory_space<semaphore_mem>>) src(%arg12 : memref<800x64xf32, #tpu.memory_space<vmem>>) dst(%dma_wait3A_452 : memref<800x64xf32, #tpu.memory_space<hbm>>)
        tpu.yield
      }) : () -> ()
      %while3A_446 = arith.constant 0 : i32
      scf.yield %while3A_446 : i32
    }
    return
  }
}

</mosaic_0001>

<sc_bundles>
// kernel: _scatter_add.3.cloned.1.call-start
scs
__scs_entry_jumppad:
0x0: {  	(pc) =	sbr.rel $0x88, $3  }
0x1: {  	(tag) =	ssettag $0x0;
	lr =	simm.s32 $0x1  }
0x2: {  	[smem:$0x3F9E] =	sst lr;
	_ =	strace $0xD0000000  }
0x3: {  	_ = 	snop  }
0x4: {  	_ = 	snop  }
0x5: {  	_ = 	snop  }
0x6: {  	_ = 	snop  }
0x7: {  	_ = 	snop  }
__scs_overlays_trampoline_lowered:
0x8: {  	[smem:$0x3FAD] =	sst s0  }
0x9: {  	[smem:$0x3FAE] =	sst s1  }
0xa: {  	[smem:$0x3FAF] =	sst s2  }
0xb: {  	[smem:$0x3FB0] =	sst s3  }
0xc: {  	[smem:$0x3FB1] =	sst s4  }
0xd: {  	[smem:$0x3FB2] =	sst s5  }
0xe: {  	[smem:$0x3FB3] =	sst s6  }
0xf: {  	[smem:$0x3FB4] =	sst s7  }
0x10: {  	[smem:$0x3FB5] =	sst s8  }
0x11: {  	[smem:$0x3FB6] =	sst s9;
	s0 =	simm.s32 @!p0 $0x0  }
0x12: {  	s1 =	sld [smem:$0x3F9C];
	s0 =	simm.s32 @p0 $0x1  }
0x13: {  	[smem:$0x3FB7] =	sst s0;
	s0 =	simm.s32 @!p1 $0x0  }
0x14: {  	s2 =	sld [smem:$0x3F9B];
	s0 =	simm.s32 @p1 $0x1  }
0x15: {  	[smem:$0x3FB8] =	sst s0;
	s0 =	simm.s32 @!p2 $0x0  }
0x16: {  	s3 =	sld [smem:$0x3FDB];
	s0 =	simm.s32 @p2 $0x1  }
0x17: {  	s4 =	simm.s32 $0x1BF5;
	[smem:$0x3FBA] =	sst s0  }
0x18: {  	s0 =	sld [smem:$0x3F9D];
	_ =	swait.ge [sflag:s4], $0x0  }
0x19: {  	s7 =	sld [smem:$0x3F9E]  }
0x1a: {  	s8 =	sadd.s32 $0xFFFFE003, lr  }
0x1b: {  	s9 =	sadd.s32 $0xFFFFFEF7, lr;
	s5 =	simm.s32 $0xFFFFFFFF;
	p2 =	slt.u32 s8, $0xFFFFF086  }
0x1c: {  	p1 =	slt.u32 s9, $0xF7A;
	s5 =	simm.s32 @!p2 $0x0  }
0x1d: {  	s5 =	simm.s32 @p1 $0x1;
	p0 =	seq.s32 s7, s2  }
0x1e: {  	s7 =	smul.u32 @!p0 $0xF7A, s2;
	p2 =	seq.s32 @!p0 s5, $0x0  }
0x1f: {  	s9 =	smul.u32 $0xF7A, s1;
	s8 =	simm.s32 @!p0 $0x1BF5;
	p2 =	por !p2, p0  }
0x20: {  	[sflag:s8] =	ssyncset.s32 @!p0 $0xFFFFF086;
	s6 =	sadd.s32 @!p0 s3, s7;
	s7 =	simm.s32 @!p0 $0x108  }
0x21: {  	s3 =	sadd.s32 s3, s9;
	s6 =	sadd.s32 @!p0 $0x88, s6;
	s7 =	simm.s32 @p2 $0x1082  }
0x22: {  	[simem:s7], [sflag:s8] =	dma.local @!p0 [hbm:s6], $0xF7A  }
0x23: {  	s9 =	sor.u32 $0xD0000000, s2;
	s6 =	simm.s32 $0x108;
	_ =	swait.ge @!p0 [sflag:s8], $0x0  }
0x24: {  	s3 =	sadd.s32 $0x88, s3;
	s6 =	simm.s32 @!p1 $0x1082;
	[sflag:s4] =	ssyncset.s32 $0xFFFFF086  }
0x25: {  	[simem:s6], [sflag:s4] =	dma.local [hbm:s3], $0xF7A  }
0x26: {  	[smem:$0x3F9E] =	sst s1;
	(tag) =	ssettag s2;
	_ =	strace s9  }
0x27: {  	s1 =	sld [smem:$0x3FAE]  }
0x28: {  	s2 =	sld [smem:$0x3FAF]  }
0x29: {  	s4 =	sld [smem:$0x3FB1]  }
0x2a: {  	p0 =	seq.s32 s5, $0x0;
	s5 =	sld [smem:$0x3FB2]  }
0x2b: {  	s6 =	sld [smem:$0x3FB3]  }
0x2c: {  	s7 =	sld [smem:$0x3FB4]  }
0x2d: {  	s3 =	simm.s32 $0x108;
	s8 =	sld [smem:$0x3FB5]  }
0x2e: {  	s3 =	simm.s32 @!p0 $0x1082;
	s9 =	sld [smem:$0x3FB6]  }
0x2f: {  	lr =	sadd.s32 s0, s3;
	s0 =	sld [smem:$0x3FAD]  }
0x30: {  	s3 =	sld [smem:$0x3FB0]  }
0x31: {  	[smem:$0x3FB9] =	sst s10  }
0x32: {  	s10 =	sld [smem:$0x3FB7];
	_ =	sdelay $0x3  }
0x33: {  	p0 =	seq.s32 s10, $0x1;
	s10 =	sld [smem:$0x3FB9];
	_ =	sdelay $0x3  }
0x34: {  	[smem:$0x3FB9] =	sst s10  }
0x35: {  	s10 =	sld [smem:$0x3FB8];
	_ =	sdelay $0x3  }
0x36: {  	p1 =	seq.s32 s10, $0x1;
	s10 =	sld [smem:$0x3FB9];
	_ =	sdelay $0x3  }
0x37: {  	[smem:$0x3FB9] =	sst s10  }
0x38: {  	s10 =	sld [smem:$0x3FBA]  }
0x39: {  	_ = 	snop;
	(pc) =	sbr.ind lr, $3  }
0x3a: {  	_ = 	snop  }
0x3b: {  	_ = 	snop  }
0x3c: {  	p2 =	seq.s32 s10, $0x1;
	s10 =	sld [smem:$0x3FB9]  }
0x3d: {  	_ =	shalt  }
0x3e: {  	_ =	shalt  }
0x3f: {  	_ =	shalt  }
0x40: {  	_ =	shalt  }
0x41: {  	_ =	shalt  }
0x42: {  	_ =	shalt  }
0x43: {  	_ =	shalt  }
0x44: {  	_ =	shalt  }
0x45: {  	_ =	shalt  }
0x46: {  	_ =	shalt  }
0x47: {  	_ =	shalt  }
0x48: {  	_ =	shalt  }
0x49: {  	_ =	shalt  }
0x4a: {  	_ =	shalt  }
0x4b: {  	_ =	shalt  }
0x4c: {  	_ =	shalt  }
0x4d: {  	_ =	shalt  }
0x4e: {  	_ =	shalt  }
0x4f: {  	_ =	shalt  }
0x50: {  	_ =	shalt  }
0x51: {  	_ =	shalt  }
0x52: {  	_ =	shalt  }
0x53: {  	_ =	shalt  }
0x54: {  	_ =	shalt  }
0x55: {  	_ =	shalt  }
0x56: {  	_ =	shalt  }
0x57: {  	_ =	shalt  }
0x58: {  	_ =	shalt  }
0x59: {  	_ =	shalt  }
0x5a: {  	_ =	shalt  }
0x5b: {  	_ =	shalt  }
0x5c: {  	_ =	shalt  }
0x5d: {  	_ =	shalt  }
0x5e: {  	_ =	shalt  }
0x5f: {  	_ =	shalt  }
0x60: {  	_ =	shalt  }
0x61: {  	_ =	shalt  }
0x62: {  	_ =	shalt  }
0x63: {  	_ =	shalt  }
0x64: {  	_ =	shalt  }
0x65: {  	_ =	shalt  }
0x66: {  	_ =	shalt  }
0x67: {  	_ =	shalt  }
0x68: {  	_ =	shalt  }
0x69: {  	_ =	shalt  }
0x6a: {  	_ =	shalt  }
0x6b: {  	_ =	shalt  }
0x6c: {  	_ =	shalt  }
0x6d: {  	_ =	shalt  }
0x6e: {  	_ =	shalt  }
0x6f: {  	_ =	shalt  }
0x70: {  	_ =	shalt  }
0x71: {  	_ =	shalt  }
0x72: {  	_ =	shalt  }
0x73: {  	_ =	shalt  }
0x74: {  	_ =	shalt  }
0x75: {  	_ =	shalt  }
0x76: {  	_ =	shalt  }
0x77: {  	_ =	shalt  }
0x78: {  	_ =	shalt  }
0x79: {  	_ =	shalt  }
0x7a: {  	_ =	shalt  }
0x7b: {  	_ =	shalt  }
0x7c: {  	_ =	shalt  }
0x7d: {  	_ =	shalt  }
0x7e: {  	_ =	shalt  }
0x7f: {  	_ =	shalt  }
0x80: {  	_ =	shalt  }
0x81: {  	_ =	shalt  }
0x82: {  	_ =	shalt  }
0x83: {  	_ =	shalt  }
0x84: {  	_ =	shalt  }
0x85: {  	_ =	shalt  }
0x86: {  	_ =	shalt  }
0x87: {  	_ =	shalt  }
.Lfunc_end0:
.L_simem_size_0:
called_computation_lowered:
.L_overlay_start_0:
0x88: {  	s2 =	sld [smem:$0x3FD9]  }
0x89: {  	s3 =	sld [smem:$0x3FFE];
	_ =	sdelay $0x1  }
0x8a: {  	s1 =	srdreg.scid  }
0x8b: {  	s0 =	sand.u32 $0x1, s1  }
0x8c: {  	s17 =	sshll.u32 s0, $0xA;
	s2 =	sadd.s32 s3, s2  }
0x8d: {  	s2 =	sadd.s32 s2, s17  }
0x8e: {  	[smem:$0x3FC5] =	sst s2  }
0x8f: {  	_ = 	snop  }
0x90: {  	s2 =	sld [smem:$0x3FD0];
	(tm) =	ssettm $0x1  }
0x91: {  	s18 =	sld [smem:$0x3FFB];
	_ =	sdelay $0x3  }
0x92: {  	_ =	strace s18  }
0x93: {  	s3 =	sld [smem:$0x3FFC];
	_ =	sdelay $0x3  }
0x94: {  	_ =	strace s3  }
0x95: {  	s3 =	sld [smem:$0x3FFD];
	_ =	sdelay $0x3  }
0x96: {  	_ =	strace s3  }
0x97: {  	_ =	strace $0x8FFFFFFF  }
0x98: {  	s19 =	sld [smem:$0x3FDB];
	_ =	sdelay $0x1  }
0x99: {  	s4 =	simm.s32 $_scs_section_size  }
0x9a: {  	s5 =	simm.s32 $_size__tile_overlayer_lowered;
	s6 =	simm.s32 $_tile_overlayer_lowered  }
0x9b: {  	s22 =	simm.s32 $0x1BFF;
	s21 =	sshll.u32 s6, $0x1;
	s3 =	sadd.s32 s4, s19  }
0x9c: {  	s7 =	simm.s32 $0x0;
	s20 =	sshll.u32 s5, $0x1;
	s5 =	sadd.s32 s21, s3  }
0x9d: {  	[timem:s7], [sflag:s22] =	dma.local [hbm:s5], s20  }
0x9e: {  	_ =	swait.ge [sflag:s22], s20  }
0x9f: {  	s4 =	ssub.s32 $0x0, s20;
	[sflag:s22] =	ssyncset.done $0x0  }
0xa0: {  	[sflag:s22] =	ssyncadd.s32 s4;
	_ =	sdelay $0x1  }
0xa1: {  	s23 =	simm.s32 $0x1B8B  }
0xa2: {  	_ =	swait.ge [sflag:s23], $0x1  }
0xa3: {  	[sflag:s23] =	ssyncset.done $0x0  }
0xa4: {  	s25 =	simm.s32 $0x1B8E;
	s24 =	sld [smem:$0x3FFE];
	[sflag:s23] =	ssyncadd.s32 $0xFFFFFFFF  }
0xa5: {  	s26 =	simm.s32 $execute0_lowered;
	[smem:$0x3FD2] =	sst s25  }
0xa6: {  	s5 =	sshll.u32 s26, $0x1;
	_ =	strace $0x80000046;
	[dreg:$0x1] =	wrdreg $0xFFFFFFFF  }
0xa7: {  	s28 =	simm.s32 $_size_execute0_lowered;
	s3 =	sadd.s32 s3, s5;
	[dreg:$0x0] =	wrdreg $0x0  }
0xa8: {  	s5 =	sshll.u32 s28, $0x1;
	[dreg:$0x2] =	wrdreg s3  }
0xa9: {  	[dreg:$0x3] =	wrdreg s5  }
0xaa: {  	[dreg:$0x4] =	wrdreg $0xC0  }
0xab: {  	_ =	task [dreg:s7], $0x5FFFF  }
0xac: {  	[dreg:$0x1] =	wrdreg $0xFFFFFFFF  }
0xad: {  	[dreg:$0x0] =	wrdreg $0x60  }
0xae: {  	[dreg:$0x2] =	wrdreg s24  }
0xaf: {  	[dreg:$0x3] =	wrdreg s2  }
0xb0: {  	[dreg:$0x4] =	wrdreg $0x9  }
0xb1: {  	_ =	task.clear_ibuf [dreg:s7], $0x5FFFF;
	_ =	strace $0x90000046  }
0xb2: {  	s29 =	simm.s32 $0x9;
	_ =	strace $0x80000048  }
0xb3: {  	_ =	swait.ge [sflag:s29], $0x1  }
0xb4: {  	[sflag:s29] =	ssyncadd.s32 $0xFFFFFFFF  }
0xb5: {  	_ =	strace $0x90000048  }
0xb6: {  	_ =	sfence  }
0xb7: {  	s30 =	sld [smem:$0x0];
	_ =	sdelay $0x2  }
0xb8: {  	s31 =	sshll.u32 s1, $0xD;
	s1 =	sshrl.u32 s1, $0x2  }
0xb9: {  	s3 =	sand.u32 $0x4000, s31;
	s1 =	sadd.s32 s1, s30  }
0xba: {  	s0 =	sor.u32 s3, s0;
	s1 =	sshll.u32 s1, $0x11  }
0xbb: {  	s0 =	sor.u32 s1, s0  }
0xbc: {  	s0 =	sadd.s32 $0x8F2B, s0  }
0xbd: {  	[sflag:s0] =	ssyncadd.remote.s32 $0x1  }
0xbe: {  	_ =	sfence.sel $0xFFFF  }
0xbf: {  	[dreg:$0x0] =	wrdreg $0xFFFFFFFF;
	(pc) =	sbr.abs _section_cstart, $3  }
0xc0: {  	[dreg:$0x1] =	wrdreg $0xFFFFFFFF  }
0xc1: {  	_ =	task.clear_ibuf [dreg:s7], $0x2FFFF;
	_ =	strace $0x9FFFFFFF  }
0xc2: {  	(tm) =	ssettm $0x7FFFFFFF  }
0xc3: {  	_ =	shalt  }
tec
execute0_lowered:
.L_overlay_start_1:
0x0: {  	(tag) =	ssettag $0x1  }
0x1: {  	v1 =	vimm.s32 $0xECA86420;
	vm11 =	vcmask $0xB08;
	vm8 =	vcmask $0x1310  }
0x2: {  	v2 =	vimm.s32 $0xE40000;
	vm1 =	vcmask $0x1B18;
	vm7 =	vcmask $0x704  }
0x3: {  	vm13 =	vcmask $0x1714;
	vm10 =	vcmask $0x2F2C;
	v3 =	vimm.s32 $0x7060504  }
0x4: {  	vm4 =	vcmask $0x3734;
	vm2 =	vcmask $0x3F30;
	vm15 =	vmmov $0xff  }
0x5: {  	v6 =	vimm.s32 $0x65432100;
	v7 =	vimm.s32 $0xEDCBA987;
	v8 =	vimm.s32 $0x54321000  }
0x6: {  	v9 =	vimm.s32 $0xDCBA9876;
	v10 =	vimm.s32 $0xBA987654;
	v11 =	vimm.s32 $0x32100000  }
0x7: {  	vm0 =	vmmov $0x3;
	vm3 =	vmmov $0xf;
	v31 =	vimm.s32 $0x0  }
0x8: {  	s0 =	srdreg.scid;
	s2 =	stileid.u32;
	v1 =	vunpack.c.l.s4.s8 v1;
	v2 =	vunpack.c.l.s2.s4 v2;
	v5 =	vunpack.c.0.s8.s32 v3  }
0x9: {  	s3 =	simm.s32 $0x0;
	s0 =	sand.u32 $0x1, s0;
	s1 =	sshll.u32 s2, $0x1;
	v6 =	vunpack.c.l.s4.s8 v6;
	v7 =	vunpack.c.l.s4.s8 v7;
	v9 =	vunpack.c.l.s4.s8 v9  }
0xa: {  	v10 =	vunpack.c.l.s4.s8 v10;
	v8 =	vunpack.c.l.s4.s8 v8;
	[smem:$0x7FF] =	sst s3;
	v31 =	vsel vm3, $0xFFFFFFFF, v31;
	s5 =	sor.u32 s0, s1  }
0xb: {  	s28 =	rddreg [dreg:$0x0];
	v11 =	vunpack.c.l.s4.s8 v11;
	_ =	strace $0x80000047;
	[tilespmem:$0x1FFD0] =	vst v31;
	v31 =	vimm.s32 $0x0;
	v0 =	vmov s5  }
0xc: {  	v1 =	vunpack.c.0.s8.s32 v1;
	v2 =	vunpack.c.l.s4.s8 v2;
	v7 =	vunpack.c.0.s8.s32 v7  }
0xd: {  	v6 =	vunpack.c.0.s8.s32 v6;
	v9 =	vunpack.c.0.s8.s32 v9;
	v10 =	vunpack.c.0.s8.s32 v10  }
0xe: {  	v8 =	vunpack.c.0.s8.s32 v8;
	v11 =	vunpack.c.0.s8.s32 v11;
	v31 =	vsel vm15, $0xFFFFFFFF, v31  }
0xf: {  	[tilespmem:$0x1FFE0] =	vst v31;
	v31 =	vimm.s32 $0x0;
	v4 =	vunpack.c.0.s8.s32 v2;
	v2 =	vlaneseq.u32  }
0x10: {  	v7 =	vand.u32 $0xF, v7;
	v31 =	vsel vm0, $0xFFFFFFFF, v31;
	v3 =	vmul.u32 $0x2, v2  }
0x11: {  	s29 =	sadd.s32 $0x800, s28;
	v6 =	vcombine.low v6, v7;
	v7 =	vand.u32 $0xF, v9;
	v9 =	vand.u32 $0xF, v10  }
0x12: {  	s30 =	sadd.s32 $0x40800, s28;
	[dreg:$0x4] =	wrdreg s29;
	v10 =	vor.u32 $0x20, v2;
	v12 =	vadd.s32 $0x1, v2;
	v13 =	vadd.s32 $0x11, v2  }
0x13: {  	s11 =	simm.s32 $0x28;
	s8 =	sadd.s32 $0x80800, s28;
	[dreg:$0x5] =	wrdreg s30;
	v14 =	vadd.s32 $0x21, v2;
	v15 =	vadd.s32 $0x31, v2;
	v16 =	vadd.s32 $0x41, v2  }
0x14: {  	s9 =	sadd.s32 $0x13C4000, s28;
	s10 =	sadd.s32 $0xFC2C00, s28;
	[dreg:$0x6] =	wrdreg s8;
	v17 =	vadd.s32 $0x51, v2;
	v18 =	vadd.s32 $0x61, v2;
	v19 =	vadd.s32 $0x71, v2  }
0x15: {  	p0 =	seq.s32 s2, $0x0;
	s0 =	ssub.s32 $0x2, s0;
	[dreg:$0x7] =	wrdreg s9;
	v20 =	vadd.s32 $0x81, v2;
	v21 =	vadd.s32 $0x91, v2;
	v22 =	vadd.s32 $0xA1, v2  }
.Ltmp0:
0x16: {  	s11 =	simm.s32 @!p0 $0x27;
	[dreg:$0x8] =	wrdreg s10;
	v23 =	vadd.s32 $0xB1, v2;
	v24 =	vadd.s32 $0xC1, v2;
	v25 =	vadd.s32 $0xD1, v2;
	(pc) =	sbr.rel .LBB2_1-.Ltmp0, $4  }
0x17: {  	s31 =	sshrl.u32 s0, $0x1;
	s12 =	smul.u32 $0x100500, s5;
	[dreg:$0x3] =	wrdreg s5;
	v26 =	vadd.s32 $0xE1, v2;
	v27 =	vadd.s32 $0xF1, v2;
	v28 =	vadd.s32 $0x101, v2  }
0x18: {  	s13 =	simm.s32 $0x1;
	[dreg:$0x9] =	wrdreg s11;
	s0 =	ssub.s32 s0, s31;
	v29 =	vadd.s32 $0x111, v2;
	v30 =	vadd.s32 $0x121, v2;
	v4 =	vand.u32 $0x3, v4  }
0x19: {  	s23 =	simm.s32 $0x4000;
	s0 =	smax.u32 s0, $0x1;
	[dreg:$0xa] =	wrdreg s12;
	v7 =	vcombine.low v8, v7;
	v8 =	vcombine.low v11, v9;
	v9 =	vor.u32 $0x10, v2  }
0x1a: {  	s17 =	simm.s32 $0x4300;
	s1 =	simm.s32 $0x0;
	[dreg:$0xb] =	wrdreg s0;
	[tilespmem:$0x1FFF0] =	vst v31;
	v11 =	vor.u32 $0x30, v2;
	v4 =	vsel vm2, v5, v4;
	v5 =	vimm.s32 $0x0  }
.LBB2_12:
0x1b: {  	s1 =	rddreg [dreg:$0xc]  }
0x1c: {  	s0 =	rddreg [dreg:$0xb];
	s1 =	sadd.s32 $0x1, s1  }
0x1d: {  	v31 =	vld [tilespmem:$0x1FFE0];
	p0 =	sne.s32 s1, s0  }
.Ltmp1:
0x1e: {  	_ = 	snop;
	(pc) =	sbr.rel @!p0 .LBB2_13-.Ltmp1, $3  }
0x1f: {  	_ =	sdelay $0x1  }
0x20: {  	vm10 =	vcmask $0x2F2C;
	vm4 =	vcmask $0x3734  }
0x21: {  	s23 =	simm.s32 $0x4000;
	vm8 =	vcmask $0x1310;
	vm1 =	vcmask $0x1B18;
	vm15 =	vnez.u8 v31  }
.LBB2_1:
0x22: {  	[dreg:$0xc] =	wrdreg s1  }
0x23: {  	s21 =	simm.s32 $0x0;
	s25 =	simm.s32 $0x0;
	s0 =	simm.s32 $0x0  }
.LBB2_2:
0x24: {  	s29 =	sshll.u32 s0, $0xA;
	s1 =	rddreg [dreg:$0x4]  }
0x25: {  	[dreg:$0xd] =	wrdreg s0;
	s2 =	simm.s32 $0x0;
	s1 =	sadd.s32 s1, s29  }
0x26: {  	[tilespmem:s2], [sflag:$0x1] =	stream.linear.gather [hbm4b:s1+s2], $0x2000, $0x38;
	[tilespmem:$0x1DB00] =	vst v63  }
0x27: {  	_ =	swait.ge [sflag:s13], $0x2000  }
0x28: {  	[sflag:s13] =	ssyncset.done $0x0;
	s30 =	rddreg [dreg:$0x5]  }
0x29: {  	s31 =	simm.s32 $0x2000;
	[sflag:s13] =	ssyncadd.s32 $0xFFFFE000;
	s0 =	sadd.s32 s30, s29  }
0x2a: {  	[tilespmem:s31], [sflag:$0x1] =	stream.linear.gather [hbm4b:s0+s2], $0x2000, $0x38;
	[tilespmem:$0x1DB00] =	vst v63  }
0x2b: {  	_ =	swait.ge [sflag:s13], $0x2000  }
0x2c: {  	[sflag:s13] =	ssyncset.done $0x0  }
0x2d: {  	[sflag:s13] =	ssyncadd.s32 $0xFFFFE000  }
.LBB2_3:
0x2e: {  	s24 =	sshra.s32 s2, $0x2  }
0x2f: {  	v31 =	vld [tilespmem:s24+$0x0];
	_ =	sdelay $0x4  }
0x30: {  	(v2sf) =	vpush v31, $0xD;
	_ =	sdelay $0x1  }
0x31: {  	(v2sf) =	vpush v31, $0xC;
	_ =	sdelay $0x1  }
0x32: {  	(v2sf) =	vpush v31, $0xE;
	_ =	sdelay $0x1  }
0x33: {  	(v2sf) =	vpush v31, $0xF;
	_ =	sdelay $0x1  }
0x34: {  	(v2sf) =	vpush v31, $0x9;
	_ =	sdelay $0x1  }
0x35: {  	(v2sf) =	vpush v31, $0x8;
	_ =	sdelay $0x1  }
0x36: {  	(v2sf) =	vpush v31, $0xA;
	_ =	sdelay $0x1  }
0x37: {  	(v2sf) =	vpush v31, $0xB  }
0x38: {  	s0 =	spop (v2sf)  }
0x39: {  	(v2sf) =	vpush v31, $0x0;
	s1 =	smulhi.u32 $0x51EB851F, s0;
	s0 =	sshra.s32 s0, $0x1F  }
0x3a: {  	s15 =	spop (v2sf);
	s0 =	smul.u32 $0x51EB851F, s0  }
0x3b: {  	[dreg:$0xe] =	wrdreg s2;
	(v2sf) =	vpush v31, $0x7;
	s3 =	smulhi.u32 $0x51EB851F, s15;
	s2 =	sshra.s32 s15, $0x1F  }
0x3c: {  	s4 =	spop (v2sf);
	s2 =	smul.u32 $0x51EB851F, s2  }
0x3d: {  	(v2sf) =	vpush v31, $0x1;
	s5 =	smulhi.u32 $0x51EB851F, s4;
	s4 =	sshra.s32 s4, $0x1F  }
0x3e: {  	s6 =	spop (v2sf);
	s4 =	smul.u32 $0x51EB851F, s4  }
0x3f: {  	(v2sf) =	vpush v31, $0x2;
	s7 =	smulhi.u32 $0x51EB851F, s6;
	s6 =	sshra.s32 s6, $0x1F  }
0x40: {  	s8 =	spop (v2sf);
	s6 =	smul.u32 $0x51EB851F, s6  }
0x41: {  	s26 =	sadd.s32 s0, s1;
	(v2sf) =	vpush v31, $0x3;
	s16 =	smulhi.u32 $0x51EB851F, s8;
	s18 =	sshra.s32 s8, $0x1F  }
0x42: {  	s9 =	sshra.s32 s26, $0x8;
	s10 =	spop (v2sf);
	s8 =	smul.u32 $0x51EB851F, s18  }
0x43: {  	s0 =	sadd.s32 s2, s3;
	(v2sf) =	vpush v31, $0x4;
	s19 =	smulhi.u32 $0x51EB851F, s10;
	s20 =	sshra.s32 s10, $0x1F  }
0x44: {  	s15 =	sshra.s32 s0, $0x8;
	s22 =	spop (v2sf);
	s3 =	smul.u32 $0x51EB851F, s20  }
0x45: {  	s30 =	sadd.s32 s4, s5;
	(v2sf) =	vpush v31, $0x5;
	s28 =	smulhi.u32 $0x51EB851F, s22;
	s10 =	sshra.s32 s22, $0x1F  }
0x46: {  	s11 =	sshra.s32 s30, $0x8;
	s12 =	spop (v2sf);
	s5 =	smul.u32 $0x51EB851F, s10  }
0x47: {  	s29 =	sadd.s32 s6, s7;
	s6 =	smulhi.u32 $0x51EB851F, s12;
	s13 =	sshra.s32 s12, $0x1F  }
0x48: {  	s31 =	sadd.s32 s8, s16;
	s16 =	spop (v2sf);
	s14 =	smul.u32 $0x51EB851F, s13  }
0x49: {  	(v2sf) =	vpush v31, $0x6;
	s20 =	sadd.s32 s3, s19;
	s18 =	smulhi.u32 $0x51EB851F, s16;
	s19 =	sshra.s32 s16, $0x1F  }
0x4a: {  	s12 =	sadd.s32 s5, s28;
	s22 =	smul.u32 $0x51EB851F, s19;
	s28 =	spop (v2sf)  }
0x4b: {  	s2 =	sadd.s32 s14, s6;
	s6 =	smulhi.u32 $0x51EB851F, s28;
	s5 =	sshra.s32 s28, $0x1F  }
0x4c: {  	s14 =	sadd.s32 s22, s18;
	s10 =	spop (v2sf);
	s8 =	smul.u32 $0x51EB851F, s5  }
0x4d: {  	s7 =	sshra.s32 s14, $0x8;
	s13 =	smulhi.u32 $0x51EB851F, s10;
	s4 =	sshra.s32 s10, $0x1F  }
0x4e: {  	s18 =	spop (v2sf);
	s5 =	sshra.s32 s14, $0x1F;
	s16 =	smul.u32 $0x51EB851F, s4  }
0x4f: {  	s3 =	sshra.s32 s18, $0x1F;
	s28 =	sadd.s32 s8, s6;
	s8 =	smulhi.u32 $0x51EB851F, s18  }
0x50: {  	s22 =	spop (v2sf);
	s3 =	smul.u32 $0x51EB851F, s3;
	s19 =	sshra.s32 s28, $0x1F  }
0x51: {  	vm0 =	vcmask $0x300;
	s1 =	smulhi.u32 $0x51EB851F, s22;
	s6 =	sadd.s32 s16, s13;
	s13 =	sshra.s32 s22, $0x1F;
	v32 =	vmov s19  }
0x52: {  	s18 =	spop (v2sf);
	s16 =	sshra.s32 s6, $0x8;
	s4 =	smul.u32 $0x51EB851F, s13;
	v33 =	vsel vm0, s7, v32  }
0x53: {  	v34 =	vmov s15;
	s19 =	smulhi.u32 $0x51EB851F, s18;
	s18 =	sshra.s32 s18, $0x1F;
	s10 =	sadd.s32 s3, s8;
	v33 =	vsel vm7, s5, v33  }
0x54: {  	vm9 =	vcmask $0xF0C;
	v34 =	vsel vm11, s9, v34;
	s7 =	sshra.s32 s6, $0x1F;
	s8 =	smul.u32 $0x51EB851F, s18;
	s18 =	spop (v2sf);
	v33 =	vsel vm11, s16, v33  }
0x55: {  	v34 =	vsel vm8, s11, v34;
	s11 =	sshra.s32 s31, $0x8;
	s13 =	sshra.s32 s10, $0x8;
	s22 =	smulhi.u32 $0x51EB851F, s18;
	v33 =	vsel vm9, s7, v33  }
0x56: {  	s3 =	sadd.s32 s4, s1;
	s16 =	sshra.s32 s18, $0x1F;
	s18 =	sshra.s32 s10, $0x1F;
	v33 =	vsel vm8, s13, v33  }
0x57: {  	s4 =	sadd.s32 s8, s19;
	s19 =	sshra.s32 s3, $0x8;
	s8 =	sshra.s32 s3, $0x1F;
	v33 =	vsel vm13, s18, v33  }
0x58: {  	vm14 =	vmmov vm10;
	vm10 =	vcmask $0x1F1C;
	s16 =	smul.u32 $0x51EB851F, s16;
	s9 =	sshra.s32 s4, $0x1F;
	s13 =	spop (v2sf);
	v33 =	vsel vm1, s19, v33  }
0x59: {  	vm12 =	vcmask $0x2320;
	vm3 =	vcmask $0x2724;
	s15 =	sshra.s32 s13, $0x1F;
	s19 =	smulhi.u32 $0x51EB851F, s13;
	s13 =	sshra.s32 s4, $0x8;
	v33 =	vsel vm10, s8, v33  }
0x5a: {  	vm5 =	vcmask $0x3330;
	vm2 =	vcmask $0x3B38;
	s1 =	sadd.s32 s16, s22;
	s15 =	smul.u32 $0x51EB851F, s15;
	v33 =	vsel vm12, s13, v33;
	s13 =	sshra.s32 s20, $0x8  }
0x5b: {  	s16 =	sshra.s32 s29, $0x8;
	s22 =	sshra.s32 s12, $0x8;
	v35 =	vmov s13;
	v33 =	vsel vm3, s9, v33;
	s13 =	sshra.s32 s1, $0x8;
	vm3 =	vcmask $0x2B28  }
0x5c: {  	v34 =	vsel vm1, s16, v34;
	s16 =	sshrl.u32 s14, $0x1F;
	s19 =	sadd.s32 s15, s19;
	v35 =	vsel vm11, s11, v35;
	v33 =	vsel vm3, s13, v33;
	s11 =	sshra.s32 s1, $0x1F  }
0x5d: {  	v36 =	vmov s16;
	s15 =	sshra.s32 s19, $0x8;
	v35 =	vsel vm8, s22, v35;
	s22 =	sshra.s32 s2, $0x8;
	v33 =	vsel vm14, s11, v33  }
0x5e: {  	s16 =	sshrl.u32 s20, $0x1F;
	v36 =	vnsel vm0, $0x0, v36;
	v35 =	vsel vm1, s22, v35;
	v33 =	vsel vm5, s15, v33;
	s15 =	sshrl.u32 s0, $0x1F;
	s22 =	sshrl.u32 s6, $0x1F  }
0x5f: {  	v38 =	vmov s16;
	s16 =	sshrl.u32 s31, $0x1F;
	v37 =	vmov s15;
	v36 =	vsel vm11, s22, v36;
	s15 =	sshrl.u32 s26, $0x1F;
	s22 =	sshrl.u32 s10, $0x1F  }
0x60: {  	v38 =	vsel vm11, s16, v38;
	s16 =	sshrl.u32 s12, $0x1F;
	v37 =	vsel vm11, s15, v37;
	v36 =	vsel vm8, s22, v36;
	s15 =	sshrl.u32 s30, $0x1F;
	s22 =	sshrl.u32 s3, $0x1F  }
0x61: {  	v38 =	vsel vm8, s16, v38;
	s16 =	sshrl.u32 s2, $0x1F;
	v37 =	vsel vm8, s15, v37;
	v36 =	vsel vm1, s22, v36;
	s15 =	sshrl.u32 s29, $0x1F;
	s22 =	sshrl.u32 s4, $0x1F  }
0x62: {  	v38 =	vsel vm1, s16, v38;
	v37 =	vsel vm1, s15, v37;
	v36 =	vsel vm12, s22, v36;
	s15 =	sshra.s32 s19, $0x1F;
	s22 =	sshrl.u32 s1, $0x1F  }
0x63: {  	s16 =	sshra.s32 s28, $0x8;
	v34 =	vcombine.low v35, v34;
	v36 =	vsel vm3, s22, v36;
	v33 =	vsel vm4, s15, v33;
	s22 =	sshrl.u32 s19, $0x1F  }
0x64: {  	v46 =	vcombine.low v38, v37;
	v33 =	vsel vm2, s16, v33;
	v45 =	vsel vm5, s22, v36;
	s22 =	sshrl.u32 s28, $0x1F  }
0x65: {  	v34 =	vperm.xlane v34, v1;
	v35 =	vsel vm2, s22, v45;
	v33 =	vperm.xlane v33, v3  }
0x66: {  	v36 =	vperm.xlane v46, v1;
	v35 =	vperm.xlane v35, v3;
	_ =	sdelay $0x1  }
0x67: {  	v33 =	vsel vm15, v33, v34;
	v47 =	vsel vm15, v35, v36  }
0x68: {  	v33 =	vadd.s32 v47, v33  }
0x69: {  	v48 =	vshrl.u32 v33, $0x1B  }
0x6a: {  	v35 =	vadd.s32 v48, v33  }
0x6b: {  	s16 =	sshra.s32 s14, $0xD;
	v35 =	vand.u32 $0xFFFFFFE0, v35  }
0x6c: {  	v32 =	vsel vm0, s16, v32;
	v35 =	vsub.s32 v33, v35  }
0x6d: {  	s22 =	sshra.s32 s6, $0xD;
	v32 =	vsel vm7, s5, v32;
	vm15 =	veq.s32 v35, v0  }
0x6e: {  	vm6 =	vmmov vm12;
	v32 =	vsel vm11, s22, v32;
	v35 =	vsel vm15, $0x1, v5  }
0x6f: {  	v39 =	vld [tilespmem:$0x1FFF0];
	vm10 =	vcmask $0x1F1C;
	s13 =	sshra.s32 s10, $0xD;
	s0 =	sshra.s32 s0, $0xD;
	v32 =	vsel vm9, s7, v32;
	v49 =	vperm.xlane v35, v6  }
0x70: {  	v50 =	vmov s0;
	vm12 =	veq.s32 v2, $0x0;
	s6 =	sshra.s32 s26, $0xD;
	v32 =	vsel vm8, s13, v32  }
0x71: {  	s3 =	sshra.s32 s3, $0xD;
	s16 =	sshra.s32 s20, $0xD;
	v37 =	vsel vm11, s6, v50;
	v32 =	vsel vm13, s18, v32;
	v36 =	vsel vm12, $0x0, v49  }
0x72: {  	s14 =	sshra.s32 s30, $0xD;
	v51 =	vmov s16;
	v32 =	vsel vm1, s3, v32;
	v35 =	vadd.s32 v35, v36  }
0x73: {  	v54 =	vld [tilespmem:$0x1FFD0];
	s20 =	sshra.s32 s29, $0xD;
	s29 =	sshra.s32 s4, $0xD;
	v37 =	vsel vm8, s14, v37;
	v32 =	vsel vm10, s8, v32;
	v52 =	vperm.xlane v35, v7  }
0x74: {  	s22 =	sshra.s32 s31, $0xD;
	v37 =	vsel vm1, s20, v37;
	vm10 =	vnez.u8 v39;
	v32 =	vsel vm6, s29, v32  }
0x75: {  	s26 =	sshra.s32 s12, $0xD;
	vm12 =	vcmask $0x2724;
	v36 =	vsel vm11, s22, v51;
	v38 =	vsel vm10, $0x0, v52  }
0x76: {  	s30 =	sshra.s32 s2, $0xD;
	s31 =	sshra.s32 s1, $0xD;
	v32 =	vsel vm12, s9, v32;
	v36 =	vsel vm8, s26, v36;
	v35 =	vadd.s32 v38, v35  }
0x77: {  	v57 =	vld [tilespmem:$0x1FFE0];
	v32 =	vsel vm3, s31, v32;
	v36 =	vsel vm1, s30, v36;
	v53 =	vperm.xlane v35, v8  }
0x78: {  	v58 =	vld [tilespmem:$0x1FFE0];
	s1 =	sshra.s32 s19, $0xD;
	vm3 =	vnez.u8 v54;
	v32 =	vsel vm14, s11, v32;
	v36 =	vcombine.low v36, v37  }
0x79: {  	v55 =	vmov s25;
	v32 =	vsel vm5, s1, v32;
	v37 =	vsel vm3, $0x0, v53  }
0x7a: {  	s2 =	sshra.s32 s28, $0xD;
	v32 =	vsel vm4, s15, v32;
	v36 =	vperm.xlane v36, v1;
	v35 =	vadd.s32 v37, v35  }
0x7b: {  	v32 =	vsel vm2, s2, v32;
	v37 =	vadd.s32 $0xFFFFFFFF, v55;
	v56 =	vperm.xlane v35, v4  }
0x7c: {  	vm5 =	vnez.u8 v57;
	v32 =	vperm.xlane v32, v3;
	v37 =	vbroadcast v37, $0x0  }
0x7d: {  	v38 =	vsel vm5, $0x0, v56;
	vm5 =	vnez.u8 v58  }
0x7e: {  	v33 =	vmul.u32 $0x3FFFCE0, v33;
	v32 =	vsel vm5, v32, v36;
	v59 =	vadd.s32 v38, v37  }
0x7f: {  	v32 =	vadd.s32 v47, v32;
	v60 =	vadd.s32 v35, v59  }
0x80: {  	v61 =	vld [tilespmem:s24+$0x2000];
	v31 =	vadd.s32 v31, v33;
	v32 =	vmul.u32 $0xC800, v32  }
0x81: {  	v31 =	vshll.u32 v31, $0x6  }
0x82: {  	v31 =	vadd.s32 v32, v31  }
0x83: {  	v31 =	vor.u32 v2, v31  }
0x84: {  	s3 =	simm.s32 $0x4180;
	[tilespmem:v60+s23+$0x0] =	vst.idx.msk vm15, v31  }
0x85: {  	[tilespmem:v60+s3+$0x0] =	vst.idx.msk vm15, v61  }
0x86: {  	v31 =	vld [tilespmem:s24+$0x10];
	_ =	sdelay $0x1  }
0x87: {  	v62 =	vmpcnt.ones.xlane vm15;
	_ =	sdelay $0x1  }
0x88: {  	(v2sf) =	vpush v62, $0x0  }
0x89: {  	(v2sf) =	vpush v31, $0xD;
	_ =	sdelay $0x1  }
0x8a: {  	(v2sf) =	vpush v31, $0xC;
	_ =	sdelay $0x1  }
0x8b: {  	(v2sf) =	vpush v31, $0xE;
	_ =	sdelay $0x1  }
0x8c: {  	(v2sf) =	vpush v31, $0xF;
	_ =	sdelay $0x1  }
0x8d: {  	(v2sf) =	vpush v31, $0x9;
	_ =	sdelay $0x1  }
0x8e: {  	(v2sf) =	vpush v31, $0x8;
	_ =	sdelay $0x1  }
0x8f: {  	(v2sf) =	vpush v31, $0xA  }
0x90: {  	(v2sf) =	vpush v31, $0xB  }
0x91: {  	s26 =	spop (v2sf)  }
0x92: {  	s4 =	spop (v2sf)  }
0x93: {  	(v2sf) =	vpush v31, $0x0;
	s5 =	smulhi.u32 $0x51EB851F, s4;
	s0 =	sshra.s32 s4, $0x1F  }
0x94: {  	s6 =	spop (v2sf);
	s0 =	smul.u32 $0x51EB851F, s0  }
0x95: {  	(v2sf) =	vpush v31, $0x7;
	s7 =	smulhi.u32 $0x51EB851F, s6;
	s2 =	sshra.s32 s6, $0x1F  }
0x96: {  	s10 =	spop (v2sf);
	s2 =	smul.u32 $0x51EB851F, s2  }
0x97: {  	(v2sf) =	vpush v31, $0x1;
	s11 =	smulhi.u32 $0x51EB851F, s10;
	s4 =	sshra.s32 s10, $0x1F  }
0x98: {  	s12 =	spop (v2sf);
	s4 =	smul.u32 $0x51EB851F, s4  }
0x99: {  	s13 =	smulhi.u32 $0x51EB851F, s12;
	s6 =	sshra.s32 s12, $0x1F  }
0x9a: {  	s14 =	spop (v2sf);
	(v2sf) =	vpush v31, $0x2;
	s6 =	smul.u32 $0x51EB851F, s6  }
0x9b: {  	s15 =	smulhi.u32 $0x51EB851F, s14;
	s8 =	sshra.s32 s14, $0x1F  }
0x9c: {  	s16 =	spop (v2sf);
	(v2sf) =	vpush v31, $0x3;
	s8 =	smul.u32 $0x51EB851F, s8  }
0x9d: {  	s18 =	smulhi.u32 $0x51EB851F, s16;
	s9 =	sshra.s32 s16, $0x1F  }
0x9e: {  	s29 =	sadd.s32 s0, s5;
	s22 =	spop (v2sf);
	(v2sf) =	vpush v31, $0x4;
	s19 =	smul.u32 $0x51EB851F, s9  }
0x9f: {  	s28 =	smulhi.u32 $0x51EB851F, s22;
	s1 =	sshra.s32 s22, $0x1F;
	s30 =	spop (v2sf);
	(v2sf) =	vpush v31, $0x5  }
0xa0: {  	s20 =	sadd.s32 s2, s7;
	s31 =	sadd.s32 s4, s11;
	s1 =	smul.u32 $0x51EB851F, s1  }
0xa1: {  	s9 =	sshra.s32 s20, $0x8;
	s5 =	smulhi.u32 $0x51EB851F, s30;
	s2 =	sshra.s32 s30, $0x1F  }
0xa2: {  	s30 =	sadd.s32 s6, s13;
	s14 =	spop (v2sf);
	(v2sf) =	vpush v31, $0x6;
	s13 =	smul.u32 $0x51EB851F, s2  }
0xa3: {  	s2 =	sadd.s32 s8, s15;
	s15 =	smulhi.u32 $0x51EB851F, s14;
	s6 =	sshra.s32 s14, $0x1F  }
0xa4: {  	s14 =	sadd.s32 s19, s18;
	s16 =	spop (v2sf);
	s6 =	smul.u32 $0x51EB851F, s6  }
0xa5: {  	s12 =	sadd.s32 s1, s28;
	s18 =	smulhi.u32 $0x51EB851F, s16;
	s19 =	sshra.s32 s16, $0x1F  }
0xa6: {  	s28 =	spop (v2sf);
	s0 =	sadd.s32 s13, s5;
	s22 =	smul.u32 $0x51EB851F, s19  }
0xa7: {  	s8 =	smulhi.u32 $0x51EB851F, s28;
	s5 =	sshra.s32 s28, $0x1F;
	s1 =	sadd.s32 s6, s15  }
0xa8: {  	s10 =	smul.u32 $0x51EB851F, s5;
	s7 =	sshra.s32 s1, $0x8;
	s28 =	sadd.s32 s22, s18  }
0xa9: {  	s4 =	sshra.s32 s1, $0x1F;
	s11 =	sshra.s32 s28, $0x1F;
	s13 =	spop (v2sf)  }
0xaa: {  	s5 =	sadd.s32 s10, s8;
	s15 =	smulhi.u32 $0x51EB851F, s13;
	s16 =	sshra.s32 s13, $0x1F  }
0xab: {  	s18 =	sshra.s32 s5, $0x8;
	s19 =	spop (v2sf);
	s10 =	smul.u32 $0x51EB851F, s16  }
0xac: {  	v63 =	vmov s11;
	s6 =	sshra.s32 s5, $0x1F;
	s8 =	smulhi.u32 $0x51EB851F, s19;
	s13 =	sshra.s32 s19, $0x1F  }
0xad: {  	v37 =	vsel vm0, s7, v63;
	s22 =	smul.u32 $0x51EB851F, s13;
	s13 =	spop (v2sf);
	s10 =	sadd.s32 s10, s15  }
0xae: {  	v33 =	vsel vm7, s4, v37;
	s16 =	smulhi.u32 $0x51EB851F, s13;
	s7 =	sshra.s32 s13, $0x1F;
	s19 =	spop (v2sf)  }
0xaf: {  	v33 =	vsel vm11, s18, v33;
	s15 =	sshra.s32 s10, $0x8;
	s18 =	sshra.s32 s10, $0x1F;
	s7 =	smul.u32 $0x51EB851F, s7  }
0xb0: {  	v33 =	vsel vm9, s6, v33;
	s22 =	sadd.s32 s22, s8;
	s3 =	smulhi.u32 $0x51EB851F, s19;
	s11 =	sshra.s32 s19, $0x1F  }
0xb1: {  	v33 =	vsel vm8, s15, v33;
	s8 =	smul.u32 $0x51EB851F, s11;
	s7 =	sadd.s32 s7, s16;
	s16 =	spop (v2sf)  }
0xb2: {  	vm10 =	vmmov vm4;
	s19 =	sshra.s32 s22, $0x8;
	v33 =	vsel vm13, s18, v33;
	s13 =	smulhi.u32 $0x51EB851F, s16;
	s11 =	sshra.s32 s16, $0x1F  }
0xb3: {  	vm4 =	vcmask $0x1F1C;
	v38 =	vmov s9;
	v33 =	vsel vm1, s19, v33;
	s8 =	sadd.s32 s8, s3;
	s3 =	sshra.s32 s22, $0x1F;
	s16 =	sshra.s32 s29, $0x8  }
0xb4: {  	vm3 =	vmmov vm6;
	s15 =	sshra.s32 s31, $0x8;
	s19 =	sshra.s32 s7, $0x8;
	s11 =	smul.u32 $0x51EB851F, s11;
	v33 =	vsel vm4, s3, v33;
	v34 =	vsel vm11, s16, v38  }
0xb5: {  	s9 =	sshra.s32 s7, $0x1F;
	s16 =	sshra.s32 s14, $0x8;
	vm4 =	vcmask $0x2B28;
	v33 =	vsel vm6, s19, v33;
	v34 =	vsel vm8, s15, v34;
	s15 =	sshra.s32 s2, $0x8  }
0xb6: {  	v39 =	vmov s16;
	s16 =	sshra.s32 s8, $0x8;
	vm6 =	vcmask $0x3330;
	s19 =	sadd.s32 s11, s13;
	s13 =	sshra.s32 s30, $0x8;
	v33 =	vsel vm12, s9, v33  }
0xb7: {  	v35 =	vsel vm11, s15, v39;
	s15 =	sshra.s32 s12, $0x8;
	s11 =	sshra.s32 s8, $0x1F;
	v34 =	vsel vm1, s13, v34;
	v33 =	vsel vm4, s16, v33;
	s16 =	sshrl.u32 s1, $0x1F  }
0xb8: {  	v35 =	vsel vm8, s15, v35;
	s15 =	sshra.s32 s0, $0x8;
	v40 =	vmov s16;
	v33 =	vsel vm14, s11, v33;
	s16 =	sshra.s32 s19, $0x8  }
0xb9: {  	s13 =	sshrl.u32 s20, $0x1F;
	v35 =	vsel vm1, s15, v35;
	s15 =	sshrl.u32 s14, $0x1F;
	v33 =	vsel vm6, s16, v33;
	v36 =	vnsel vm0, $0x0, v40;
	s16 =	sshrl.u32 s5, $0x1F  }
0xba: {  	v41 =	vmov s13;
	s13 =	sshrl.u32 s29, $0x1F;
	v42 =	vmov s15;
	s15 =	sshrl.u32 s2, $0x1F;
	v36 =	vsel vm11, s16, v36;
	s16 =	sshrl.u32 s10, $0x1F  }
0xbb: {  	v37 =	vsel vm11, s13, v41;
	v38 =	vsel vm11, s15, v42;
	s15 =	sshrl.u32 s12, $0x1F;
	v36 =	vsel vm8, s16, v36;
	s16 =	sshrl.u32 s22, $0x1F  }
0xbc: {  	v45 =	vld [tilespmem:$0x1FFE0];
	s13 =	sshrl.u32 s31, $0x1F;
	v34 =	vcombine.low v35, v34;
	v38 =	vsel vm8, s15, v38;
	s15 =	sshrl.u32 s0, $0x1F;
	v36 =	vsel vm1, s16, v36;
	s16 =	sshrl.u32 s7, $0x1F  }
0xbd: {  	v46 =	vld [tilespmem:$0x1FFE0];
	v37 =	vsel vm8, s13, v37;
	s13 =	sshrl.u32 s30, $0x1F;
	v38 =	vsel vm1, s15, v38;
	s15 =	sshra.s32 s19, $0x1F;
	v36 =	vsel vm3, s16, v36;
	s16 =	sshrl.u32 s8, $0x1F  }
0xbe: {  	v37 =	vsel vm1, s13, v37;
	s13 =	sshra.s32 s28, $0x8;
	v33 =	vsel vm10, s15, v33;
	v36 =	vsel vm4, s16, v36;
	s16 =	sshrl.u32 s19, $0x1F  }
0xbf: {  	v44 =	vcombine.low v38, v37;
	v33 =	vsel vm2, s13, v33;
	v43 =	vsel vm6, s16, v36;
	s16 =	sshrl.u32 s28, $0x1F  }
0xc0: {  	v34 =	vperm.xlane v34, v1;
	v33 =	vperm.xlane v33, v3;
	v35 =	vsel vm2, s16, v43  }
0xc1: {  	vm5 =	vnez.u8 v45;
	v36 =	vperm.xlane v44, v1;
	v35 =	vperm.xlane v35, v3  }
0xc2: {  	v33 =	vsel vm5, v33, v34;
	vm5 =	vnez.u8 v46  }
0xc3: {  	v34 =	vsel vm5, v35, v36  }
0xc4: {  	v33 =	vadd.s32 v34, v33  }
0xc5: {  	v47 =	vshrl.u32 v33, $0x1B  }
0xc6: {  	v35 =	vadd.s32 v47, v33  }
0xc7: {  	s1 =	sshra.s32 s1, $0xD;
	v35 =	vand.u32 $0xFFFFFFE0, v35  }
0xc8: {  	v32 =	vsel vm0, s1, v63;
	v35 =	vsub.s32 v33, v35  }
0xc9: {  	v32 =	vsel vm7, s4, v32;
	s16 =	sshra.s32 s5, $0xD;
	vm15 =	veq.s32 v35, v0  }
0xca: {  	v32 =	vsel vm11, s16, v32;
	v35 =	vsel vm15, $0x1, v5  }
0xcb: {  	v52 =	vld [tilespmem:$0x1FFF0];
	s20 =	sshra.s32 s20, $0xD;
	s10 =	sshra.s32 s10, $0xD;
	v32 =	vsel vm9, s6, v32;
	v48 =	vperm.xlane v35, v6  }
0xcc: {  	v49 =	vmov s20;
	v32 =	vsel vm8, s10, v32;
	vm5 =	veq.s32 v2, $0x0  }
0xcd: {  	s20 =	sshra.s32 s22, $0xD;
	vm0 =	vcmask $0x1F1C;
	s5 =	sshra.s32 s29, $0xD;
	v32 =	vsel vm13, s18, v32;
	v36 =	vsel vm5, $0x0, v48  }
0xce: {  	s13 =	sshra.s32 s31, $0xD;
	v37 =	vsel vm11, s5, v49;
	v32 =	vsel vm1, s20, v32;
	v35 =	vadd.s32 v35, v36  }
0xcf: {  	v54 =	vld [tilespmem:$0x1FFD0];
	s22 =	sshra.s32 s30, $0xD;
	s30 =	sshra.s32 s7, $0xD;
	s16 =	sshra.s32 s14, $0xD;
	v37 =	vsel vm8, s13, v37;
	v32 =	vsel vm0, s3, v32;
	v51 =	vperm.xlane v35, v7  }
0xd0: {  	v50 =	vmov s16;
	v32 =	vsel vm3, s30, v32;
	vm5 =	vnez.u8 v52  }
0xd1: {  	s2 =	sshra.s32 s2, $0xD;
	s31 =	sshra.s32 s8, $0xD;
	v37 =	vsel vm1, s22, v37;
	v32 =	vsel vm12, s9, v32;
	v38 =	vsel vm5, $0x0, v51  }
0xd2: {  	s29 =	sshra.s32 s12, $0xD;
	v32 =	vsel vm4, s31, v32;
	v36 =	vsel vm11, s2, v50;
	v35 =	vadd.s32 v38, v35  }
0xd3: {  	v57 =	vld [tilespmem:$0x1FFE0];
	s1 =	sshra.s32 s19, $0xD;
	s0 =	sshra.s32 s0, $0xD;
	v32 =	vsel vm14, s11, v32;
	v36 =	vsel vm8, s29, v36;
	v53 =	vperm.xlane v35, v8  }
0xd4: {  	v58 =	vld [tilespmem:$0x1FFE0];
	vm0 =	vnez.u8 v54;
	v32 =	vsel vm6, s1, v32;
	v36 =	vsel vm1, s0, v36  }
0xd5: {  	s25 =	sadd.s32 s25, s26;
	v32 =	vsel vm10, s15, v32;
	s2 =	sshra.s32 s28, $0xD;
	v36 =	vcombine.low v36, v37;
	v37 =	vsel vm0, $0x0, v53  }
0xd6: {  	v55 =	vmov s25;
	v32 =	vsel vm2, s2, v32;
	v35 =	vadd.s32 v37, v35  }
0xd7: {  	v32 =	vperm.xlane v32, v3;
	v37 =	vadd.s32 $0xFFFFFFFF, v55;
	v56 =	vperm.xlane v35, v4  }
0xd8: {  	vm5 =	vnez.u8 v57;
	v36 =	vperm.xlane v36, v1;
	v37 =	vbroadcast v37, $0x0  }
0xd9: {  	v38 =	vsel vm5, $0x0, v56;
	vm5 =	vnez.u8 v58  }
0xda: {  	v33 =	vmul.u32 $0x3FFFCE0, v33;
	v32 =	vsel vm5, v32, v36;
	v59 =	vadd.s32 v38, v37  }
0xdb: {  	v32 =	vadd.s32 v34, v32;
	v60 =	vadd.s32 v35, v59  }
0xdc: {  	v61 =	vld [tilespmem:s24+$0x2010];
	v31 =	vadd.s32 v31, v33;
	v32 =	vmul.u32 $0xC800, v32  }
0xdd: {  	v31 =	vshll.u32 v31, $0x6  }
0xde: {  	v31 =	vadd.s32 v32, v31  }
0xdf: {  	v31 =	vor.u32 v9, v31  }
0xe0: {  	s3 =	simm.s32 $0x4180;
	[tilespmem:v60+s23+$0x0] =	vst.idx.msk vm15, v31  }
0xe1: {  	[tilespmem:v60+s3+$0x0] =	vst.idx.msk vm15, v61  }
0xe2: {  	v31 =	vld [tilespmem:s24+$0x20];
	_ =	sdelay $0x1  }
0xe3: {  	v62 =	vmpcnt.ones.xlane vm15;
	_ =	sdelay $0x1  }
0xe4: {  	(v2sf) =	vpush v62, $0x0  }
0xe5: {  	(v2sf) =	vpush v31, $0xD;
	_ =	sdelay $0x1  }
0xe6: {  	(v2sf) =	vpush v31, $0xC;
	_ =	sdelay $0x1  }
0xe7: {  	(v2sf) =	vpush v31, $0xE;
	_ =	sdelay $0x1  }
0xe8: {  	(v2sf) =	vpush v31, $0xF;
	_ =	sdelay $0x1  }
0xe9: {  	(v2sf) =	vpush v31, $0x9;
	_ =	sdelay $0x1  }
0xea: {  	(v2sf) =	vpush v31, $0x8;
	_ =	sdelay $0x1  }
0xeb: {  	(v2sf) =	vpush v31, $0xA  }
0xec: {  	(v2sf) =	vpush v31, $0xB  }
0xed: {  	s26 =	spop (v2sf)  }
0xee: {  	s4 =	spop (v2sf)  }
0xef: {  	(v2sf) =	vpush v31, $0x0;
	s5 =	smulhi.u32 $0x51EB851F, s4;
	s0 =	sshra.s32 s4, $0x1F  }
0xf0: {  	s6 =	spop (v2sf);
	s0 =	smul.u32 $0x51EB851F, s0  }
0xf1: {  	(v2sf) =	vpush v31, $0x7;
	s7 =	smulhi.u32 $0x51EB851F, s6;
	s2 =	sshra.s32 s6, $0x1F  }
0xf2: {  	s10 =	spop (v2sf);
	s2 =	smul.u32 $0x51EB851F, s2  }
0xf3: {  	(v2sf) =	vpush v31, $0x1;
	s11 =	smulhi.u32 $0x51EB851F, s10;
	s4 =	sshra.s32 s10, $0x1F  }
0xf4: {  	s12 =	spop (v2sf);
	s4 =	smul.u32 $0x51EB851F, s4  }
0xf5: {  	s13 =	smulhi.u32 $0x51EB851F, s12;
	s6 =	sshra.s32 s12, $0x1F  }
0xf6: {  	s14 =	spop (v2sf);
	(v2sf) =	vpush v31, $0x2;
	s6 =	smul.u32 $0x51EB851F, s6  }
0xf7: {  	s15 =	smulhi.u32 $0x51EB851F, s14;
	s8 =	sshra.s32 s14, $0x1F  }
0xf8: {  	s16 =	spop (v2sf);
	(v2sf) =	vpush v31, $0x3;
	s8 =	smul.u32 $0x51EB851F, s8  }
0xf9: {  	s18 =	smulhi.u32 $0x51EB851F, s16;
	s9 =	sshra.s32 s16, $0x1F  }
0xfa: {  	s29 =	sadd.s32 s0, s5;
	s22 =	spop (v2sf);
	(v2sf) =	vpush v31, $0x4;
	s19 =	smul.u32 $0x51EB851F, s9  }
0xfb: {  	s28 =	smulhi.u32 $0x51EB851F, s22;
	s1 =	sshra.s32 s22, $0x1F;
	s30 =	spop (v2sf);
	(v2sf) =	vpush v31, $0x5  }
0xfc: {  	s20 =	sadd.s32 s2, s7;
	s31 =	sadd.s32 s4, s11;
	s1 =	smul.u32 $0x51EB851F, s1  }
0xfd: {  	s9 =	sshra.s32 s20, $0x8;
	s5 =	smulhi.u32 $0x51EB851F, s30;
	s2 =	sshra.s32 s30, $0x1F  }
0xfe: {  	s30 =	sadd.s32 s6, s13;
	s14 =	spop (v2sf);
	(v2sf) =	vpush v31, $0x6;
	s13 =	smul.u32 $0x51EB851F, s2  }
0xff: {  	s2 =	sadd.s32 s8, s15;
	s15 =	smulhi.u32 $0x51EB851F, s14;
	s6 =	sshra.s32 s14, $0x1F  }
0x100: {  	s14 =	sadd.s32 s19, s18;
	s16 =	spop (v2sf);
	s6 =	smul.u32 $0x51EB851F, s6  }
0x101: {  	s12 =	sadd.s32 s1, s28;
	s18 =	smulhi.u32 $0x51EB851F, s16;
	s19 =	sshra.s32 s16, $0x1F  }
0x102: {  	s28 =	spop (v2sf);
	s0 =	sadd.s32 s13, s5;
	s22 =	smul.u32 $0x51EB851F, s19  }
0x103: {  	s8 =	smulhi.u32 $0x51EB851F, s28;
	s5 =	sshra.s32 s28, $0x1F;
	s1 =	sadd.s32 s6, s15  }
0x104: {  	s10 =	smul.u32 $0x51EB851F, s5;
	s7 =	sshra.s32 s1, $0x8;
	s28 =	sadd.s32 s22, s18  }
0x105: {  	s4 =	sshra.s32 s1, $0x1F;
	s11 =	sshra.s32 s28, $0x1F;
	s13 =	spop (v2sf)  }
0x106: {  	s5 =	sadd.s32 s10, s8;
	s15 =	smulhi.u32 $0x51EB851F, s13;
	s16 =	sshra.s32 s13, $0x1F  }
0x107: {  	s18 =	sshra.s32 s5, $0x8;
	s19 =	spop (v2sf);
	s10 =	smul.u32 $0x51EB851F, s16  }
0x108: {  	vm3 =	vmmov vm14;
	vm14 =	vcmask $0x300;
	v63 =	vmov s11;
	s6 =	sshra.s32 s5, $0x1F;
	s8 =	smulhi.u32 $0x51EB851F, s19;
	s13 =	sshra.s32 s19, $0x1F  }
0x109: {  	v37 =	vsel vm14, s7, v63;
	s22 =	smul.u32 $0x51EB851F, s13;
	s13 =	spop (v2sf);
	s10 =	sadd.s32 s10, s15  }
0x10a: {  	v33 =	vsel vm7, s4, v37;
	s16 =	smulhi.u32 $0x51EB851F, s13;
	s7 =	sshra.s32 s13, $0x1F;
	s19 =	spop (v2sf)  }
0x10b: {  	v33 =	vsel vm11, s18, v33;
	s15 =	sshra.s32 s10, $0x8;
	s18 =	sshra.s32 s10, $0x1F;
	s7 =	smul.u32 $0x51EB851F, s7  }
0x10c: {  	v33 =	vsel vm9, s6, v33;
	s22 =	sadd.s32 s22, s8;
	s3 =	smulhi.u32 $0x51EB851F, s19;
	s11 =	sshra.s32 s19, $0x1F  }
0x10d: {  	v33 =	vsel vm8, s15, v33;
	s8 =	smul.u32 $0x51EB851F, s11;
	s7 =	sadd.s32 s7, s16;
	s16 =	spop (v2sf)  }
0x10e: {  	s19 =	sshra.s32 s22, $0x8;
	v33 =	vsel vm13, s18, v33;
	s13 =	smulhi.u32 $0x51EB851F, s16;
	s11 =	sshra.s32 s16, $0x1F  }
0x10f: {  	vm2 =	vcmask $0x1F1C;
	v38 =	vmov s9;
	v33 =	vsel vm1, s19, v33;
	s8 =	sadd.s32 s8, s3;
	s3 =	sshra.s32 s22, $0x1F;
	s16 =	sshra.s32 s29, $0x8  }
0x110: {  	vm12 =	vcmask $0x2320;
	s15 =	sshra.s32 s31, $0x8;
	s19 =	sshra.s32 s7, $0x8;
	s11 =	smul.u32 $0x51EB851F, s11;
	v33 =	vsel vm2, s3, v33;
	v34 =	vsel vm11, s16, v38  }
0x111: {  	s9 =	sshra.s32 s7, $0x1F;
	s16 =	sshra.s32 s14, $0x8;
	vm2 =	vcmask $0x2724;
	v33 =	vsel vm12, s19, v33;
	v34 =	vsel vm8, s15, v34;
	s15 =	sshra.s32 s2, $0x8  }
0x112: {  	vm0 =	vcmask $0x3B38;
	v39 =	vmov s16;
	s16 =	sshra.s32 s8, $0x8;
	s19 =	sadd.s32 s11, s13;
	s13 =	sshra.s32 s30, $0x8;
	v33 =	vsel vm2, s9, v33  }
0x113: {  	v35 =	vsel vm11, s15, v39;
	s15 =	sshra.s32 s12, $0x8;
	s11 =	sshra.s32 s8, $0x1F;
	v34 =	vsel vm1, s13, v34;
	v33 =	vsel vm4, s16, v33;
	s16 =	sshrl.u32 s1, $0x1F  }
0x114: {  	v35 =	vsel vm8, s15, v35;
	s15 =	sshra.s32 s0, $0x8;
	v40 =	vmov s16;
	v33 =	vsel vm3, s11, v33;
	s16 =	sshra.s32 s19, $0x8  }
0x115: {  	s13 =	sshrl.u32 s20, $0x1F;
	v35 =	vsel vm1, s15, v35;
	s15 =	sshrl.u32 s14, $0x1F;
	v33 =	vsel vm6, s16, v33;
	v36 =	vnsel vm14, $0x0, v40;
	s16 =	sshrl.u32 s5, $0x1F  }
0x116: {  	v41 =	vmov s13;
	s13 =	sshrl.u32 s29, $0x1F;
	v42 =	vmov s15;
	s15 =	sshrl.u32 s2, $0x1F;
	v36 =	vsel vm11, s16, v36;
	s16 =	sshrl.u32 s10, $0x1F  }
0x117: {  	v37 =	vsel vm11, s13, v41;
	v38 =	vsel vm11, s15, v42;
	s15 =	sshrl.u32 s12, $0x1F;
	v36 =	vsel vm8, s16, v36;
	s16 =	sshrl.u32 s22, $0x1F  }
0x118: {  	v45 =	vld [tilespmem:$0x1FFE0];
	s13 =	sshrl.u32 s31, $0x1F;
	v34 =	vcombine.low v35, v34;
	v38 =	vsel vm8, s15, v38;
	s15 =	sshrl.u32 s0, $0x1F;
	v36 =	vsel vm1, s16, v36;
	s16 =	sshrl.u32 s7, $0x1F  }
0x119: {  	v46 =	vld [tilespmem:$0x1FFE0];
	v37 =	vsel vm8, s13, v37;
	s13 =	sshrl.u32 s30, $0x1F;
	v38 =	vsel vm1, s15, v38;
	s15 =	sshra.s32 s19, $0x1F;
	v36 =	vsel vm12, s16, v36;
	s16 =	sshrl.u32 s8, $0x1F  }
0x11a: {  	v37 =	vsel vm1, s13, v37;
	s13 =	sshra.s32 s28, $0x8;
	v33 =	vsel vm10, s15, v33;
	v36 =	vsel vm4, s16, v36;
	s16 =	sshrl.u32 s19, $0x1F  }
0x11b: {  	v44 =	vcombine.low v38, v37;
	v33 =	vsel vm0, s13, v33;
	v43 =	vsel vm6, s16, v36;
	s16 =	sshrl.u32 s28, $0x1F  }
0x11c: {  	v34 =	vperm.xlane v34, v1;
	v33 =	vperm.xlane v33, v3;
	v35 =	vsel vm0, s16, v43  }
0x11d: {  	vm5 =	vnez.u8 v45;
	v36 =	vperm.xlane v44, v1;
	v35 =	vperm.xlane v35, v3  }
0x11e: {  	v33 =	vsel vm5, v33, v34;
	vm5 =	vnez.u8 v46  }
0x11f: {  	v34 =	vsel vm5, v35, v36  }
0x120: {  	v33 =	vadd.s32 v34, v33  }
0x121: {  	v47 =	vshrl.u32 v33, $0x1B  }
0x122: {  	v35 =	vadd.s32 v47, v33  }
0x123: {  	s1 =	sshra.s32 s1, $0xD;
	v35 =	vand.u32 $0xFFFFFFE0, v35  }
0x124: {  	v32 =	vsel vm14, s1, v63;
	v35 =	vsub.s32 v33, v35  }
0x125: {  	v32 =	vsel vm7, s4, v32;
	s16 =	sshra.s32 s5, $0xD;
	vm15 =	veq.s32 v35, v0  }
0x126: {  	v32 =	vsel vm11, s16, v32;
	v35 =	vsel vm15, $0x1, v5  }
0x127: {  	v52 =	vld [tilespmem:$0x1FFF0];
	s20 =	sshra.s32 s20, $0xD;
	s13 =	sshra.s32 s10, $0xD;
	v32 =	vsel vm9, s6, v32;
	v48 =	vperm.xlane v35, v6  }
0x128: {  	v49 =	vmov s20;
	s20 =	sshra.s32 s14, $0xD;
	v32 =	vsel vm8, s13, v32;
	vm5 =	veq.s32 v2, $0x0  }
0x129: {  	v50 =	vmov s20;
	s5 =	sshra.s32 s29, $0xD;
	s29 =	sshra.s32 s22, $0xD;
	v32 =	vsel vm13, s18, v32;
	v36 =	vsel vm5, $0x0, v48  }
0x12a: {  	vm14 =	vcmask $0x1F1C;
	v32 =	vsel vm1, s29, v32;
	v35 =	vadd.s32 v35, v36  }
0x12b: {  	v54 =	vld [tilespmem:$0x1FFD0];
	s7 =	sshra.s32 s7, $0xD;
	v37 =	vsel vm11, s5, v49;
	s16 =	sshra.s32 s31, $0xD;
	v32 =	vsel vm14, s3, v32;
	v51 =	vperm.xlane v35, v7  }
0x12c: {  	s31 =	sshra.s32 s30, $0xD;
	v37 =	vsel vm8, s16, v37;
	v32 =	vsel vm12, s7, v32;
	vm5 =	vnez.u8 v52  }
0x12d: {  	s2 =	sshra.s32 s2, $0xD;
	v37 =	vsel vm1, s31, v37;
	v32 =	vsel vm2, s9, v32;
	s9 =	sshra.s32 s8, $0xD;
	v38 =	vsel vm5, $0x0, v51  }
0x12e: {  	s6 =	sshra.s32 s12, $0xD;
	v32 =	vsel vm4, s9, v32;
	v36 =	vsel vm11, s2, v50;
	v35 =	vadd.s32 v38, v35  }
0x12f: {  	v57 =	vld [tilespmem:$0x1FFE0];
	s0 =	sshra.s32 s0, $0xD;
	s10 =	sshra.s32 s19, $0xD;
	v32 =	vsel vm3, s11, v32;
	v36 =	vsel vm8, s6, v36;
	v53 =	vperm.xlane v35, v8  }
0x130: {  	v58 =	vld [tilespmem:$0x1FFE0];
	vm4 =	vnez.u8 v54;
	v32 =	vsel vm6, s10, v32;
	v36 =	vsel vm1, s0, v36  }
0x131: {  	s25 =	sadd.s32 s25, s26;
	s11 =	sshra.s32 s28, $0xD;
	v32 =	vsel vm10, s15, v32;
	v36 =	vcombine.low v36, v37;
	v37 =	vsel vm4, $0x0, v53  }
0x132: {  	v55 =	vmov s25;
	v32 =	vsel vm0, s11, v32;
	v35 =	vadd.s32 v37, v35  }
0x133: {  	v32 =	vperm.xlane v32, v3;
	v37 =	vadd.s32 $0xFFFFFFFF, v55;
	v56 =	vperm.xlane v35, v4  }
0x134: {  	vm5 =	vnez.u8 v57;
	v36 =	vperm.xlane v36, v1;
	v37 =	vbroadcast v37, $0x0  }
0x135: {  	v38 =	vsel vm5, $0x0, v56;
	vm5 =	vnez.u8 v58  }
0x136: {  	v33 =	vmul.u32 $0x3FFFCE0, v33;
	v32 =	vsel vm5, v32, v36;
	v59 =	vadd.s32 v38, v37  }
0x137: {  	v32 =	vadd.s32 v34, v32;
	v60 =	vadd.s32 v35, v59  }
0x138: {  	v61 =	vld [tilespmem:s24+$0x2020];
	v31 =	vadd.s32 v31, v33;
	v32 =	vmul.u32 $0xC800, v32  }
0x139: {  	v31 =	vshll.u32 v31, $0x6  }
0x13a: {  	v31 =	vadd.s32 v32, v31  }
0x13b: {  	v31 =	vor.u32 v10, v31  }
0x13c: {  	s12 =	simm.s32 $0x4180;
	[tilespmem:v60+s23+$0x0] =	vst.idx.msk vm15, v31  }
0x13d: {  	[tilespmem:v60+s12+$0x0] =	vst.idx.msk vm15, v61  }
0x13e: {  	v31 =	vld [tilespmem:s24+$0x30];
	_ =	sdelay $0x1  }
0x13f: {  	v62 =	vmpcnt.ones.xlane vm15;
	_ =	sdelay $0x1  }
0x140: {  	(v2sf) =	vpush v62, $0x0  }
0x141: {  	(v2sf) =	vpush v31, $0xD;
	_ =	sdelay $0x1  }
0x142: {  	(v2sf) =	vpush v31, $0xC;
	_ =	sdelay $0x1  }
0x143: {  	(v2sf) =	vpush v31, $0xE;
	_ =	sdelay $0x1  }
0x144: {  	(v2sf) =	vpush v31, $0xF;
	_ =	sdelay $0x1  }
0x145: {  	(v2sf) =	vpush v31, $0x9;
	_ =	sdelay $0x1  }
0x146: {  	(v2sf) =	vpush v31, $0x8;
	_ =	sdelay $0x1  }
0x147: {  	(v2sf) =	vpush v31, $0xA  }
0x148: {  	(v2sf) =	vpush v31, $0xB  }
0x149: {  	s26 =	spop (v2sf);
	(v2sf) =	vpush v31, $0x0  }
0x14a: {  	(v2sf) =	vpush v31, $0x7;
	s13 =	spop (v2sf)  }
0x14b: {  	(v2sf) =	vpush v31, $0x1;
	s14 =	smulhi.u32 $0x51EB851F, s13;
	s0 =	sshra.s32 s13, $0x1F  }
0x14c: {  	(v2sf) =	vpush v31, $0x2;
	s30 =	spop (v2sf);
	s0 =	smul.u32 $0x51EB851F, s0  }
0x14d: {  	(v2sf) =	vpush v31, $0x3;
	s31 =	smulhi.u32 $0x51EB851F, s30;
	s2 =	sshra.s32 s30, $0x1F  }
0x14e: {  	s19 =	spop (v2sf);
	s2 =	smul.u32 $0x51EB851F, s2  }
0x14f: {  	s6 =	smulhi.u32 $0x51EB851F, s19;
	s4 =	sshra.s32 s19, $0x1F  }
0x150: {  	s20 =	spop (v2sf);
	s4 =	smul.u32 $0x51EB851F, s4  }
0x151: {  	s9 =	smulhi.u32 $0x51EB851F, s20;
	s5 =	sshra.s32 s20, $0x1F  }
0x152: {  	s22 =	spop (v2sf);
	s5 =	smul.u32 $0x51EB851F, s5  }
0x153: {  	(v2sf) =	vpush v31, $0x4;
	s12 =	smulhi.u32 $0x51EB851F, s22;
	s7 =	sshra.s32 s22, $0x1F  }
0x154: {  	s23 =	spop (v2sf);
	s7 =	smul.u32 $0x51EB851F, s7  }
0x155: {  	s16 =	smulhi.u32 $0x51EB851F, s23;
	s8 =	sshra.s32 s23, $0x1F  }
0x156: {  	(v2sf) =	vpush v31, $0x5;
	s28 =	spop (v2sf);
	s8 =	smul.u32 $0x51EB851F, s8  }
0x157: {  	s29 =	spop (v2sf);
	s20 =	smulhi.u32 $0x51EB851F, s28;
	s10 =	sshra.s32 s28, $0x1F  }
0x158: {  	s13 =	spop (v2sf);
	s1 =	smul.u32 $0x51EB851F, s10  }
0x159: {  	s10 =	smulhi.u32 $0x51EB851F, s29;
	s30 =	sshra.s32 s29, $0x1F;
	s15 =	spop (v2sf)  }
0x15a: {  	s14 =	sadd.s32 s0, s14;
	s3 =	smul.u32 $0x51EB851F, s30;
	s18 =	spop (v2sf)  }
0x15b: {  	s28 =	smulhi.u32 $0x51EB851F, s13;
	s30 =	sshra.s32 s13, $0x1F;
	s19 =	spop (v2sf)  }
0x15c: {  	s29 =	sadd.s32 s4, s6;
	s6 =	smul.u32 $0x51EB851F, s30;
	s22 =	spop (v2sf);
	(v2sf) =	vpush v31, $0x6  }
0x15d: {  	s0 =	sadd.s32 s5, s9;
	s9 =	smulhi.u32 $0x51EB851F, s15;
	s15 =	sshra.s32 s15, $0x1F  }
0x15e: {  	s12 =	sadd.s32 s7, s12;
	s7 =	smul.u32 $0x51EB851F, s15  }
0x15f: {  	s30 =	sadd.s32 s8, s16;
	s16 =	smulhi.u32 $0x51EB851F, s18;
	s8 =	sshra.s32 s18, $0x1F  }
0x160: {  	s31 =	sadd.s32 s2, s31;
	s2 =	sadd.s32 s1, s20;
	s5 =	smul.u32 $0x51EB851F, s8  }
0x161: {  	s20 =	sadd.s32 s3, s10;
	s1 =	sadd.s32 s6, s28;
	s8 =	smulhi.u32 $0x51EB851F, s19  }
0x162: {  	s11 =	spop (v2sf);
	s28 =	sadd.s32 s7, s9;
	s9 =	sshra.s32 s19, $0x1F  }
0x163: {  	s3 =	sshra.s32 s1, $0x8;
	s10 =	sshra.s32 s28, $0x1F;
	s15 =	smul.u32 $0x51EB851F, s9  }
0x164: {  	s18 =	sadd.s32 s5, s16;
	s16 =	smulhi.u32 $0x51EB851F, s22;
	s22 =	sshra.s32 s22, $0x1F  }
0x165: {  	vm15 =	vcmask $0x300;
	s6 =	sshra.s32 s1, $0x1F;
	s23 =	spop (v2sf);
	v63 =	vmov s10;
	s5 =	smul.u32 $0x51EB851F, s22  }
0x166: {  	s9 =	sshra.s32 s18, $0x8;
	v37 =	vsel vm15, s3, v63;
	s19 =	sadd.s32 s15, s8;
	s8 =	smulhi.u32 $0x51EB851F, s11  }
0x167: {  	s11 =	sshra.s32 s11, $0x1F;
	v33 =	vsel vm7, s6, v37;
	s22 =	sadd.s32 s5, s16;
	s5 =	smulhi.u32 $0x51EB851F, s23  }
0x168: {  	s7 =	sshra.s32 s18, $0x1F;
	s16 =	sshra.s32 s23, $0x1F;
	v33 =	vsel vm11, s9, v33;
	s9 =	smul.u32 $0x51EB851F, s11  }
0x169: {  	s15 =	sshra.s32 s19, $0x8;
	s3 =	smul.u32 $0x51EB851F, s16;
	v33 =	vsel vm9, s7, v33  }
0x16a: {  	s10 =	sshra.s32 s19, $0x1F;
	s16 =	sshra.s32 s22, $0x8;
	v33 =	vsel vm8, s15, v33  }
0x16b: {  	s4 =	sadd.s32 s9, s8;
	s5 =	sadd.s32 s3, s5;
	v33 =	vsel vm13, s10, v33;
	s15 =	spop (v2sf)  }
0x16c: {  	vm2 =	vmmov vm10;
	s3 =	sshra.s32 s22, $0x1F;
	v33 =	vsel vm1, s16, v33;
	s9 =	smulhi.u32 $0x51EB851F, s15;
	s8 =	sshra.s32 s15, $0x1F  }
0x16d: {  	vm10 =	vcmask $0x2724;
	vm0 =	vmmov vm14;
	s13 =	sshra.s32 s31, $0x8;
	s16 =	sshra.s32 s4, $0x8;
	v33 =	vsel vm14, s3, v33;
	s8 =	smul.u32 $0x51EB851F, s8  }
0x16e: {  	vm4 =	vcmask $0x2B28;
	v38 =	vmov s13;
	s13 =	sshra.s32 s29, $0x8;
	v33 =	vsel vm12, s16, v33;
	s16 =	sshra.s32 s30, $0x8;
	s15 =	sshra.s32 s14, $0x8  }
0x16f: {  	vm14 =	vmmov vm2;
	v39 =	vmov s16;
	v34 =	vsel vm11, s15, v38;
	s15 =	sshra.s32 s12, $0x8;
	s8 =	sadd.s32 s8, s9;
	s9 =	sshra.s32 s4, $0x1F  }
0x170: {  	s16 =	sshra.s32 s5, $0x8;
	v34 =	vsel vm8, s13, v34;
	s13 =	sshra.s32 s0, $0x8;
	v35 =	vsel vm11, s15, v39;
	s15 =	sshra.s32 s2, $0x8;
	v33 =	vsel vm10, s9, v33  }
0x171: {  	s11 =	sshra.s32 s5, $0x1F;
	v34 =	vsel vm1, s13, v34;
	v35 =	vsel vm8, s15, v35;
	s15 =	sshra.s32 s20, $0x8;
	v33 =	vsel vm4, s16, v33;
	s16 =	sshrl.u32 s1, $0x1F  }
0x172: {  	s13 =	sshrl.u32 s31, $0x1F;
	v35 =	vsel vm1, s15, v35;
	v40 =	vmov s16;
	v33 =	vsel vm3, s11, v33;
	s16 =	sshra.s32 s8, $0x8  }
0x173: {  	s15 =	sshrl.u32 s30, $0x1F;
	v41 =	vmov s13;
	s13 =	sshrl.u32 s14, $0x1F;
	v33 =	vsel vm6, s16, v33;
	v36 =	vnsel vm15, $0x0, v40;
	s16 =	sshrl.u32 s18, $0x1F  }
0x174: {  	v42 =	vmov s15;
	s15 =	sshrl.u32 s12, $0x1F;
	v37 =	vsel vm11, s13, v41;
	v36 =	vsel vm11, s16, v36;
	s16 =	sshrl.u32 s19, $0x1F  }
0x175: {  	s13 =	sshrl.u32 s29, $0x1F;
	v34 =	vcombine.low v35, v34;
	v38 =	vsel vm11, s15, v42;
	s15 =	sshrl.u32 s2, $0x1F;
	v36 =	vsel vm8, s16, v36;
	s16 =	sshrl.u32 s22, $0x1F  }
0x176: {  	v45 =	vld [tilespmem:$0x1FFE0];
	v37 =	vsel vm8, s13, v37;
	s13 =	sshrl.u32 s0, $0x1F;
	v38 =	vsel vm8, s15, v38;
	s15 =	sshrl.u32 s20, $0x1F;
	v36 =	vsel vm1, s16, v36;
	s16 =	sshrl.u32 s4, $0x1F  }
0x177: {  	v46 =	vld [tilespmem:$0x1FFE0];
	v37 =	vsel vm1, s13, v37;
	v38 =	vsel vm1, s15, v38;
	s15 =	sshra.s32 s8, $0x1F;
	v36 =	vsel vm12, s16, v36;
	s16 =	sshrl.u32 s5, $0x1F  }
0x178: {  	s13 =	sshra.s32 s28, $0x8;
	v33 =	vsel vm2, s15, v33;
	vm2 =	vcmask $0x3B38;
	v36 =	vsel vm4, s16, v36;
	s16 =	sshrl.u32 s8, $0x1F  }
0x179: {  	v44 =	vcombine.low v38, v37;
	v33 =	vsel vm2, s13, v33;
	v43 =	vsel vm6, s16, v36;
	s16 =	sshrl.u32 s28, $0x1F  }
0x17a: {  	v34 =	vperm.xlane v34, v1;
	v33 =	vperm.xlane v33, v3;
	v35 =	vsel vm2, s16, v43  }
0x17b: {  	vm5 =	vnez.u8 v45;
	v36 =	vperm.xlane v44, v1;
	v35 =	vperm.xlane v35, v3  }
0x17c: {  	v33 =	vsel vm5, v33, v34;
	vm5 =	vnez.u8 v46  }
0x17d: {  	v34 =	vsel vm5, v35, v36  }
0x17e: {  	v33 =	vadd.s32 v34, v33  }
0x17f: {  	v47 =	vshrl.u32 v33, $0x1B  }
0x180: {  	v35 =	vadd.s32 v47, v33  }
0x181: {  	s1 =	sshra.s32 s1, $0xD;
	v35 =	vand.u32 $0xFFFFFFE0, v35  }
0x182: {  	v32 =	vsel vm15, s1, v63;
	v35 =	vsub.s32 v33, v35  }
0x183: {  	v32 =	vsel vm7, s6, v32;
	s16 =	sshra.s32 s18, $0xD;
	vm15 =	veq.s32 v35, v0  }
0x184: {  	v54 =	vld [tilespmem:$0x1FFF0];
	v32 =	vsel vm11, s16, v32;
	v49 =	vsel vm15, $0x1, v5  }
0x185: {  	v56 =	vld [tilespmem:$0x1FFD0];
	s13 =	sshra.s32 s31, $0xD;
	s31 =	sshra.s32 s19, $0xD;
	v32 =	vsel vm9, s7, v32;
	v51 =	vmpcnt.ones.xlane vm15;
	v50 =	vperm.xlane v49, v6  }
0x186: {  	v48 =	vmov s13;
	v32 =	vsel vm8, s31, v32;
	vm5 =	veq.s32 v2, $0x0  }
0x187: {  	s13 =	sshra.s32 s22, $0xD;
	s7 =	sshra.s32 s30, $0xD;
	v32 =	vsel vm13, s10, v32;
	(v2sf) =	vpush v51, $0x0;
	v37 =	vsel vm5, $0x0, v50  }
0x188: {  	s18 =	sshra.s32 s14, $0xD;
	v52 =	vmov s7;
	v32 =	vsel vm1, s13, v32;
	v36 =	vadd.s32 v49, v37  }
0x189: {  	v32 =	vsel vm0, s3, v32;
	v35 =	vsel vm11, s18, v48;
	s18 =	sshra.s32 s4, $0xD;
	v53 =	vperm.xlane v36, v7  }
0x18a: {  	s6 =	sshra.s32 s29, $0xD;
	vm0 =	vnez.u8 v56;
	v32 =	vsel vm12, s18, v32;
	vm5 =	vnez.u8 v54  }
0x18b: {  	s19 =	sshra.s32 s20, $0xD;
	s20 =	sshra.s32 s5, $0xD;
	s14 =	sshra.s32 s12, $0xD;
	v35 =	vsel vm8, s6, v35;
	v32 =	vsel vm10, s9, v32;
	v38 =	vsel vm5, $0x0, v53  }
0x18c: {  	s16 =	sshra.s32 s2, $0xD;
	v32 =	vsel vm4, s20, v32;
	v37 =	vsel vm11, s14, v52;
	v36 =	vadd.s32 v38, v36  }
0x18d: {  	v59 =	vld [tilespmem:$0x1FFE0];
	s0 =	sshra.s32 s0, $0xD;
	s22 =	sshra.s32 s8, $0xD;
	v32 =	vsel vm3, s11, v32;
	v37 =	vsel vm8, s16, v37;
	v55 =	vperm.xlane v36, v8  }
0x18e: {  	v60 =	vld [tilespmem:$0x1FFE0];
	v35 =	vsel vm1, s0, v35;
	v32 =	vsel vm6, s22, v32;
	v37 =	vsel vm1, s19, v37  }
0x18f: {  	s26 =	sadd.s32 s25, s26;
	s28 =	sshra.s32 s28, $0xD;
	v32 =	vsel vm14, s15, v32;
	v35 =	vcombine.low v37, v35;
	v37 =	vsel vm0, $0x0, v55  }
0x190: {  	v57 =	vmov s26;
	v32 =	vsel vm2, s28, v32;
	v36 =	vadd.s32 v37, v36  }
0x191: {  	v32 =	vperm.xlane v32, v3;
	v37 =	vadd.s32 $0xFFFFFFFF, v57;
	v58 =	vperm.xlane v36, v4  }
0x192: {  	vm5 =	vnez.u8 v59;
	v35 =	vperm.xlane v35, v1;
	v37 =	vbroadcast v37, $0x0  }
0x193: {  	v38 =	vsel vm5, $0x0, v58;
	vm5 =	vnez.u8 v60  }
0x194: {  	v33 =	vmul.u32 $0x3FFFCE0, v33;
	v32 =	vsel vm5, v32, v35;
	v61 =	vadd.s32 v38, v37  }
0x195: {  	v32 =	vadd.s32 v34, v32;
	v62 =	vadd.s32 v36, v61  }
0x196: {  	v63 =	vld [tilespmem:s24+$0x2030];
	v31 =	vadd.s32 v31, v33;
	s29 =	spop (v2sf);
	v32 =	vmul.u32 $0xC800, v32  }
0x197: {  	v31 =	vshll.u32 v31, $0x6;
	s0 =	sadd.s32 s26, s29  }
0x198: {  	s12 =	rddreg [dreg:$0xa];
	p0 =	slt.s32 s0, $0x100;
	v31 =	vadd.s32 v32, v31  }
0x199: {  	s23 =	simm.s32 $0x4000;
	s2 =	sadd.s32 @!p0 s12, s21;
	v31 =	vor.u32 v11, v31  }
0x19a: {  	s30 =	simm.s32 $0x4180;
	s6 =	rddreg [dreg:$0x1];
	s2 =	sshrl.u32 @!p0 s2, $0x3;
	[tilespmem:v62+s23+$0x0] =	vst.idx.msk vm15, v31  }
0x19b: {  	s4 =	simm.s32 @!p0 $0x0;
	s5 =	simm.s32 @!p0 $0x4000;
	s3 =	sadd.s32 @!p0 s6, s2;
	[tilespmem:v62+s30+$0x0] =	vst.idx.msk vm15, v63  }
0x19c: {  	[hbm4b:s3+s4] =	stream.linear.scatter @!p0 [tilespmem:s5], [sflag:$0x1], $0x100, $0x38;
	[tilespmem:$0x1DB00] =	vst v63  }
0x19d: {  	s3 =	simm.s32 @!p0 $0x1  }
0x19e: {  	s10 =	rddreg [dreg:$0x8];
	v31 =	vld [tilespmem:$0x1FFE0];
	_ =	swait.ge @!p0 [sflag:s3], $0x100  }
0x19f: {  	[sflag:s3] =	ssyncset.done @!p0 $0x0  }
0x1a0: {  	s2 =	sadd.s32 @!p0 s10, s2;
	s5 =	simm.s32 @!p0 $0x4180;
	[sflag:s3] =	ssyncadd.s32 @!p0 $0xFFFFFF00  }
0x1a1: {  	[hbm4b:s2+s4] =	stream.linear.scatter @!p0 [tilespmem:s5], [sflag:$0x1], $0x100, $0x38;
	[tilespmem:$0x1DB00] =	vst v63  }
0x1a2: {  	s31 =	rddreg [dreg:$0xe];
	_ =	swait.ge @!p0 [sflag:s3], $0x100  }
0x1a3: {  	[sflag:s3] =	ssyncset.done @!p0 $0x0  }
0x1a4: {  	[sflag:s3] =	ssyncadd.s32 @!p0 $0xFFFFFF00  }
0x1a5: {  	vm15 =	vnez.u8 v31;
	v31 =	vld @!p0 [tilespmem:$0x4100]  }
0x1a6: {  	v32 =	vld @!p0 [tilespmem:$0x4280]  }
0x1a7: {  	v33 =	vld @!p0 [tilespmem:$0x4110]  }
0x1a8: {  	v34 =	vld @!p0 [tilespmem:$0x4290]  }
0x1a9: {  	v35 =	vld @!p0 [tilespmem:$0x4120]  }
0x1aa: {  	[tilespmem:$0x4000] =	vst @!p0 v31;
	v31 =	vld @!p0 [tilespmem:$0x42A0]  }
0x1ab: {  	s2 =	sadd.s32 $0x200, s31;
	[tilespmem:$0x4180] =	vst @!p0 v32;
	v32 =	vld @!p0 [tilespmem:$0x4130]  }
0x1ac: {  	p1 =	sne.s32 s2, $0x8000;
	[tilespmem:$0x4010] =	vst @!p0 v33;
	v33 =	vld @!p0 [tilespmem:$0x42B0]  }
.Ltmp2:
0x1ad: {  	[tilespmem:$0x4190] =	vst @!p0 v34;
	(pc) =	sbr.rel @p1 .LBB2_3-.Ltmp2, $4  }
0x1ae: {  	[tilespmem:$0x4020] =	vst @!p0 v35  }
0x1af: {  	[tilespmem:$0x41A0] =	vst @!p0 v31  }
0x1b0: {  	s1 =	smov.u32 s21;
	s25 =	sadd.s32 @!p0 $0xFFFFFF00, s0;
	s21 =	sadd.s32 @!p0 $0x100, s21;
	[tilespmem:$0x4030] =	vst @!p0 v32  }
0x1b1: {  	vm10 =	vmmov vm3;
	vm4 =	vmmov vm14;
	s25 =	smov.u32 @p0 s0;
	s21 =	smov.u32 @p0 s1;
	[tilespmem:$0x41B0] =	vst @!p0 v33  }
0x1b2: {  	s0 =	rddreg [dreg:$0xd]  }
0x1b3: {  	s0 =	sadd.s32 $0x1, s0  }
0x1b4: {  	p0 =	sne.s32 s0, $0x100  }
.Ltmp3:
0x1b5: {  	_ = 	snop;
	(pc) =	sbr.rel @p0 .LBB2_2-.Ltmp3, $2  }
0x1b6: {  	_ =	sdelay $0x2  }
0x1b7: {  	s2 =	simm.s32 $0x4180;
	s13 =	simm.s32 $0x1  }
0x1b8: {  	v32 =	vld [tilespmem:$0x4000]  }
0x1b9: {  	v33 =	vld [tilespmem:$0x4180]  }
0x1ba: {  	v34 =	vld [tilespmem:$0x4010]  }
0x1bb: {  	v31 =	vmov s25;
	v35 =	vld [tilespmem:$0x4190]  }
0x1bc: {  	v36 =	vld [tilespmem:$0x4020];
	vm4 =	vlt.s32 v31, v12  }
0x1bd: {  	v37 =	vld [tilespmem:$0x41A0];
	v32 =	vsel vm4, $0x0, v32  }
0x1be: {  	v43 =	vld [tilespmem:$0x4030];
	v42 =	vsel vm4, $0x0, v33;
	vm4 =	vlt.s32 v31, v13;
	[tilespmem:$0x4000] =	vst v32  }
0x1bf: {  	v45 =	vld [tilespmem:$0x41B0];
	[tilespmem:$0x4180] =	vst v42;
	v44 =	vsel vm4, $0x0, v34  }
0x1c0: {  	v47 =	vld [tilespmem:$0x4040];
	v46 =	vsel vm4, $0x0, v35;
	vm4 =	vlt.s32 v31, v14;
	[tilespmem:$0x4010] =	vst v44  }
0x1c1: {  	v49 =	vld [tilespmem:$0x41C0];
	[tilespmem:$0x4190] =	vst v46;
	v48 =	vsel vm4, $0x0, v36  }
0x1c2: {  	v51 =	vld [tilespmem:$0x4050];
	v50 =	vsel vm4, $0x0, v37;
	vm4 =	vlt.s32 v31, v15;
	[tilespmem:$0x4020] =	vst v48  }
0x1c3: {  	v53 =	vld [tilespmem:$0x41D0];
	[tilespmem:$0x41A0] =	vst v50;
	v52 =	vsel vm4, $0x0, v43  }
0x1c4: {  	v55 =	vld [tilespmem:$0x4060];
	v54 =	vsel vm4, $0x0, v45;
	vm4 =	vlt.s32 v31, v16;
	[tilespmem:$0x4030] =	vst v52  }
0x1c5: {  	v57 =	vld [tilespmem:$0x41E0];
	[tilespmem:$0x41B0] =	vst v54;
	v56 =	vsel vm4, $0x0, v47  }
0x1c6: {  	v59 =	vld [tilespmem:$0x4070];
	v58 =	vsel vm4, $0x0, v49;
	vm4 =	vlt.s32 v31, v17;
	[tilespmem:$0x4040] =	vst v56  }
0x1c7: {  	v61 =	vld [tilespmem:$0x41F0];
	[tilespmem:$0x41C0] =	vst v58;
	v60 =	vsel vm4, $0x0, v51  }
0x1c8: {  	v63 =	vld [tilespmem:$0x4080];
	v62 =	vsel vm4, $0x0, v53;
	vm4 =	vlt.s32 v31, v18;
	[tilespmem:$0x4050] =	vst v60  }
0x1c9: {  	v40 =	vld [tilespmem:$0x4200];
	[tilespmem:$0x41D0] =	vst v62;
	v39 =	vsel vm4, $0x0, v55  }
0x1ca: {  	v42 =	vld [tilespmem:$0x4090];
	v41 =	vsel vm4, $0x0, v57;
	vm4 =	vlt.s32 v31, v19;
	[tilespmem:$0x4060] =	vst v39  }
0x1cb: {  	v44 =	vld [tilespmem:$0x4210];
	[tilespmem:$0x41E0] =	vst v41;
	v43 =	vsel vm4, $0x0, v59  }
0x1cc: {  	v46 =	vld [tilespmem:$0x40A0];
	v45 =	vsel vm4, $0x0, v61;
	vm4 =	vlt.s32 v31, v20;
	[tilespmem:$0x4070] =	vst v43  }
0x1cd: {  	v48 =	vld [tilespmem:$0x4220];
	[tilespmem:$0x41F0] =	vst v45;
	v47 =	vsel vm4, $0x0, v63  }
0x1ce: {  	v50 =	vld [tilespmem:$0x40B0];
	v49 =	vsel vm4, $0x0, v40;
	vm4 =	vlt.s32 v31, v21;
	[tilespmem:$0x4080] =	vst v47  }
0x1cf: {  	v52 =	vld [tilespmem:$0x4230];
	[tilespmem:$0x4200] =	vst v49;
	v51 =	vsel vm4, $0x0, v42  }
0x1d0: {  	v54 =	vld [tilespmem:$0x40C0];
	v53 =	vsel vm4, $0x0, v44;
	vm4 =	vlt.s32 v31, v22;
	[tilespmem:$0x4090] =	vst v51  }
0x1d1: {  	v56 =	vld [tilespmem:$0x4240];
	[tilespmem:$0x4210] =	vst v53;
	v55 =	vsel vm4, $0x0, v46  }
0x1d2: {  	v58 =	vld [tilespmem:$0x40D0];
	v57 =	vsel vm4, $0x0, v48;
	vm4 =	vlt.s32 v31, v23;
	[tilespmem:$0x40A0] =	vst v55  }
0x1d3: {  	v60 =	vld [tilespmem:$0x4250];
	[tilespmem:$0x4220] =	vst v57;
	v59 =	vsel vm4, $0x0, v50  }
0x1d4: {  	v62 =	vld [tilespmem:$0x40E0];
	v61 =	vsel vm4, $0x0, v52;
	vm4 =	vlt.s32 v31, v24;
	[tilespmem:$0x40B0] =	vst v59  }
0x1d5: {  	v40 =	vld [tilespmem:$0x4260];
	[tilespmem:$0x4230] =	vst v61;
	v63 =	vsel vm4, $0x0, v54  }
0x1d6: {  	v42 =	vld [tilespmem:$0x40F0];
	v41 =	vsel vm4, $0x0, v56;
	vm4 =	vlt.s32 v31, v25;
	[tilespmem:$0x40C0] =	vst v63  }
0x1d7: {  	v44 =	vld [tilespmem:$0x4270];
	[tilespmem:$0x4240] =	vst v41;
	v43 =	vsel vm4, $0x0, v58  }
0x1d8: {  	v46 =	vld [tilespmem:$0x4100];
	v45 =	vsel vm4, $0x0, v60;
	vm4 =	vlt.s32 v31, v26;
	[tilespmem:$0x40D0] =	vst v43  }
0x1d9: {  	v48 =	vld [tilespmem:$0x4280];
	[tilespmem:$0x4250] =	vst v45;
	v47 =	vsel vm4, $0x0, v62  }
0x1da: {  	v50 =	vld [tilespmem:$0x4110];
	v49 =	vsel vm4, $0x0, v40;
	vm4 =	vlt.s32 v31, v27;
	[tilespmem:$0x40E0] =	vst v47  }
0x1db: {  	v52 =	vld [tilespmem:$0x4290];
	[tilespmem:$0x4260] =	vst v49;
	v51 =	vsel vm4, $0x0, v42  }
0x1dc: {  	v54 =	vld [tilespmem:$0x4120];
	v53 =	vsel vm4, $0x0, v44;
	vm4 =	vlt.s32 v31, v28;
	[tilespmem:$0x40F0] =	vst v51  }
0x1dd: {  	v56 =	vld [tilespmem:$0x42A0];
	[tilespmem:$0x4270] =	vst v53;
	v55 =	vsel vm4, $0x0, v46  }
0x1de: {  	v58 =	vld [tilespmem:$0x4130];
	v57 =	vsel vm4, $0x0, v48;
	vm4 =	vlt.s32 v31, v29;
	[tilespmem:$0x4100] =	vst v55  }
0x1df: {  	v60 =	vld [tilespmem:$0x42B0];
	[tilespmem:$0x4280] =	vst v57;
	v59 =	vsel vm4, $0x0, v50  }
0x1e0: {  	v61 =	vsel vm4, $0x0, v52;
	vm4 =	vlt.s32 v31, v30;
	[tilespmem:$0x4110] =	vst v59  }
0x1e1: {  	v63 =	vadd.s32 $0x131, v2;
	[tilespmem:$0x4290] =	vst v61;
	v62 =	vsel vm4, $0x0, v54  }
0x1e2: {  	v34 =	vsel vm4, $0x0, v56;
	vm4 =	vlt.s32 v31, v63;
	[tilespmem:$0x4120] =	vst v62  }
0x1e3: {  	s0 =	sadd.s32 s12, s21;
	[tilespmem:$0x42A0] =	vst v34;
	v31 =	vsel vm4, $0x0, v58  }
0x1e4: {  	s0 =	sshrl.u32 s0, $0x3;
	[tilespmem:$0x4130] =	vst v31;
	v31 =	vsel vm4, $0x0, v60  }
0x1e5: {  	s22 =	simm.s32 $0x0;
	s1 =	sadd.s32 s6, s0;
	[tilespmem:$0x42B0] =	vst v31  }
0x1e6: {  	[hbm4b:s1+s22] =	stream.linear.scatter [tilespmem:s23], [sflag:$0x1], $0x100, $0x38;
	[tilespmem:$0x1DB00] =	vst v63  }
0x1e7: {  	s28 =	sadd.s32 $0x4FF, s21;
	_ =	swait.ge [sflag:s13], $0x100  }
0x1e8: {  	s31 =	sadd.s32 $0x100, s21;
	s7 =	simm.s32 $0x0;
	[sflag:s13] =	ssyncset.done $0x0  }
0x1e9: {  	s29 =	sshra.s32 s28, $0x1F;
	s0 =	sadd.s32 s10, s0;
	[sflag:s13] =	ssyncadd.s32 $0xFFFFFF00  }
0x1ea: {  	[hbm4b:s0+s22] =	stream.linear.scatter [tilespmem:s2], [sflag:$0x1], $0x100, $0x38;
	[tilespmem:$0x1DB00] =	vst v63  }
.Ltmp4:
0x1eb: {  	s30 =	sshrl.u32 s29, $0x16;
	_ =	swait.ge [sflag:s13], $0x100;
	(pc) =	sbr.rel .LBB2_6-.Ltmp4, $4  }
0x1ec: {  	s14 =	simm.s32 $0x1D300;
	s0 =	sadd.s32 s30, s28;
	s5 =	rddreg [dreg:$0x3]  }
0x1ed: {  	s15 =	simm.s32 $0x1D700;
	s0 =	sshra.s32 s0, $0xA;
	s8 =	rddreg [dreg:$0x6]  }
0x1ee: {  	[sflag:s13] =	ssyncset.done $0x0;
	s21 =	sadd.s32 s29, s0;
	s9 =	rddreg [dreg:$0x7]  }
0x1ef: {  	vm0 =	vcmask $0x2320;
	vm14 =	vcmask $0x1F1C;
	v31 =	vmov s31;
	s11 =	rddreg [dreg:$0x9];
	[sflag:s13] =	ssyncadd.s32 $0xFFFFFF00;
	p0 =	slt.s32 s21, $0x1  }
.LBB2_11:
0x1f0: {  	s22 =	sadd.s32 $0x1, s22  }
0x1f1: {  	p1 =	sne.s32 s22, s11  }
.Ltmp5:
0x1f2: {  	s0 =	sadd.s32 s9, s23;
	(pc) =	sbr.rel @!p1 .LBB2_12-.Ltmp5, $4  }
0x1f3: {  	[hbm4b:s0+s7] =	stream.linear.scatter [tilespmem:s17], [sflag:$0x1], $0x19000, $0x38;
	[tilespmem:$0x1DB00] =	vst v63  }
0x1f4: {  	_ =	swait.ge [sflag:s13], $0x19000  }
0x1f5: {  	[sflag:s13] =	ssyncset.done $0x0  }
0x1f6: {  	vm0 =	vmmov vm9;
	[sflag:s13] =	ssyncadd.s32 $0xFFFE7000  }
.LBB2_6:
0x1f7: {  	s0 =	sshll.u32 s22, $0x5  }
0x1f8: {  	s0 =	sor.u32 s5, s0  }
0x1f9: {  	s0 =	smul.u32 $0x19000, s0;
	_ =	sdelay $0x1  }
0x1fa: {  	s23 =	sshrl.u32 s0, $0x3  }
.Ltmp6:
0x1fb: {  	s0 =	sadd.s32 s8, s23;
	(pc) =	sbr.rel @p0 .LBB2_11-.Ltmp6, $4  }
0x1fc: {  	[tilespmem:s17], [sflag:$0x1] =	stream.linear.gather [hbm4b:s0+s7], $0x19000, $0x38;
	[tilespmem:$0x1DB00] =	vst v63  }
0x1fd: {  	vm10 =	vcmask $0x3F3C;
	_ =	swait.ge [sflag:s13], $0x19000  }
0x1fe: {  	vm9 =	vmmov vm0;
	vm12 =	vcmask $0x2B28;
	vm5 =	vcmask $0x3B38;
	[sflag:s13] =	ssyncset.done $0x0  }
0x1ff: {  	vm0 =	vcmask $0x3734;
	vm1 =	vcmask $0x1310;
	vm8 =	vcmask $0x1B18;
	[sflag:s13] =	ssyncadd.s32 $0xFFFE7000  }
0x200: {  	s0 =	smul.u32 $0xC800, s22;
	_ =	sdelay $0x1  }
0x201: {  	v32 =	vmov s0  }
0x202: {  	s24 =	simm.s32 $0x0;
	s25 =	simm.s32 $0x0;
	s26 =	simm.s32 $0x0;
	v33 =	vadd.s32 $0xC800, v32  }
.LBB2_8:
0x203: {  	s0 =	sshll.u32 s26, $0xA  }
0x204: {  	s0 =	sadd.s32 s12, s0  }
0x205: {  	s0 =	sshrl.u32 s0, $0x3  }
0x206: {  	s1 =	sadd.s32 s6, s0  }
0x207: {  	[tilespmem:s14], [sflag:$0x1] =	stream.linear.gather [hbm4b:s1+s24], $0x400, $0x38;
	[tilespmem:$0x1DB00] =	vst v63  }
0x208: {  	_ =	swait.ge [sflag:s13], $0x400  }
0x209: {  	[sflag:s13] =	ssyncset.done $0x0  }
0x20a: {  	s0 =	sadd.s32 s10, s0;
	[sflag:s13] =	ssyncadd.s32 $0xFFFFFC00  }
0x20b: {  	[tilespmem:s15], [sflag:$0x1] =	stream.linear.gather [hbm4b:s0+s24], $0x400, $0x38;
	[tilespmem:$0x1DB00] =	vst v63  }
0x20c: {  	_ =	swait.ge [sflag:s13], $0x400  }
0x20d: {  	[sflag:s13] =	ssyncset.done $0x0  }
0x20e: {  	s31 =	simm.s32 $0x0;
	[sflag:s13] =	ssyncadd.s32 $0xFFFFFC00  }
0x20f: {  	v34 =	vld [tilespmem:s31+$0x1D300];
	_ =	sdelay $0x3  }
0x210: {  	v35 =	vor.u32 s25, v2  }
0x211: {  	vm15 =	vlt.s32 v35, v31;
	vm2 =	vlt.s32 v34, v33  }
0x212: {  	vm4 =	vge.s32 v34, v32;
	vm15 =	vmand vm2, vm15  }
0x213: {  	v34 =	vsub.s32 v34, v32;
	vm4 =	vmand vm15, vm4  }
0x214: {  	v34 =	vnsel vm4, $0x0, v34  }
0x215: {  	v50 =	vshra.s32 v34, $0x1F  }
0x216: {  	v35 =	vshrl.u32 v50, $0x1A  }
0x217: {  	v35 =	vadd.s32 v35, v34  }
0x218: {  	v37 =	vimm.s32 $0x0;
	v35 =	vshra.s32 v35, $0x6  }
0x219: {  	v52 =	vimm.s32 $0x0;
	vm2 =	vmmov $0x1;
	v36 =	vshll.u32 v35, $0x6  }
0x21a: {  	v37 =	vsel vm2, $0xFFFFFFFF, v37;
	vm6 =	vmand vm4, vm2;
	v34 =	vsub.s32 v34, v36  }
0x21b: {  	vm2 =	vmand vm4, vm7;
	v35 =	vshll.u32 v35, $0x7;
	v36 =	vand.u32 $0xFFFFFF80, v34  }
0x21c: {  	v35 =	vadd.s32 v36, v35;
	v36 =	vsel vm2, $0xFFFFFFFF, v52  }
0x21d: {  	v51 =	vand.u32 $0x7F, v34;
	v34 =	vld [tilespmem:s31+$0x1D700];
	[tilespmem:$0x1FF70] =	vst v36  }
0x21e: {  	v35 =	vor.u32 v51, v35;
	v55 =	vld [tilespmem:$0x1FF70];
	_ =	sdelay $0x3  }
0x21f: {  	vm2 =	vcmask $0xF0C  }
0x220: {  	v53 =	vimm.s32 $0x0;
	vm2 =	vmand vm4, vm2;
	[tilespmem:v35+s17+$0x0] =	vst.idx.add.f32.msk vm6, v34;
	vm6 =	vnez.u8 v55  }
0x221: {  	v36 =	vsel vm2, $0xFFFFFFFF, v53  }
0x222: {  	vm3 =	vmand vm4, vm11;
	[tilespmem:$0x1FF80] =	vst v36  }
0x223: {  	v57 =	vld [tilespmem:$0x1FF80];
	_ =	sdelay $0x1  }
0x224: {  	v54 =	vimm.s32 $0x0;
	vm2 =	vmand vm4, vm1  }
0x225: {  	v56 =	vimm.s32 $0x0;
	v36 =	vsel vm2, $0xFFFFFFFF, v54;
	[tilespmem:v35+s17+$0x0] =	vst.idx.add.f32.msk vm6, v34;
	vm6 =	vmand vm4, vm14  }
0x226: {  	[tilespmem:$0x1FF90] =	vst v36;
	v36 =	vsel vm6, $0xFFFFFFFF, v56  }
0x227: {  	[tilespmem:v35+s17+$0x0] =	vst.idx.add.f32.msk vm3, v34;
	vm3 =	vmmov vm9;
	vm6 =	vmand vm4, vm9;
	vm9 =	vnez.u8 v57;
	_ =	sdelay $0x2  }
0x228: {  	v59 =	vld [tilespmem:$0x1FF90];
	_ =	sdelay $0x2  }
0x229: {  	[tilespmem:v35+s17+$0x0] =	vst.idx.add.f32.msk vm9, v34;
	vm9 =	vcmask $0x2724  }
0x22a: {  	v58 =	vimm.s32 $0x0;
	vm9 =	vmand vm4, vm9  }
0x22b: {  	[tilespmem:$0x1FFA0] =	vst v36;
	v36 =	vsel vm9, $0xFFFFFFFF, v58;
	vm9 =	vnez.u8 v59  }
0x22c: {  	vm2 =	vmand vm4, vm13;
	_ =	sdelay $0x2  }
0x22d: {  	vm15 =	vmand vm4, vm8  }
0x22e: {  	v61 =	vld [tilespmem:$0x1FFA0]  }
0x22f: {  	[tilespmem:v35+s17+$0x0] =	vst.idx.add.f32.msk vm9, v34  }
0x230: {  	[tilespmem:v35+s17+$0x0] =	vst.idx.add.f32.msk vm2, v34;
	vm2 =	vcmask $0x2F2C  }
0x231: {  	v60 =	vimm.s32 $0x0;
	vm2 =	vmand vm4, vm2  }
0x232: {  	[tilespmem:$0x1FFB0] =	vst v36;
	v36 =	vsel vm2, $0xFFFFFFFF, v60;
	vm2 =	vcmask $0x3330  }
0x233: {  	[tilespmem:v35+s17+$0x0] =	vst.idx.add.f32.msk vm15, v34;
	vm15 =	vmand vm4, vm2;
	vm2 =	vnez.u8 v61  }
0x234: {  	v62 =	vld [tilespmem:$0x1FFB0];
	_ =	sdelay $0x3  }
0x235: {  	[tilespmem:$0x1FFC0] =	vst v36  }
0x236: {  	[tilespmem:v35+s17+$0x0] =	vst.idx.add.f32.msk vm2, v34;
	vm2 =	vmand vm4, vm0;
	vm0 =	vnez.u8 v62  }
0x237: {  	v63 =	vld [tilespmem:$0x1FFC0];
	_ =	sdelay $0x3  }
0x238: {  	vm9 =	vmand vm4, vm12;
	[tilespmem:v35+s17+$0x0] =	vst.idx.add.f32.msk vm6, v34  }
0x239: {  	[tilespmem:v35+s17+$0x0] =	vst.idx.add.f32.msk vm0, v34;
	vm0 =	vnez.u8 v63;
	_ =	sdelay $0x2  }
0x23a: {  	vm5 =	vmand vm4, vm5  }
0x23b: {  	[tilespmem:$0x1FF60] =	vst v37  }
0x23c: {  	[tilespmem:v35+s17+$0x0] =	vst.idx.add.f32.msk vm9, v34  }
0x23d: {  	[tilespmem:v35+s17+$0x0] =	vst.idx.add.f32.msk vm0, v34  }
0x23e: {  	[tilespmem:v35+s17+$0x0] =	vst.idx.add.f32.msk vm15, v34  }
0x23f: {  	vm4 =	vmand vm4, vm10;
	[tilespmem:v35+s17+$0x0] =	vst.idx.add.f32.msk vm2, v34  }
0x240: {  	s3 =	simm.s32 $0x80;
	s1 =	simm.s32 $0x40;
	s0 =	smov.u32 s25;
	vm0 =	vmmov vm12;
	vm15 =	vmmov vm1;
	vm2 =	vmmov vm8;
	[tilespmem:v35+s17+$0x0] =	vst.idx.add.f32.msk vm5, v34  }
.LBB2_9:
0x241: {  	_ =	sdelay $0x3  }
0x242: {  	s4 =	sshra.s32 s1, $0x2;
	[tilespmem:v35+s17+$0x0] =	vst.idx.add.f32.msk vm4, v34  }
0x243: {  	v34 =	vld [tilespmem:s4+$0x1D300];
	_ =	sdelay $0x2  }
0x244: {  	s0 =	sadd.s32 $0x10, s0  }
0x245: {  	v61 =	vor.u32 s0, v2  }
0x246: {  	vm5 =	vlt.s32 v61, v31;
	vm4 =	vlt.s32 v34, v33  }
0x247: {  	vm6 =	vge.s32 v34, v32;
	vm4 =	vmand vm4, vm5  }
0x248: {  	v34 =	vsub.s32 v34, v32;
	vm4 =	vmand vm4, vm6  }
0x249: {  	v34 =	vnsel vm4, $0x0, v34  }
0x24a: {  	v62 =	vshra.s32 v34, $0x1F  }
0x24b: {  	v37 =	vld [tilespmem:$0x1FF60];
	v35 =	vshrl.u32 v62, $0x1A  }
0x24c: {  	v35 =	vadd.s32 v35, v34  }
0x24d: {  	v35 =	vshra.s32 v35, $0x6  }
0x24e: {  	v36 =	vshll.u32 v35, $0x6  }
0x24f: {  	v34 =	vsub.s32 v34, v36  }
0x250: {  	vm1 =	vnez.u8 v37;
	v35 =	vshll.u32 v35, $0x7;
	v36 =	vand.u32 $0xFFFFFF80, v34  }
0x251: {  	vm5 =	vmand vm4, vm1;
	v63 =	vand.u32 $0x7F, v34;
	v35 =	vadd.s32 v36, v35  }
0x252: {  	vm6 =	vmand vm4, vm7;
	v34 =	vld [tilespmem:s4+$0x1D700];
	v35 =	vor.u32 v63, v35  }
0x253: {  	vm8 =	vmmov vm7;
	vm10 =	vcmask $0xF0C;
	vm7 =	vmand vm4, vm11  }
0x254: {  	vm9 =	vmand vm4, vm10  }
0x255: {  	vm1 =	vmmov vm11;
	vm11 =	vmand vm4, vm15  }
0x256: {  	vm12 =	vmmov vm13;
	vm13 =	vmand vm4, vm13  }
0x257: {  	[tilespmem:v35+s17+$0x0] =	vst.idx.add.f32.msk vm5, v34;
	vm5 =	vmand vm4, vm2  }
0x258: {  	[tilespmem:v35+s17+$0x0] =	vst.idx.add.f32.msk vm6, v34;
	vm6 =	vmand vm4, vm14  }
0x259: {  	[tilespmem:v35+s17+$0x0] =	vst.idx.add.f32.msk vm7, v34;
	vm7 =	vmand vm4, vm3  }
0x25a: {  	[tilespmem:v35+s17+$0x0] =	vst.idx.add.f32.msk vm9, v34;
	vm9 =	vcmask $0x2724  }
0x25b: {  	vm9 =	vmand vm4, vm9;
	[tilespmem:v35+s17+$0x0] =	vst.idx.add.f32.msk vm11, v34  }
0x25c: {  	vm11 =	vmand vm4, vm0;
	[tilespmem:v35+s17+$0x0] =	vst.idx.add.f32.msk vm13, v34;
	vm13 =	vcmask $0x2F2C  }
0x25d: {  	vm13 =	vmand vm4, vm13;
	[tilespmem:v35+s17+$0x0] =	vst.idx.add.f32.msk vm5, v34;
	vm5 =	vcmask $0x3330  }
0x25e: {  	vm5 =	vmand vm4, vm5;
	[tilespmem:v35+s17+$0x0] =	vst.idx.add.f32.msk vm6, v34;
	vm6 =	vcmask $0x3734  }
0x25f: {  	vm6 =	vmand vm4, vm6;
	[tilespmem:v35+s17+$0x0] =	vst.idx.add.f32.msk vm7, v34;
	vm7 =	vcmask $0x3B38  }
0x260: {  	vm7 =	vmand vm4, vm7  }
0x261: {  	p1 =	sne.s32 s3, $0xFC0;
	[tilespmem:v35+s17+$0x0] =	vst.idx.add.f32.msk vm9, v34  }
.Ltmp7:
0x262: {  	[tilespmem:v35+s17+$0x0] =	vst.idx.add.f32.msk vm11, v34;
	(pc) =	sbr.rel @p1 .LBB2_9-.Ltmp7, $4  }
0x263: {  	[tilespmem:v35+s17+$0x0] =	vst.idx.add.f32.msk vm13, v34  }
0x264: {  	vm9 =	vcmask $0x3F3C;
	[tilespmem:v35+s17+$0x0] =	vst.idx.add.f32.msk vm5, v34  }
0x265: {  	s2 =	sadd.s32 $0x40, s3;
	vm4 =	vmand vm4, vm9;
	[tilespmem:v35+s17+$0x0] =	vst.idx.add.f32.msk vm6, v34  }
0x266: {  	s1 =	smov.u32 s3;
	s3 =	smov.u32 s2;
	vm11 =	vmmov vm1;
	vm13 =	vmmov vm12;
	[tilespmem:v35+s17+$0x0] =	vst.idx.add.f32.msk vm7, v34;
	vm7 =	vmmov vm8  }
0x267: {  	_ =	sdelay $0x4  }
0x268: {  	s1 =	sshra.s32 s1, $0x2;
	[tilespmem:v35+s17+$0x0] =	vst.idx.add.f32.msk vm4, v34  }
0x269: {  	v34 =	vld [tilespmem:s1+$0x1D300];
	_ =	sdelay $0x2  }
0x26a: {  	s0 =	sadd.s32 $0x10, s0  }
0x26b: {  	v60 =	vor.u32 s0, v2  }
0x26c: {  	vm5 =	vlt.s32 v60, v31;
	vm4 =	vlt.s32 v34, v33  }
0x26d: {  	vm6 =	vge.s32 v34, v32;
	vm4 =	vmand vm4, vm5  }
0x26e: {  	v34 =	vsub.s32 v34, v32;
	vm4 =	vmand vm4, vm6  }
0x26f: {  	v34 =	vnsel vm4, $0x0, v34  }
0x270: {  	v61 =	vshra.s32 v34, $0x1F  }
0x271: {  	v37 =	vld [tilespmem:$0x1FF60];
	v35 =	vshrl.u32 v61, $0x1A  }
0x272: {  	v35 =	vadd.s32 v35, v34  }
0x273: {  	v35 =	vshra.s32 v35, $0x6  }
0x274: {  	v36 =	vshll.u32 v35, $0x6  }
0x275: {  	v34 =	vsub.s32 v34, v36  }
0x276: {  	vm5 =	vnez.u8 v37;
	v35 =	vshll.u32 v35, $0x7;
	v36 =	vand.u32 $0xFFFFFF80, v34  }
0x277: {  	vm5 =	vmand vm4, vm5;
	v34 =	vand.u32 $0x7F, v34;
	v35 =	vadd.s32 v36, v35  }
0x278: {  	v62 =	vld [tilespmem:s1+$0x1D700];
	vm6 =	vmand vm4, vm7;
	v34 =	vor.u32 v34, v35  }
0x279: {  	v63 =	vimm.s32 $0x0;
	vm7 =	vmand vm4, vm11;
	vm2 =	vmand vm4, vm2  }
0x27a: {  	vm9 =	vmand vm4, vm10;
	v35 =	vsel vm2, $0xFFFFFFFF, v63  }
0x27b: {  	vm11 =	vmand vm4, vm15;
	[tilespmem:$0x1FF50] =	vst v35  }
0x27c: {  	vm13 =	vmand vm4, vm12;
	v35 =	vld [tilespmem:$0x1FF50]  }
0x27d: {  	[tilespmem:v34+s17+$0x0] =	vst.idx.add.f32.msk vm5, v62  }
0x27e: {  	[tilespmem:v34+s17+$0x0] =	vst.idx.add.f32.msk vm6, v62  }
0x27f: {  	[tilespmem:v34+s17+$0x0] =	vst.idx.add.f32.msk vm7, v62  }
0x280: {  	[tilespmem:v34+s17+$0x0] =	vst.idx.add.f32.msk vm9, v62  }
0x281: {  	vm5 =	vmmov vm0;
	[tilespmem:v34+s17+$0x0] =	vst.idx.add.f32.msk vm11, v62;
	vm11 =	vmand vm4, vm0;
	vm0 =	vcmask $0x2F2C  }
0x282: {  	[tilespmem:v34+s17+$0x0] =	vst.idx.add.f32.msk vm13, v62;
	vm13 =	vmand vm4, vm0;
	vm0 =	vnez.u8 v35  }
0x283: {  	vm2 =	vmand vm4, vm14  }
0x284: {  	vm6 =	vmmov vm3;
	vm7 =	vmand vm4, vm3;
	vm3 =	vcmask $0x2724  }
0x285: {  	vm10 =	vmand vm4, vm3;
	_ =	sdelay $0x2  }
0x286: {  	[tilespmem:v34+s17+$0x0] =	vst.idx.add.f32.msk vm0, v62;
	vm0 =	vcmask $0x3330  }
0x287: {  	vm9 =	vcmask $0x3734;
	vm0 =	vmand vm4, vm0;
	[tilespmem:v34+s17+$0x0] =	vst.idx.add.f32.msk vm2, v62  }
0x288: {  	vm14 =	vmand vm4, vm9;
	vm2 =	vcmask $0x3B38;
	[tilespmem:v34+s17+$0x0] =	vst.idx.add.f32.msk vm7, v62  }
0x289: {  	vm7 =	vmand vm4, vm2;
	[tilespmem:v34+s17+$0x0] =	vst.idx.add.f32.msk vm10, v62;
	vm10 =	vcmask $0x3F3C  }
0x28a: {  	s26 =	sadd.s32 $0x1, s26;
	vm4 =	vmand vm4, vm10  }
0x28b: {  	p1 =	sne.s32 s26, s21;
	[tilespmem:v34+s17+$0x0] =	vst.idx.add.f32.msk vm11, v62  }
.Ltmp8:
0x28c: {  	[tilespmem:v34+s17+$0x0] =	vst.idx.add.f32.msk vm13, v62;
	(pc) =	sbr.rel @p1 .LBB2_8-.Ltmp8, $4  }
.Ltmp9:
0x28d: {  	vm11 =	vmmov vm1;
	[tilespmem:v34+s17+$0x0] =	vst.idx.add.f32.msk vm0, v62;
	(pc) =	sbr.rel @!p1 .LBB2_11-.Ltmp9, $4  }
0x28e: {  	vm1 =	vcmask $0x1310;
	vm13 =	vmmov vm12;
	vm12 =	vmmov vm5;
	[tilespmem:v34+s17+$0x0] =	vst.idx.add.f32.msk vm14, v62  }
0x28f: {  	vm5 =	vmmov vm2;
	vm0 =	vmmov vm9;
	vm9 =	vmmov vm6;
	[tilespmem:v34+s17+$0x0] =	vst.idx.add.f32.msk vm7, v62  }
0x290: {  	s25 =	sadd.s32 $0x400, s25;
	vm14 =	vcmask $0x1F1C;
	vm7 =	vmmov vm8;
	vm8 =	vcmask $0x1B18;
	[tilespmem:v34+s17+$0x0] =	vst.idx.add.f32.msk vm4, v62  }
0x291: {  	_ = 	snop  }
.LBB2_13:
0x292: {  	_ =	sfence.sel $0x180000  }
0x293: {  	[bflag:$0x0] =	sbarrier.arrive $0xFFFF  }
0x294: {  	_ =	strace $0x90000047  }
0x295: {  	s0 =	stileid.u32;
	[bflag:$0x2] =	sbarrier.arrive $0xFFFF  }
0x296: {  	p0 =	sne.s32 s0, $0x0;
	s0 =	rddreg [dreg:$0x2]  }
0x297: {  	s0 =	sadd.s32 @!p0 $0x100000, s0  }
0x298: {  	[sflag:s0] =	ssyncadd.tile.s32 @!p0 $0x1;
	_ =	shalt  }
.Lfunc_end2:
_tile_overlayer_lowered:
.L_overlay_start_2:
0x299: {  	(tag) =	ssettag $0x2  }
0x29a: {  	s0 =	rddreg [dreg:$0x0];
	s2 =	stileid.u32  }
0x29b: {  	s1 =	rddreg [dreg:$0x1];
	p0 =	sne.s32 s2, $0x0  }
0x29c: {  	s3 =	rddreg [dreg:$0x2];
	[bflag:$0x3] =	sbarrier.arrive $0xFFFF;
	s2 =	simm.s32 @!p0 $0x1C01  }
0x29d: {  	[timem:s3], [sflag:s2] =	dma.local @!p0 [hbm:s0], s1  }
0x29e: {  	s0 =	simm.s32 @!p0 $0x1  }
0x29f: {  	_ =	swait.ge @!p0 [sflag:s0], s1  }
0x2a0: {  	s1 =	ssub.s32 @!p0 $0x0, s1;
	[sflag:s0] =	ssyncset.done @!p0 $0x0  }
0x2a1: {  	[sflag:s0] =	ssyncadd.s32 @!p0 s1  }
0x2a2: {  	[bflag:$0x3] =	sbarrier.arrive $0xFFFF  }
0x2a3: {  	_ =	shalt  }

</sc_bundles>
